<compile_context>
chip_gen: v7x
topology: tpu7x:2x2x1
jax: 0.10.2.dev20260603
libtpu: 0.0.44.dev20260713+nightly
codegen_flags: <defaults>
</compile_context>

<pallas_src>
import functools

import jax
import jax.numpy as jnp
from jax import lax
from jax.experimental import pallas as pl
from jax.experimental.pallas import tpu as pltpu
from jax.experimental.pallas import tpu_sc as plsc

NUM_CORES = 2
NUM_SUB = 16
NUM_TILES = NUM_CORES * NUM_SUB
LANES = 16
CHUNK = 512
CH0 = 10
CH1 = 10


def _sc_mesh():
    return plsc.VectorSubcoreMesh(core_axis_name="c", subcore_axis_name="s")


_SC_PARAMS = pltpu.CompilerParams(
    use_tc_tiling_on_sc=False, needs_layout_passes=False
)


def _rsqrt16(x):
    i = plsc.bitcast(x, jnp.int32)
    y = plsc.bitcast(jnp.int32(0x5F3759DF) - jnp.right_shift(i, 1),
                     jnp.float32)
    for _ in range(3):
        y = y * (1.5 - 0.5 * x * y * y)
    return y


def _sc_degree(dst2, ones_rows, n_pad):
    rows_per_sub = n_pad // NUM_SUB

    @functools.partial(
        pl.kernel,
        out_type=jax.ShapeDtypeStruct((NUM_CORES, n_pad, LANES), jnp.float32),
        mesh=_sc_mesh(),
        compiler_params=_SC_PARAMS,
        scratch_types=[
            pltpu.VMEM((max(CH0, CH1), CHUNK), jnp.int32),
            pltpu.VMEM((max(CHUNK, rows_per_sub), LANES), jnp.float32),
            pltpu.VMEM_SHARED((n_pad, LANES), jnp.float32),
            pltpu.SemaphoreType.DMA,
        ],
    )
    def k(dst_h, ones_h, out_h, di_v, ones_v, acc_sh, sem):
        c = lax.axis_index("c")
        s = lax.axis_index("s")
        sl = pl.ds(s * rows_per_sub, rows_per_sub)
        pltpu.sync_copy(ones_h, ones_v)
        pltpu.sync_copy(ones_v.at[pl.ds(0, rows_per_sub)], acc_sh.at[sl])
        plsc.subcore_barrier()

        def scatter_ones(ch_n, base):
            pltpu.sync_copy(dst_h.at[pl.ds(base, ch_n)],
                            di_v.at[pl.ds(0, ch_n)])

            @pl.loop(0, ch_n)
            def _(j):
                pltpu.async_copy(ones_v.at[pl.ds(0, CHUNK)],
                                 acc_sh.at[di_v.at[j]], sem, add=True)

            @pl.loop(0, ch_n)
            def _(j):
                pltpu.make_async_copy(ones_v.at[pl.ds(0, CHUNK)],
                                      acc_sh.at[di_v.at[j]], sem).wait()

        @pl.when(c == 0)
        def _():
            scatter_ones(CH0, s * CH0)

        @pl.when(c == 1)
        def _():
            scatter_ones(CH1, NUM_SUB * CH0 + s * CH1)

        plsc.subcore_barrier()
        pltpu.sync_copy(acc_sh.at[sl], out_h.at[c, sl])

    return k(dst2, ones_rows)


def _sc_aggregate(src2, dst2, degp, feat, prevp=None, b1r=None):
    n_pad = degp.shape[1]
    rows_per_sub = n_pad // NUM_SUB
    first_layer = prevp is None

    extra_in = () if first_layer else (prevp, b1r)
    extra_scratch = () if first_layer else (
        pltpu.VMEM((rows_per_sub, LANES), jnp.float32),
        pltpu.VMEM((rows_per_sub, LANES), jnp.float32),
        pltpu.VMEM((LANES,), jnp.float32),
    )

    @functools.partial(
        pl.kernel,
        out_type=(
            jax.ShapeDtypeStruct((NUM_CORES, n_pad, LANES), jnp.float32),
            jax.ShapeDtypeStruct((n_pad, LANES), jnp.float32),
        ),
        mesh=_sc_mesh(),
        compiler_params=_SC_PARAMS,
        scratch_types=[
            pltpu.VMEM((max(CH0, CH1), CHUNK), jnp.int32),
            pltpu.VMEM((max(CH0, CH1), CHUNK), jnp.int32),
            pltpu.VMEM((CHUNK, LANES), jnp.float32),
            pltpu.VMEM((CHUNK, LANES), jnp.float32),
            pltpu.VMEM((rows_per_sub, LANES), jnp.float32),
            pltpu.VMEM((rows_per_sub, LANES), jnp.float32),
            pltpu.VMEM((rows_per_sub, LANES), jnp.float32),
            *extra_scratch,
            pltpu.VMEM_SHARED((n_pad, LANES), jnp.float32),
            pltpu.SemaphoreType.DMA,
            pltpu.SemaphoreType.DMA,
        ],
    )
    def k(src_h, dst_h, degp_h, feat_h, *rest):
        if first_layer:
            (out_h, tbl_h, si_v, di_v, rows0, rows1, d0_v, d1_v, f_v,
             acc_sh, sem0, sem1) = rest
            p0_v = p1_v = b_v = prevp_h = b1_h = None
        else:
            (prevp_h, b1_h, out_h, tbl_h, si_v, di_v, rows0, rows1, d0_v,
             d1_v, f_v, p0_v, p1_v, b_v, acc_sh, sem0, sem1) = rest
        c = lax.axis_index("c")
        s = lax.axis_index("s")
        sl = pl.ds(s * rows_per_sub, rows_per_sub)

        pltpu.sync_copy(degp_h.at[0, sl], d0_v)
        pltpu.sync_copy(degp_h.at[1, sl], d1_v)
        pltpu.sync_copy(feat_h.at[sl], f_v)
        if not first_layer:
            pltpu.sync_copy(prevp_h.at[0, sl], p0_v)
            pltpu.sync_copy(prevp_h.at[1, sl], p1_v)
            pltpu.sync_copy(b1_h, b_v)

        @pl.loop(0, rows_per_sub)
        def _(r):
            deg = d0_v[r] + d1_v[r] - 1.0
            dis = _rsqrt16(deg)
            if first_layer:
                val = f_v[r] * dis
            else:
                agg = p0_v[r] + p1_v[r] - f_v[r]
                z = agg * dis + b_v[...]
                val = jnp.maximum(z, 0.0) * dis
            f_v[r] = val

        pltpu.sync_copy(f_v, tbl_h.at[sl])
        pltpu.sync_copy(f_v, acc_sh.at[sl])
        plsc.subcore_barrier()

        def run_edges(ch_n, base):
            pltpu.sync_copy(src_h.at[pl.ds(base, ch_n)],
                            si_v.at[pl.ds(0, ch_n)])
            pltpu.sync_copy(dst_h.at[pl.ds(base, ch_n)],
                            di_v.at[pl.ds(0, ch_n)])

            pltpu.async_copy(tbl_h.at[si_v.at[0]], rows0, sem0)

            @pl.when(ch_n > 1)
            def _():
                pltpu.async_copy(tbl_h.at[si_v.at[1]], rows1, sem1)

            @pl.loop(0, ch_n, step=2)
            def _(j):
                pltpu.make_async_copy(tbl_h.at[si_v.at[j]], rows0,
                                      sem0).wait()
                pltpu.sync_copy(rows0, acc_sh.at[di_v.at[j]], add=True)

                @pl.when(j + 2 < ch_n)
                def _():
                    pltpu.async_copy(tbl_h.at[si_v.at[j + 2]], rows0, sem0)

                @pl.when(j + 1 < ch_n)
                def _():
                    pltpu.make_async_copy(tbl_h.at[si_v.at[j + 1]], rows1,
                                          sem1).wait()
                    pltpu.sync_copy(rows1, acc_sh.at[di_v.at[j + 1]],
                                    add=True)

                    @pl.when(j + 3 < ch_n)
                    def _():
                        pltpu.async_copy(tbl_h.at[si_v.at[j + 3]], rows1,
                                         sem1)

        @pl.when(c == 0)
        def _():
            run_edges(CH0, s * CH0)

        @pl.when(c == 1)
        def _():
            run_edges(CH1, NUM_SUB * CH0 + s * CH1)

        plsc.subcore_barrier()
        pltpu.sync_copy(acc_sh.at[sl], out_h.at[c, sl])

    return k(src2, dst2, degp, feat, *extra_in)


def _tc_mm1(x, w1, n_pad):
    d_in = x.shape[1]
    blk = 2560

    def body(x_ref, w_ref, h_ref):
        h_ref[...] = jnp.dot(x_ref[...], w_ref[...],
                             preferred_element_type=jnp.float32)

    return pl.pallas_call(
        body,
        grid=(n_pad // blk,),
        in_specs=[
            pl.BlockSpec((blk, d_in), lambda i: (i, 0)),
            pl.BlockSpec((d_in, LANES), lambda i: (0, 0)),
        ],
        out_specs=pl.BlockSpec((blk, LANES), lambda i: (i, 0)),
        out_shape=jax.ShapeDtypeStruct((n_pad, LANES), jnp.float32),
    )(x, w1)


def _tc_post(degp, aggp, tbl, w2, b2r, n):
    d_out = w2.shape[1]
    blk = 2000

    def body(d_ref, a_ref, t_ref, w_ref, b_ref, o_ref):
        deg = d_ref[0] + d_ref[1] - 1.0
        dis = lax.rsqrt(deg)
        gsc = (a_ref[0] + a_ref[1] - t_ref[...]) * dis
        o_ref[...] = (
            jnp.dot(gsc, w_ref[...], preferred_element_type=jnp.float32)
            + b_ref[...]
        )

    return pl.pallas_call(
        body,
        grid=(n // blk,),
        in_specs=[
            pl.BlockSpec((NUM_CORES, blk, LANES), lambda i: (0, i, 0)),
            pl.BlockSpec((NUM_CORES, blk, LANES), lambda i: (0, i, 0)),
            pl.BlockSpec((blk, LANES), lambda i: (i, 0)),
            pl.BlockSpec((LANES, d_out), lambda i: (0, 0)),
            pl.BlockSpec((1, d_out), lambda i: (0, 0)),
        ],
        out_specs=pl.BlockSpec((blk, d_out), lambda i: (i, 0)),
        out_shape=jax.ShapeDtypeStruct((n, d_out), jnp.float32),
    )(degp, aggp, tbl, w2, b2r)


def kernel(x, edge_index, W1, b1, W2, b2):
    n, _ = x.shape
    e = edge_index.shape[1]

    n_pad = ((n + NUM_TILES * NUM_SUB - 1) // (NUM_TILES * NUM_SUB)) * (
        NUM_TILES * NUM_SUB
    )
    per_pair = (CH0 + CH1) * CHUNK
    e_pad = ((e + NUM_SUB * per_pair - 1) // (NUM_SUB * per_pair)) * (
        NUM_SUB * per_pair
    )
    n_chunks = e_pad // CHUNK

    pad_idx = n + jnp.arange(e_pad - e, dtype=edge_index.dtype) % (n_pad - n)
    ei2 = jnp.concatenate(
        [edge_index, jnp.broadcast_to(pad_idx, (2, e_pad - e))], axis=1
    ).reshape(2, n_chunks, CHUNK)
    src2 = ei2[0]
    dst2 = ei2[1]

    ones_rows = jnp.ones((max(CHUNK, n_pad // NUM_SUB), LANES), jnp.float32)

    degp = _sc_degree(dst2, ones_rows, n_pad)
    h1 = _tc_mm1(x, W1, n_pad)
    aggp1, tbl1 = _sc_aggregate(src2, dst2, degp, h1)
    aggp2, tbl2 = _sc_aggregate(
        src2, dst2, degp, tbl1, prevp=aggp1, b1r=b1
    )
    out = _tc_post(degp, aggp2, tbl2, W2, b2.reshape(1, -1), n)
    return out

# --- scband reference (transcript-rebuilt; emitter-appended) ---
"""Pipeline reference for scband-gcnleiden-75153337745422 (READ-ONLY COPY).

The authoritative reference and input builder live on the scoring server;
editing this copy changes nothing except your own understanding.
"""

import jax, jax.numpy as jnp
import numpy as np

N = 10000
E = 160000
D_IN = 256
D_HID = 16
D_OUT = 256


def setup_inputs(seed: int = 0) -> dict:
    key = jax.random.key(seed)
    k1, k2, k3, k4 = jax.random.split(key, 4)
    x = jax.random.normal(k1, (N, D_IN), dtype=jnp.float32)
    edge_index = jax.random.randint(k2, (2, E), 0, N, dtype=jnp.int32)
    # GCNConv learned params (glorot-ish init)
    W1 = jax.random.normal(k3, (D_IN, D_HID), dtype=jnp.float32) * (1.0 / np.sqrt(D_IN))
    b1 = jnp.zeros((D_HID,), dtype=jnp.float32)
    W2 = jax.random.normal(k4, (D_HID, D_OUT), dtype=jnp.float32) * (1.0 / np.sqrt(D_HID))
    b2 = jnp.zeros((D_OUT,), dtype=jnp.float32)
    return {"x": x, "edge_index": edge_index, "W1": W1, "b1": b1, "W2": W2, "b2": b2}


def _gcn_conv(x, src, dst, W, b, num_nodes):
    # PyG GCNConv: linear transform, add self-loops, symmetric normalization, sum-aggregate, bias.
    h = x @ W
    deg = jnp.zeros((num_nodes,), dtype=jnp.float32).at[dst].add(1.0)
    deg_inv_sqrt = jnp.where(deg > 0, 1.0 / jnp.sqrt(deg), 0.0)
    norm = deg_inv_sqrt[src] * deg_inv_sqrt[dst]
    msg = h[src] * norm[:, None]
    out = jnp.zeros((num_nodes, h.shape[1]), dtype=h.dtype).at[dst].add(msg)
    return out + b


def reference(x, edge_index, W1, b1, W2, b2):
    num_nodes = x.shape[0]
    sl = jnp.arange(num_nodes, dtype=edge_index.dtype)
    src = jnp.concatenate([edge_index[0], sl])
    dst = jnp.concatenate([edge_index[1], sl])
    h = _gcn_conv(x, src, dst, W1, b1, num_nodes)
    h = jax.nn.relu(h)
    out = _gcn_conv(h, src, dst, W2, b2, num_nodes)
    return out

if __name__ == "__main__":
    import jax
    _d = setup_inputs()
    print(jax.jit(kernel)(*tuple(_d.values())))

</pallas_src>

<mosaic_0001>
#map = affine_map<(d0, d1) -> (0, 0)>
#map1 = affine_map<(d0, d1) -> (0, 0, 0)>
#map2 = affine_map<(d0, d1) -> (0)>
module attributes {stable_mosaic.version = 14 : i64} {
  func.func @k(%arg0: i32, %arg1: i32, %arg2: memref<320x512xi32, #tpu.memory_space<hbm>>, %arg3: memref<320x512xi32, #tpu.memory_space<hbm>>, %arg4: memref<2x10240x16xf32, #tpu.memory_space<hbm>>, %arg5: memref<10240x16xf32, #tpu.memory_space<hbm>>, %arg6: memref<2x10240x16xf32, #tpu.memory_space<hbm>>, %arg7: memref<16xf32, #tpu.memory_space<hbm>>, %arg8: memref<2x10240x16xf32, #tpu.memory_space<hbm>>, %arg9: memref<10240x16xf32, #tpu.memory_space<hbm>>, %arg10: memref<10x512xi32, #tpu.memory_space<vmem>>, %arg11: memref<10x512xi32, #tpu.memory_space<vmem>>, %arg12: memref<512x16xf32, #tpu.memory_space<vmem>>, %arg13: memref<512x16xf32, #tpu.memory_space<vmem>>, %arg14: memref<640x16xf32, #tpu.memory_space<vmem>>, %arg15: memref<640x16xf32, #tpu.memory_space<vmem>>, %arg16: memref<640x16xf32, #tpu.memory_space<vmem>>, %arg17: memref<640x16xf32, #tpu.memory_space<vmem>>, %arg18: memref<640x16xf32, #tpu.memory_space<vmem>>, %arg19: memref<16xf32, #tpu.memory_space<vmem>>, %arg20: memref<10240x16xf32, #tpu.memory_space<vmem_shared>>, %arg21: memref<!tpu.dma_semaphore, #tpu.memory_space<semaphore_mem>>, %arg22: memref<!tpu.dma_semaphore, #tpu.memory_space<semaphore_mem>>) attributes {dimension_semantics = [#tpu.dimension_semantics<core_parallel>, #tpu.dimension_semantics<subcore_parallel>], iteration_bounds = array<i64: 2, 16>, scalar_prefetch = 0 : i64, scratch_operands = 13 : i64, tpu.core_type = #tpu.core_type<sc_vector_subcore>, window_params = [{transform_indices = #map}, {transform_indices = #map}, {transform_indices = #map1}, {transform_indices = #map}, {transform_indices = #map1}, {transform_indices = #map2}, {transform_indices = #map1}, {transform_indices = #map}]} {
    %mul3A = arith.constant 640 : i32
    %mul3A_0 = arith.muli %arg1, %mul3A : i32
    %run_scoped3A = arith.constant 0 : i32
    "tpu.region"() ({
      %run_scoped3A_16 = tpu.sem_alloc : memref<!tpu.dma_semaphore, #tpu.memory_space<semaphore_mem>>
      %dma_start3A = arith.constant 0 : i32
      %dma_start3A_17 = tpu.memref_slice %arg4[%run_scoped3A, %mul3A_0, %dma_start3A] : memref<2x10240x16xf32, #tpu.memory_space<hbm>> -> memref<1x640x16xf32, #tpu.memory_space<hbm>>
      %dma_start3A_18 = tpu.memref_squeeze %dma_start3A_17 : memref<1x640x16xf32, #tpu.memory_space<hbm>> -> memref<640x16xf32, #tpu.memory_space<hbm>>
      %dma_start3A_19 = arith.constant 0 : i32
      %dma_start3A_20 = tpu.memref_slice %arg4[%run_scoped3A, %mul3A_0, %dma_start3A_19] : memref<2x10240x16xf32, #tpu.memory_space<hbm>> -> memref<1x640x16xf32, #tpu.memory_space<hbm>>
      %dma_start3A_21 = tpu.memref_squeeze %dma_start3A_20 : memref<1x640x16xf32, #tpu.memory_space<hbm>> -> memref<640x16xf32, #tpu.memory_space<hbm>>
      tpu.enqueue_dma source(%dma_start3A_21 : memref<640x16xf32, #tpu.memory_space<hbm>>) target(%arg14 : memref<640x16xf32, #tpu.memory_space<vmem>>) target_semaphore(%run_scoped3A_16 : memref<!tpu.dma_semaphore, #tpu.memory_space<semaphore_mem>>)
      %dma_wait3A = arith.constant 0 : i32
      %dma_wait3A_22 = tpu.memref_slice %arg4[%run_scoped3A, %mul3A_0, %dma_wait3A] : memref<2x10240x16xf32, #tpu.memory_space<hbm>> -> memref<1x640x16xf32, #tpu.memory_space<hbm>>
      %dma_wait3A_23 = tpu.memref_squeeze %dma_wait3A_22 : memref<1x640x16xf32, #tpu.memory_space<hbm>> -> memref<640x16xf32, #tpu.memory_space<hbm>>
      %dma_wait3A_24 = arith.constant 0 : i32
      %dma_wait3A_25 = tpu.memref_slice %arg4[%run_scoped3A, %mul3A_0, %dma_wait3A_24] : memref<2x10240x16xf32, #tpu.memory_space<hbm>> -> memref<1x640x16xf32, #tpu.memory_space<hbm>>
      %dma_wait3A_26 = tpu.memref_squeeze %dma_wait3A_25 : memref<1x640x16xf32, #tpu.memory_space<hbm>> -> memref<640x16xf32, #tpu.memory_space<hbm>>
      tpu.wait_dma2 semaphore(%run_scoped3A_16 : memref<!tpu.dma_semaphore, #tpu.memory_space<semaphore_mem>>) src(%dma_wait3A_26 : memref<640x16xf32, #tpu.memory_space<hbm>>) dst(%arg14 : memref<640x16xf32, #tpu.memory_space<vmem>>)
      tpu.yield
    }) : () -> ()
    %run_scoped3A_1 = arith.constant 1 : i32
    "tpu.region"() ({
      %run_scoped3A_16 = tpu.sem_alloc : memref<!tpu.dma_semaphore, #tpu.memory_space<semaphore_mem>>
      %dma_start3A = arith.constant 0 : i32
      %dma_start3A_17 = tpu.memref_slice %arg4[%run_scoped3A_1, %mul3A_0, %dma_start3A] : memref<2x10240x16xf32, #tpu.memory_space<hbm>> -> memref<1x640x16xf32, #tpu.memory_space<hbm>>
      %dma_start3A_18 = tpu.memref_squeeze %dma_start3A_17 : memref<1x640x16xf32, #tpu.memory_space<hbm>> -> memref<640x16xf32, #tpu.memory_space<hbm>>
      %dma_start3A_19 = arith.constant 0 : i32
      %dma_start3A_20 = tpu.memref_slice %arg4[%run_scoped3A_1, %mul3A_0, %dma_start3A_19] : memref<2x10240x16xf32, #tpu.memory_space<hbm>> -> memref<1x640x16xf32, #tpu.memory_space<hbm>>
      %dma_start3A_21 = tpu.memref_squeeze %dma_start3A_20 : memref<1x640x16xf32, #tpu.memory_space<hbm>> -> memref<640x16xf32, #tpu.memory_space<hbm>>
      tpu.enqueue_dma source(%dma_start3A_21 : memref<640x16xf32, #tpu.memory_space<hbm>>) target(%arg15 : memref<640x16xf32, #tpu.memory_space<vmem>>) target_semaphore(%run_scoped3A_16 : memref<!tpu.dma_semaphore, #tpu.memory_space<semaphore_mem>>)
      %dma_wait3A = arith.constant 0 : i32
      %dma_wait3A_22 = tpu.memref_slice %arg4[%run_scoped3A_1, %mul3A_0, %dma_wait3A] : memref<2x10240x16xf32, #tpu.memory_space<hbm>> -> memref<1x640x16xf32, #tpu.memory_space<hbm>>
      %dma_wait3A_23 = tpu.memref_squeeze %dma_wait3A_22 : memref<1x640x16xf32, #tpu.memory_space<hbm>> -> memref<640x16xf32, #tpu.memory_space<hbm>>
      %dma_wait3A_24 = arith.constant 0 : i32
      %dma_wait3A_25 = tpu.memref_slice %arg4[%run_scoped3A_1, %mul3A_0, %dma_wait3A_24] : memref<2x10240x16xf32, #tpu.memory_space<hbm>> -> memref<1x640x16xf32, #tpu.memory_space<hbm>>
      %dma_wait3A_26 = tpu.memref_squeeze %dma_wait3A_25 : memref<1x640x16xf32, #tpu.memory_space<hbm>> -> memref<640x16xf32, #tpu.memory_space<hbm>>
      tpu.wait_dma2 semaphore(%run_scoped3A_16 : memref<!tpu.dma_semaphore, #tpu.memory_space<semaphore_mem>>) src(%dma_wait3A_26 : memref<640x16xf32, #tpu.memory_space<hbm>>) dst(%arg15 : memref<640x16xf32, #tpu.memory_space<vmem>>)
      tpu.yield
    }) : () -> ()
    "tpu.region"() ({
      %run_scoped3A_16 = tpu.sem_alloc : memref<!tpu.dma_semaphore, #tpu.memory_space<semaphore_mem>>
      %dma_start3A = arith.constant 0 : i32
      %dma_start3A_17 = tpu.memref_slice %arg5[%mul3A_0, %dma_start3A] : memref<10240x16xf32, #tpu.memory_space<hbm>> -> memref<640x16xf32, #tpu.memory_space<hbm>>
      %dma_start3A_18 = arith.constant 0 : i32
      %dma_start3A_19 = tpu.memref_slice %arg5[%mul3A_0, %dma_start3A_18] : memref<10240x16xf32, #tpu.memory_space<hbm>> -> memref<640x16xf32, #tpu.memory_space<hbm>>
      tpu.enqueue_dma source(%dma_start3A_19 : memref<640x16xf32, #tpu.memory_space<hbm>>) target(%arg16 : memref<640x16xf32, #tpu.memory_space<vmem>>) target_semaphore(%run_scoped3A_16 : memref<!tpu.dma_semaphore, #tpu.memory_space<semaphore_mem>>)
      %dma_wait3A = arith.constant 0 : i32
      %dma_wait3A_20 = tpu.memref_slice %arg5[%mul3A_0, %dma_wait3A] : memref<10240x16xf32, #tpu.memory_space<hbm>> -> memref<640x16xf32, #tpu.memory_space<hbm>>
      %dma_wait3A_21 = arith.constant 0 : i32
      %dma_wait3A_22 = tpu.memref_slice %arg5[%mul3A_0, %dma_wait3A_21] : memref<10240x16xf32, #tpu.memory_space<hbm>> -> memref<640x16xf32, #tpu.memory_space<hbm>>
      tpu.wait_dma2 semaphore(%run_scoped3A_16 : memref<!tpu.dma_semaphore, #tpu.memory_space<semaphore_mem>>) src(%dma_wait3A_22 : memref<640x16xf32, #tpu.memory_space<hbm>>) dst(%arg16 : memref<640x16xf32, #tpu.memory_space<vmem>>)
      tpu.yield
    }) : () -> ()
    %run_scoped3A_2 = arith.constant 0 : i32
    "tpu.region"() ({
      %run_scoped3A_16 = tpu.sem_alloc : memref<!tpu.dma_semaphore, #tpu.memory_space<semaphore_mem>>
      %dma_start3A = arith.constant 0 : i32
      %dma_start3A_17 = tpu.memref_slice %arg6[%run_scoped3A_2, %mul3A_0, %dma_start3A] : memref<2x10240x16xf32, #tpu.memory_space<hbm>> -> memref<1x640x16xf32, #tpu.memory_space<hbm>>
      %dma_start3A_18 = tpu.memref_squeeze %dma_start3A_17 : memref<1x640x16xf32, #tpu.memory_space<hbm>> -> memref<640x16xf32, #tpu.memory_space<hbm>>
      %dma_start3A_19 = arith.constant 0 : i32
      %dma_start3A_20 = tpu.memref_slice %arg6[%run_scoped3A_2, %mul3A_0, %dma_start3A_19] : memref<2x10240x16xf32, #tpu.memory_space<hbm>> -> memref<1x640x16xf32, #tpu.memory_space<hbm>>
      %dma_start3A_21 = tpu.memref_squeeze %dma_start3A_20 : memref<1x640x16xf32, #tpu.memory_space<hbm>> -> memref<640x16xf32, #tpu.memory_space<hbm>>
      tpu.enqueue_dma source(%dma_start3A_21 : memref<640x16xf32, #tpu.memory_space<hbm>>) target(%arg17 : memref<640x16xf32, #tpu.memory_space<vmem>>) target_semaphore(%run_scoped3A_16 : memref<!tpu.dma_semaphore, #tpu.memory_space<semaphore_mem>>)
      %dma_wait3A = arith.constant 0 : i32
      %dma_wait3A_22 = tpu.memref_slice %arg6[%run_scoped3A_2, %mul3A_0, %dma_wait3A] : memref<2x10240x16xf32, #tpu.memory_space<hbm>> -> memref<1x640x16xf32, #tpu.memory_space<hbm>>
      %dma_wait3A_23 = tpu.memref_squeeze %dma_wait3A_22 : memref<1x640x16xf32, #tpu.memory_space<hbm>> -> memref<640x16xf32, #tpu.memory_space<hbm>>
      %dma_wait3A_24 = arith.constant 0 : i32
      %dma_wait3A_25 = tpu.memref_slice %arg6[%run_scoped3A_2, %mul3A_0, %dma_wait3A_24] : memref<2x10240x16xf32, #tpu.memory_space<hbm>> -> memref<1x640x16xf32, #tpu.memory_space<hbm>>
      %dma_wait3A_26 = tpu.memref_squeeze %dma_wait3A_25 : memref<1x640x16xf32, #tpu.memory_space<hbm>> -> memref<640x16xf32, #tpu.memory_space<hbm>>
      tpu.wait_dma2 semaphore(%run_scoped3A_16 : memref<!tpu.dma_semaphore, #tpu.memory_space<semaphore_mem>>) src(%dma_wait3A_26 : memref<640x16xf32, #tpu.memory_space<hbm>>) dst(%arg17 : memref<640x16xf32, #tpu.memory_space<vmem>>)
      tpu.yield
    }) : () -> ()
    %run_scoped3A_3 = arith.constant 1 : i32
    "tpu.region"() ({
      %run_scoped3A_16 = tpu.sem_alloc : memref<!tpu.dma_semaphore, #tpu.memory_space<semaphore_mem>>
      %dma_start3A = arith.constant 0 : i32
      %dma_start3A_17 = tpu.memref_slice %arg6[%run_scoped3A_3, %mul3A_0, %dma_start3A] : memref<2x10240x16xf32, #tpu.memory_space<hbm>> -> memref<1x640x16xf32, #tpu.memory_space<hbm>>
      %dma_start3A_18 = tpu.memref_squeeze %dma_start3A_17 : memref<1x640x16xf32, #tpu.memory_space<hbm>> -> memref<640x16xf32, #tpu.memory_space<hbm>>
      %dma_start3A_19 = arith.constant 0 : i32
      %dma_start3A_20 = tpu.memref_slice %arg6[%run_scoped3A_3, %mul3A_0, %dma_start3A_19] : memref<2x10240x16xf32, #tpu.memory_space<hbm>> -> memref<1x640x16xf32, #tpu.memory_space<hbm>>
      %dma_start3A_21 = tpu.memref_squeeze %dma_start3A_20 : memref<1x640x16xf32, #tpu.memory_space<hbm>> -> memref<640x16xf32, #tpu.memory_space<hbm>>
      tpu.enqueue_dma source(%dma_start3A_21 : memref<640x16xf32, #tpu.memory_space<hbm>>) target(%arg18 : memref<640x16xf32, #tpu.memory_space<vmem>>) target_semaphore(%run_scoped3A_16 : memref<!tpu.dma_semaphore, #tpu.memory_space<semaphore_mem>>)
      %dma_wait3A = arith.constant 0 : i32
      %dma_wait3A_22 = tpu.memref_slice %arg6[%run_scoped3A_3, %mul3A_0, %dma_wait3A] : memref<2x10240x16xf32, #tpu.memory_space<hbm>> -> memref<1x640x16xf32, #tpu.memory_space<hbm>>
      %dma_wait3A_23 = tpu.memref_squeeze %dma_wait3A_22 : memref<1x640x16xf32, #tpu.memory_space<hbm>> -> memref<640x16xf32, #tpu.memory_space<hbm>>
      %dma_wait3A_24 = arith.constant 0 : i32
      %dma_wait3A_25 = tpu.memref_slice %arg6[%run_scoped3A_3, %mul3A_0, %dma_wait3A_24] : memref<2x10240x16xf32, #tpu.memory_space<hbm>> -> memref<1x640x16xf32, #tpu.memory_space<hbm>>
      %dma_wait3A_26 = tpu.memref_squeeze %dma_wait3A_25 : memref<1x640x16xf32, #tpu.memory_space<hbm>> -> memref<640x16xf32, #tpu.memory_space<hbm>>
      tpu.wait_dma2 semaphore(%run_scoped3A_16 : memref<!tpu.dma_semaphore, #tpu.memory_space<semaphore_mem>>) src(%dma_wait3A_26 : memref<640x16xf32, #tpu.memory_space<hbm>>) dst(%arg18 : memref<640x16xf32, #tpu.memory_space<vmem>>)
      tpu.yield
    }) : () -> ()
    "tpu.region"() ({
      %run_scoped3A_16 = tpu.sem_alloc : memref<!tpu.dma_semaphore, #tpu.memory_space<semaphore_mem>>
      tpu.enqueue_dma source(%arg7 : memref<16xf32, #tpu.memory_space<hbm>>) target(%arg19 : memref<16xf32, #tpu.memory_space<vmem>>) target_semaphore(%run_scoped3A_16 : memref<!tpu.dma_semaphore, #tpu.memory_space<semaphore_mem>>)
      tpu.wait_dma2 semaphore(%run_scoped3A_16 : memref<!tpu.dma_semaphore, #tpu.memory_space<semaphore_mem>>) src(%arg7 : memref<16xf32, #tpu.memory_space<hbm>>) dst(%arg19 : memref<16xf32, #tpu.memory_space<vmem>>)
      tpu.yield
    }) : () -> ()
    %scan3A = arith.constant 0 : i32
    %scan3A_4 = arith.constant 640 : i32
    %scan3A_5 = arith.addi %scan3A, %scan3A_4 : i32
    %scan3A_6 = arith.constant 1 : i32
    scf.for %scan3A_16 = %scan3A to %scan3A_5 step %scan3A_6  : i32 {
      %mul3A_17 = arith.constant 1 : i32
      %mul3A_18 = arith.muli %scan3A_16, %mul3A_17 : i32
      %add3A = arith.constant 0 : i32
      %add3A_19 = arith.addi %add3A, %mul3A_18 : i32
      %get3A = arith.index_cast %add3A_19 : i32 to index
      %get3A_20 = arith.constant 0 : index
      %get3A_21 = tpu.vector_load %arg14[%get3A, %get3A_20] {strides = array<i32>} : memref<640x16xf32, #tpu.memory_space<vmem>>, vector<16xf32>,
      %get3A_22 = arith.index_cast %add3A_19 : i32 to index
      %get3A_23 = arith.constant 0 : index
      %get3A_24 = tpu.vector_load %arg15[%get3A_22, %get3A_23] {strides = array<i32>} : memref<640x16xf32, #tpu.memory_space<vmem>>, vector<16xf32>,
      %add3A_25 = arith.addf %get3A_21, %get3A_24 : vector<16xf32>
      %sub3A = arith.constant 1.000000e+00 : f32
      %sub3A_26 = vector.broadcast %sub3A : f32 to vector<16xf32>
      %sub3A_27 = arith.subf %add3A_25, %sub3A_26 : vector<16xf32>
      %bitcast3A = vector.bitcast %sub3A_27 : vector<16xf32> to vector<16xi32>
      %shift_right_arithmetic3A = arith.constant 1 : i32
      %shift_right_arithmetic3A_28 = vector.broadcast %shift_right_arithmetic3A : i32 to vector<16xi32>
      %shift_right_arithmetic3A_29 = arith.shrsi %bitcast3A, %shift_right_arithmetic3A_28 : vector<16xi32>
      %sub3A_30 = arith.constant 1597463007 : i32
      %sub3A_31 = vector.broadcast %sub3A_30 : i32 to vector<16xi32>
      %sub3A_32 = arith.subi %sub3A_31, %shift_right_arithmetic3A_29 : vector<16xi32>
      %bitcast3A_33 = vector.bitcast %sub3A_32 : vector<16xi32> to vector<16xf32>
      %mul3A_34 = arith.constant 5.000000e-01 : f32
      %mul3A_35 = vector.broadcast %mul3A_34 : f32 to vector<16xf32>
      %mul3A_36 = arith.mulf %mul3A_35, %sub3A_27 : vector<16xf32>
      %mul3A_37 = arith.mulf %mul3A_36, %bitcast3A_33 : vector<16xf32>
      %mul3A_38 = arith.mulf %mul3A_37, %bitcast3A_33 : vector<16xf32>
      %sub3A_39 = arith.constant 1.500000e+00 : f32
      %sub3A_40 = vector.broadcast %sub3A_39 : f32 to vector<16xf32>
      %sub3A_41 = arith.subf %sub3A_40, %mul3A_38 : vector<16xf32>
      %mul3A_42 = arith.mulf %bitcast3A_33, %sub3A_41 : vector<16xf32>
      %mul3A_43 = arith.constant 5.000000e-01 : f32
      %mul3A_44 = vector.broadcast %mul3A_43 : f32 to vector<16xf32>
      %mul3A_45 = arith.mulf %mul3A_44, %sub3A_27 : vector<16xf32>
      %mul3A_46 = arith.mulf %mul3A_45, %mul3A_42 : vector<16xf32>
      %mul3A_47 = arith.mulf %mul3A_46, %mul3A_42 : vector<16xf32>
      %sub3A_48 = arith.constant 1.500000e+00 : f32
      %sub3A_49 = vector.broadcast %sub3A_48 : f32 to vector<16xf32>
      %sub3A_50 = arith.subf %sub3A_49, %mul3A_47 : vector<16xf32>
      %mul3A_51 = arith.mulf %mul3A_42, %sub3A_50 : vector<16xf32>
      %mul3A_52 = arith.constant 5.000000e-01 : f32
      %mul3A_53 = vector.broadcast %mul3A_52 : f32 to vector<16xf32>
      %mul3A_54 = arith.mulf %mul3A_53, %sub3A_27 : vector<16xf32>
      %mul3A_55 = arith.mulf %mul3A_54, %mul3A_51 : vector<16xf32>
      %mul3A_56 = arith.mulf %mul3A_55, %mul3A_51 : vector<16xf32>
      %sub3A_57 = arith.constant 1.500000e+00 : f32
      %sub3A_58 = vector.broadcast %sub3A_57 : f32 to vector<16xf32>
      %sub3A_59 = arith.subf %sub3A_58, %mul3A_56 : vector<16xf32>
      %mul3A_60 = arith.mulf %mul3A_51, %sub3A_59 : vector<16xf32>
      %get3A_61 = arith.index_cast %add3A_19 : i32 to index
      %get3A_62 = arith.constant 0 : index
      %get3A_63 = tpu.vector_load %arg17[%get3A_61, %get3A_62] {strides = array<i32>} : memref<640x16xf32, #tpu.memory_space<vmem>>, vector<16xf32>,
      %get3A_64 = arith.index_cast %add3A_19 : i32 to index
      %get3A_65 = arith.constant 0 : index
      %get3A_66 = tpu.vector_load %arg18[%get3A_64, %get3A_65] {strides = array<i32>} : memref<640x16xf32, #tpu.memory_space<vmem>>, vector<16xf32>,
      %add3A_67 = arith.addf %get3A_63, %get3A_66 : vector<16xf32>
      %get3A_68 = arith.index_cast %add3A_19 : i32 to index
      %get3A_69 = arith.constant 0 : index
      %get3A_70 = tpu.vector_load %arg16[%get3A_68, %get3A_69] {strides = array<i32>} : memref<640x16xf32, #tpu.memory_space<vmem>>, vector<16xf32>,
      %sub3A_71 = arith.subf %add3A_67, %get3A_70 : vector<16xf32>
      %mul3A_72 = arith.mulf %sub3A_71, %mul3A_60 : vector<16xf32>
      %get3A_73 = arith.constant 0 : index
      %get3A_74 = tpu.vector_load %arg19[%get3A_73] {strides = array<i32>} : memref<16xf32, #tpu.memory_space<vmem>>, vector<16xf32>,
      %add3A_75 = arith.addf %mul3A_72, %get3A_74 : vector<16xf32>
      %max3A = arith.constant 0.000000e+00 : f32
      %max3A_76 = vector.broadcast %max3A : f32 to vector<16xf32>
      %max3A_77 = arith.maximumf %add3A_75, %max3A_76 : vector<16xf32>
      %mul3A_78 = arith.mulf %max3A_77, %mul3A_60 : vector<16xf32>
      %swap3A = arith.index_cast %add3A_19 : i32 to index
      %swap3A_79 = arith.constant 0 : index
      %swap3A_80 = tpu.vector_load %arg16[%swap3A, %swap3A_79] {strides = array<i32>} : memref<640x16xf32, #tpu.memory_space<vmem>>, vector<16xf32>,
      tpu.vector_store %arg16[%swap3A, %swap3A_79], %mul3A_78 {strides = array<i32>} : memref<640x16xf32, #tpu.memory_space<vmem>>, vector<16xf32>,
    }
    %scan3A_7 = arith.constant 640 : i32
    "tpu.region"() ({
      %run_scoped3A_16 = tpu.sem_alloc : memref<!tpu.dma_semaphore, #tpu.memory_space<semaphore_mem>>
      %dma_start3A = arith.constant 0 : i32
      %dma_start3A_17 = tpu.memref_slice %arg9[%mul3A_0, %dma_start3A] : memref<10240x16xf32, #tpu.memory_space<hbm>> -> memref<640x16xf32, #tpu.memory_space<hbm>>
      %dma_start3A_18 = arith.constant 0 : i32
      %dma_start3A_19 = tpu.memref_slice %arg9[%mul3A_0, %dma_start3A_18] : memref<10240x16xf32, #tpu.memory_space<hbm>> -> memref<640x16xf32, #tpu.memory_space<hbm>>
      tpu.enqueue_dma source(%arg16 : memref<640x16xf32, #tpu.memory_space<vmem>>) target(%dma_start3A_19 : memref<640x16xf32, #tpu.memory_space<hbm>>) target_semaphore(%run_scoped3A_16 : memref<!tpu.dma_semaphore, #tpu.memory_space<semaphore_mem>>)
      %dma_wait3A = arith.constant 0 : i32
      %dma_wait3A_20 = tpu.memref_slice %arg9[%mul3A_0, %dma_wait3A] : memref<10240x16xf32, #tpu.memory_space<hbm>> -> memref<640x16xf32, #tpu.memory_space<hbm>>
      %dma_wait3A_21 = arith.constant 0 : i32
      %dma_wait3A_22 = tpu.memref_slice %arg9[%mul3A_0, %dma_wait3A_21] : memref<10240x16xf32, #tpu.memory_space<hbm>> -> memref<640x16xf32, #tpu.memory_space<hbm>>
      tpu.wait_dma2 semaphore(%run_scoped3A_16 : memref<!tpu.dma_semaphore, #tpu.memory_space<semaphore_mem>>) src(%arg16 : memref<640x16xf32, #tpu.memory_space<vmem>>) dst(%dma_wait3A_22 : memref<640x16xf32, #tpu.memory_space<hbm>>)
      tpu.yield
    }) : () -> ()
    "tpu.region"() ({
      %run_scoped3A_16 = tpu.sem_alloc : memref<!tpu.dma_semaphore, #tpu.memory_space<semaphore_mem>>
      %dma_start3A = arith.constant 0 : i32
      %dma_start3A_17 = tpu.memref_slice %arg20[%mul3A_0, %dma_start3A] : memref<10240x16xf32, #tpu.memory_space<vmem_shared>> -> memref<640x16xf32, #tpu.memory_space<vmem_shared>>
      %dma_start3A_18 = arith.constant 0 : i32
      %dma_start3A_19 = tpu.memref_slice %arg20[%mul3A_0, %dma_start3A_18] : memref<10240x16xf32, #tpu.memory_space<vmem_shared>> -> memref<640x16xf32, #tpu.memory_space<vmem_shared>>
      tpu.enqueue_dma source(%arg16 : memref<640x16xf32, #tpu.memory_space<vmem>>) target(%dma_start3A_19 : memref<640x16xf32, #tpu.memory_space<vmem_shared>>) target_semaphore(%run_scoped3A_16 : memref<!tpu.dma_semaphore, #tpu.memory_space<semaphore_mem>>)
      %dma_wait3A = arith.constant 0 : i32
      %dma_wait3A_20 = tpu.memref_slice %arg20[%mul3A_0, %dma_wait3A] : memref<10240x16xf32, #tpu.memory_space<vmem_shared>> -> memref<640x16xf32, #tpu.memory_space<vmem_shared>>
      %dma_wait3A_21 = arith.constant 0 : i32
      %dma_wait3A_22 = tpu.memref_slice %arg20[%mul3A_0, %dma_wait3A_21] : memref<10240x16xf32, #tpu.memory_space<vmem_shared>> -> memref<640x16xf32, #tpu.memory_space<vmem_shared>>
      tpu.wait_dma2 semaphore(%run_scoped3A_16 : memref<!tpu.dma_semaphore, #tpu.memory_space<semaphore_mem>>) src(%arg16 : memref<640x16xf32, #tpu.memory_space<vmem>>) dst(%dma_wait3A_22 : memref<640x16xf32, #tpu.memory_space<vmem_shared>>)
      tpu.yield
    }) : () -> ()
    %barrier3A = arith.constant 0 : index
    tpu.barrier barrier_id(%barrier3A)
    %eq3A = arith.constant 0 : i32
    %eq3A_8 = arith.cmpi eq, %arg0, %eq3A : i32
    %convert_element_type3A = arith.extui %eq3A_8 : i1 to i32
    %cond3A = arith.constant 0 : i32
    %cond3A_9 = arith.cmpi ne, %convert_element_type3A, %cond3A : i32
    scf.if %cond3A_9 {
      %mul3A_16 = arith.constant 10 : i32
      %mul3A_17 = arith.muli %arg1, %mul3A_16 : i32
      "tpu.region"() ({
        %run_scoped3A_36 = tpu.sem_alloc : memref<!tpu.dma_semaphore, #tpu.memory_space<semaphore_mem>>
        %dma_start3A_37 = arith.constant 0 : i32
        %dma_start3A_38 = arith.constant 0 : i32
        %dma_start3A_39 = tpu.memref_slice %arg10[%dma_start3A_37, %dma_start3A_38] : memref<10x512xi32, #tpu.memory_space<vmem>> -> memref<10x512xi32, #tpu.memory_space<vmem>>
        %dma_start3A_40 = arith.constant 0 : i32
        %dma_start3A_41 = tpu.memref_slice %arg2[%mul3A_17, %dma_start3A_40] : memref<320x512xi32, #tpu.memory_space<hbm>> -> memref<10x512xi32, #tpu.memory_space<hbm>>
        %dma_start3A_42 = arith.constant 0 : i32
        %dma_start3A_43 = arith.constant 0 : i32
        %dma_start3A_44 = tpu.memref_slice %arg10[%dma_start3A_42, %dma_start3A_43] : memref<10x512xi32, #tpu.memory_space<vmem>> -> memref<10x512xi32, #tpu.memory_space<vmem>>
        %dma_start3A_45 = arith.constant 0 : i32
        %dma_start3A_46 = tpu.memref_slice %arg2[%mul3A_17, %dma_start3A_45] : memref<320x512xi32, #tpu.memory_space<hbm>> -> memref<10x512xi32, #tpu.memory_space<hbm>>
        tpu.enqueue_dma source(%dma_start3A_46 : memref<10x512xi32, #tpu.memory_space<hbm>>) target(%dma_start3A_44 : memref<10x512xi32, #tpu.memory_space<vmem>>) target_semaphore(%run_scoped3A_36 : memref<!tpu.dma_semaphore, #tpu.memory_space<semaphore_mem>>)
        %dma_wait3A = arith.constant 0 : i32
        %dma_wait3A_47 = arith.constant 0 : i32
        %dma_wait3A_48 = tpu.memref_slice %arg10[%dma_wait3A, %dma_wait3A_47] : memref<10x512xi32, #tpu.memory_space<vmem>> -> memref<10x512xi32, #tpu.memory_space<vmem>>
        %dma_wait3A_49 = arith.constant 0 : i32
        %dma_wait3A_50 = tpu.memref_slice %arg2[%mul3A_17, %dma_wait3A_49] : memref<320x512xi32, #tpu.memory_space<hbm>> -> memref<10x512xi32, #tpu.memory_space<hbm>>
        %dma_wait3A_51 = arith.constant 0 : i32
        %dma_wait3A_52 = arith.constant 0 : i32
        %dma_wait3A_53 = tpu.memref_slice %arg10[%dma_wait3A_51, %dma_wait3A_52] : memref<10x512xi32, #tpu.memory_space<vmem>> -> memref<10x512xi32, #tpu.memory_space<vmem>>
        %dma_wait3A_54 = arith.constant 0 : i32
        %dma_wait3A_55 = tpu.memref_slice %arg2[%mul3A_17, %dma_wait3A_54] : memref<320x512xi32, #tpu.memory_space<hbm>> -> memref<10x512xi32, #tpu.memory_space<hbm>>
        tpu.wait_dma2 semaphore(%run_scoped3A_36 : memref<!tpu.dma_semaphore, #tpu.memory_space<semaphore_mem>>) src(%dma_wait3A_55 : memref<10x512xi32, #tpu.memory_space<hbm>>) dst(%dma_wait3A_53 : memref<10x512xi32, #tpu.memory_space<vmem>>)
        tpu.yield
      }) : () -> ()
      "tpu.region"() ({
        %run_scoped3A_36 = tpu.sem_alloc : memref<!tpu.dma_semaphore, #tpu.memory_space<semaphore_mem>>
        %dma_start3A_37 = arith.constant 0 : i32
        %dma_start3A_38 = arith.constant 0 : i32
        %dma_start3A_39 = tpu.memref_slice %arg11[%dma_start3A_37, %dma_start3A_38] : memref<10x512xi32, #tpu.memory_space<vmem>> -> memref<10x512xi32, #tpu.memory_space<vmem>>
        %dma_start3A_40 = arith.constant 0 : i32
        %dma_start3A_41 = tpu.memref_slice %arg3[%mul3A_17, %dma_start3A_40] : memref<320x512xi32, #tpu.memory_space<hbm>> -> memref<10x512xi32, #tpu.memory_space<hbm>>
        %dma_start3A_42 = arith.constant 0 : i32
        %dma_start3A_43 = arith.constant 0 : i32
        %dma_start3A_44 = tpu.memref_slice %arg11[%dma_start3A_42, %dma_start3A_43] : memref<10x512xi32, #tpu.memory_space<vmem>> -> memref<10x512xi32, #tpu.memory_space<vmem>>
        %dma_start3A_45 = arith.constant 0 : i32
        %dma_start3A_46 = tpu.memref_slice %arg3[%mul3A_17, %dma_start3A_45] : memref<320x512xi32, #tpu.memory_space<hbm>> -> memref<10x512xi32, #tpu.memory_space<hbm>>
        tpu.enqueue_dma source(%dma_start3A_46 : memref<10x512xi32, #tpu.memory_space<hbm>>) target(%dma_start3A_44 : memref<10x512xi32, #tpu.memory_space<vmem>>) target_semaphore(%run_scoped3A_36 : memref<!tpu.dma_semaphore, #tpu.memory_space<semaphore_mem>>)
        %dma_wait3A = arith.constant 0 : i32
        %dma_wait3A_47 = arith.constant 0 : i32
        %dma_wait3A_48 = tpu.memref_slice %arg11[%dma_wait3A, %dma_wait3A_47] : memref<10x512xi32, #tpu.memory_space<vmem>> -> memref<10x512xi32, #tpu.memory_space<vmem>>
        %dma_wait3A_49 = arith.constant 0 : i32
        %dma_wait3A_50 = tpu.memref_slice %arg3[%mul3A_17, %dma_wait3A_49] : memref<320x512xi32, #tpu.memory_space<hbm>> -> memref<10x512xi32, #tpu.memory_space<hbm>>
        %dma_wait3A_51 = arith.constant 0 : i32
        %dma_wait3A_52 = arith.constant 0 : i32
        %dma_wait3A_53 = tpu.memref_slice %arg11[%dma_wait3A_51, %dma_wait3A_52] : memref<10x512xi32, #tpu.memory_space<vmem>> -> memref<10x512xi32, #tpu.memory_space<vmem>>
        %dma_wait3A_54 = arith.constant 0 : i32
        %dma_wait3A_55 = tpu.memref_slice %arg3[%mul3A_17, %dma_wait3A_54] : memref<320x512xi32, #tpu.memory_space<hbm>> -> memref<10x512xi32, #tpu.memory_space<hbm>>
        tpu.wait_dma2 semaphore(%run_scoped3A_36 : memref<!tpu.dma_semaphore, #tpu.memory_space<semaphore_mem>>) src(%dma_wait3A_55 : memref<10x512xi32, #tpu.memory_space<hbm>>) dst(%dma_wait3A_53 : memref<10x512xi32, #tpu.memory_space<vmem>>)
        tpu.yield
      }) : () -> ()
      %dma_start3A = arith.constant 0 : i32
      %dma_start3A_18 = arith.constant 0 : i32
      %dma_start3A_19 = tpu.memref_slice %arg10[%dma_start3A, %dma_start3A_18] : memref<10x512xi32, #tpu.memory_space<vmem>> -> memref<1x512xi32, #tpu.memory_space<vmem>>
      %dma_start3A_20 = tpu.memref_squeeze %dma_start3A_19 : memref<1x512xi32, #tpu.memory_space<vmem>> -> memref<512xi32, #tpu.memory_space<vmem>>
      %dma_start3A_21 = arith.constant 0 : i32
      %dma_start3A_22 = arith.constant 0 : i32
      %dma_start3A_23 = tpu.memref_slice %arg9[%dma_start3A_21, %dma_start3A_22] : memref<10240x16xf32, #tpu.memory_space<hbm>> -> memref<10240x16xf32, #tpu.memory_space<hbm>>
      tpu.enqueue_indirect_dma source(%dma_start3A_23 : memref<10240x16xf32, #tpu.memory_space<hbm>>) target(%arg12 : memref<512x16xf32, #tpu.memory_space<vmem>>) offsets(%dma_start3A_20 : memref<512xi32, #tpu.memory_space<vmem>>) semaphore(%arg21 : memref<!tpu.dma_semaphore, #tpu.memory_space<semaphore_mem>>)
      %dma_start3A_24 = arith.constant 1 : i32
      %dma_start3A_25 = arith.constant 0 : i32
      %dma_start3A_26 = tpu.memref_slice %arg10[%dma_start3A_24, %dma_start3A_25] : memref<10x512xi32, #tpu.memory_space<vmem>> -> memref<1x512xi32, #tpu.memory_space<vmem>>
      %dma_start3A_27 = tpu.memref_squeeze %dma_start3A_26 : memref<1x512xi32, #tpu.memory_space<vmem>> -> memref<512xi32, #tpu.memory_space<vmem>>
      %dma_start3A_28 = arith.constant 0 : i32
      %dma_start3A_29 = arith.constant 0 : i32
      %dma_start3A_30 = tpu.memref_slice %arg9[%dma_start3A_28, %dma_start3A_29] : memref<10240x16xf32, #tpu.memory_space<hbm>> -> memref<10240x16xf32, #tpu.memory_space<hbm>>
      tpu.enqueue_indirect_dma source(%dma_start3A_30 : memref<10240x16xf32, #tpu.memory_space<hbm>>) target(%arg13 : memref<512x16xf32, #tpu.memory_space<vmem>>) offsets(%dma_start3A_27 : memref<512xi32, #tpu.memory_space<vmem>>) semaphore(%arg22 : memref<!tpu.dma_semaphore, #tpu.memory_space<semaphore_mem>>)
      %scan3A_31 = arith.constant 0 : i32
      %scan3A_32 = arith.constant 5 : i32
      %scan3A_33 = arith.addi %scan3A_31, %scan3A_32 : i32
      %scan3A_34 = arith.constant 1 : i32
      scf.for %scan3A_36 = %scan3A_31 to %scan3A_33 step %scan3A_34  : i32 {
        %mul3A_37 = arith.constant 2 : i32
        %mul3A_38 = arith.muli %scan3A_36, %mul3A_37 : i32
        %add3A = arith.constant 0 : i32
        %add3A_39 = arith.addi %add3A, %mul3A_38 : i32
        %dma_wait3A = arith.constant 0 : i32
        %dma_wait3A_40 = tpu.memref_slice %arg10[%add3A_39, %dma_wait3A] : memref<10x512xi32, #tpu.memory_space<vmem>> -> memref<1x512xi32, #tpu.memory_space<vmem>>
        %dma_wait3A_41 = tpu.memref_squeeze %dma_wait3A_40 : memref<1x512xi32, #tpu.memory_space<vmem>> -> memref<512xi32, #tpu.memory_space<vmem>>
        %dma_wait3A_42 = arith.constant 0 : i32
        %dma_wait3A_43 = arith.constant 0 : i32
        %dma_wait3A_44 = tpu.memref_slice %arg9[%dma_wait3A_42, %dma_wait3A_43] : memref<10240x16xf32, #tpu.memory_space<hbm>> -> memref<10240x16xf32, #tpu.memory_space<hbm>>
        tpu.wait_indirect_dma semaphore(%arg21 : memref<!tpu.dma_semaphore, #tpu.memory_space<semaphore_mem>>) src(%dma_wait3A_44 : memref<10240x16xf32, #tpu.memory_space<hbm>>) dst(%arg12 : memref<512x16xf32, #tpu.memory_space<vmem>>)
        "tpu.region"() ({
          %run_scoped3A_58 = tpu.sem_alloc : memref<!tpu.dma_semaphore, #tpu.memory_space<semaphore_mem>>
          %dma_start3A_59 = arith.constant 0 : i32
          %dma_start3A_60 = tpu.memref_slice %arg11[%add3A_39, %dma_start3A_59] : memref<10x512xi32, #tpu.memory_space<vmem>> -> memref<1x512xi32, #tpu.memory_space<vmem>>
          %dma_start3A_61 = tpu.memref_squeeze %dma_start3A_60 : memref<1x512xi32, #tpu.memory_space<vmem>> -> memref<512xi32, #tpu.memory_space<vmem>>
          %dma_start3A_62 = arith.constant 0 : i32
          %dma_start3A_63 = arith.constant 0 : i32
          %dma_start3A_64 = tpu.memref_slice %arg20[%dma_start3A_62, %dma_start3A_63] : memref<10240x16xf32, #tpu.memory_space<vmem_shared>> -> memref<10240x16xf32, #tpu.memory_space<vmem_shared>>
          tpu.enqueue_indirect_dma source(%arg12 : memref<512x16xf32, #tpu.memory_space<vmem>>) target(%dma_start3A_64 : memref<10240x16xf32, #tpu.memory_space<vmem_shared>>) offsets(%dma_start3A_61 : memref<512xi32, #tpu.memory_space<vmem>>) semaphore(%run_scoped3A_58 : memref<!tpu.dma_semaphore, #tpu.memory_space<semaphore_mem>>) {add = true}
          %dma_wait3A_65 = arith.constant 0 : i32
          %dma_wait3A_66 = tpu.memref_slice %arg11[%add3A_39, %dma_wait3A_65] : memref<10x512xi32, #tpu.memory_space<vmem>> -> memref<1x512xi32, #tpu.memory_space<vmem>>
          %dma_wait3A_67 = tpu.memref_squeeze %dma_wait3A_66 : memref<1x512xi32, #tpu.memory_space<vmem>> -> memref<512xi32, #tpu.memory_space<vmem>>
          %dma_wait3A_68 = arith.constant 0 : i32
          %dma_wait3A_69 = arith.constant 0 : i32
          %dma_wait3A_70 = tpu.memref_slice %arg20[%dma_wait3A_68, %dma_wait3A_69] : memref<10240x16xf32, #tpu.memory_space<vmem_shared>> -> memref<10240x16xf32, #tpu.memory_space<vmem_shared>>
          tpu.wait_indirect_dma semaphore(%run_scoped3A_58 : memref<!tpu.dma_semaphore, #tpu.memory_space<semaphore_mem>>) src(%arg12 : memref<512x16xf32, #tpu.memory_space<vmem>>) dst(%dma_wait3A_70 : memref<10240x16xf32, #tpu.memory_space<vmem_shared>>)
          tpu.yield
        }) : () -> ()
        %add3A_45 = arith.constant 2 : i32
        %add3A_46 = arith.addi %add3A_39, %add3A_45 : i32
        %lt3A = arith.constant 10 : i32
        %lt3A_47 = arith.cmpi slt, %add3A_46, %lt3A : i32
        %convert_element_type3A_48 = arith.extui %lt3A_47 : i1 to i32
        %cond3A_49 = arith.constant 0 : i32
        %cond3A_50 = arith.cmpi ne, %convert_element_type3A_48, %cond3A_49 : i32
        scf.if %cond3A_50 {
          %add3A_58 = arith.constant 2 : i32
          %add3A_59 = arith.addi %add3A_39, %add3A_58 : i32
          %dma_start3A_60 = arith.constant 0 : i32
          %dma_start3A_61 = tpu.memref_slice %arg10[%add3A_59, %dma_start3A_60] : memref<10x512xi32, #tpu.memory_space<vmem>> -> memref<1x512xi32, #tpu.memory_space<vmem>>
          %dma_start3A_62 = tpu.memref_squeeze %dma_start3A_61 : memref<1x512xi32, #tpu.memory_space<vmem>> -> memref<512xi32, #tpu.memory_space<vmem>>
          %dma_start3A_63 = arith.constant 0 : i32
          %dma_start3A_64 = arith.constant 0 : i32
          %dma_start3A_65 = tpu.memref_slice %arg9[%dma_start3A_63, %dma_start3A_64] : memref<10240x16xf32, #tpu.memory_space<hbm>> -> memref<10240x16xf32, #tpu.memory_space<hbm>>
          tpu.enqueue_indirect_dma source(%dma_start3A_65 : memref<10240x16xf32, #tpu.memory_space<hbm>>) target(%arg12 : memref<512x16xf32, #tpu.memory_space<vmem>>) offsets(%dma_start3A_62 : memref<512xi32, #tpu.memory_space<vmem>>) semaphore(%arg21 : memref<!tpu.dma_semaphore, #tpu.memory_space<semaphore_mem>>)
        } else {
        }
        %add3A_51 = arith.constant 1 : i32
        %add3A_52 = arith.addi %add3A_39, %add3A_51 : i32
        %lt3A_53 = arith.constant 10 : i32
        %lt3A_54 = arith.cmpi slt, %add3A_52, %lt3A_53 : i32
        %convert_element_type3A_55 = arith.extui %lt3A_54 : i1 to i32
        %cond3A_56 = arith.constant 0 : i32
        %cond3A_57 = arith.cmpi ne, %convert_element_type3A_55, %cond3A_56 : i32
        scf.if %cond3A_57 {
          %add3A_58 = arith.constant 1 : i32
          %add3A_59 = arith.addi %add3A_39, %add3A_58 : i32
          %dma_wait3A_60 = arith.constant 0 : i32
          %dma_wait3A_61 = tpu.memref_slice %arg10[%add3A_59, %dma_wait3A_60] : memref<10x512xi32, #tpu.memory_space<vmem>> -> memref<1x512xi32, #tpu.memory_space<vmem>>
          %dma_wait3A_62 = tpu.memref_squeeze %dma_wait3A_61 : memref<1x512xi32, #tpu.memory_space<vmem>> -> memref<512xi32, #tpu.memory_space<vmem>>
          %dma_wait3A_63 = arith.constant 0 : i32
          %dma_wait3A_64 = arith.constant 0 : i32
          %dma_wait3A_65 = tpu.memref_slice %arg9[%dma_wait3A_63, %dma_wait3A_64] : memref<10240x16xf32, #tpu.memory_space<hbm>> -> memref<10240x16xf32, #tpu.memory_space<hbm>>
          tpu.wait_indirect_dma semaphore(%arg22 : memref<!tpu.dma_semaphore, #tpu.memory_space<semaphore_mem>>) src(%dma_wait3A_65 : memref<10240x16xf32, #tpu.memory_space<hbm>>) dst(%arg13 : memref<512x16xf32, #tpu.memory_space<vmem>>)
          %add3A_66 = arith.constant 1 : i32
          %add3A_67 = arith.addi %add3A_39, %add3A_66 : i32
          "tpu.region"() ({
            %run_scoped3A_75 = tpu.sem_alloc : memref<!tpu.dma_semaphore, #tpu.memory_space<semaphore_mem>>
            %dma_start3A_76 = arith.constant 0 : i32
            %dma_start3A_77 = tpu.memref_slice %arg11[%add3A_67, %dma_start3A_76] : memref<10x512xi32, #tpu.memory_space<vmem>> -> memref<1x512xi32, #tpu.memory_space<vmem>>
            %dma_start3A_78 = tpu.memref_squeeze %dma_start3A_77 : memref<1x512xi32, #tpu.memory_space<vmem>> -> memref<512xi32, #tpu.memory_space<vmem>>
            %dma_start3A_79 = arith.constant 0 : i32
            %dma_start3A_80 = arith.constant 0 : i32
            %dma_start3A_81 = tpu.memref_slice %arg20[%dma_start3A_79, %dma_start3A_80] : memref<10240x16xf32, #tpu.memory_space<vmem_shared>> -> memref<10240x16xf32, #tpu.memory_space<vmem_shared>>
            tpu.enqueue_indirect_dma source(%arg13 : memref<512x16xf32, #tpu.memory_space<vmem>>) target(%dma_start3A_81 : memref<10240x16xf32, #tpu.memory_space<vmem_shared>>) offsets(%dma_start3A_78 : memref<512xi32, #tpu.memory_space<vmem>>) semaphore(%run_scoped3A_75 : memref<!tpu.dma_semaphore, #tpu.memory_space<semaphore_mem>>) {add = true}
            %dma_wait3A_82 = arith.constant 0 : i32
            %dma_wait3A_83 = tpu.memref_slice %arg11[%add3A_67, %dma_wait3A_82] : memref<10x512xi32, #tpu.memory_space<vmem>> -> memref<1x512xi32, #tpu.memory_space<vmem>>
            %dma_wait3A_84 = tpu.memref_squeeze %dma_wait3A_83 : memref<1x512xi32, #tpu.memory_space<vmem>> -> memref<512xi32, #tpu.memory_space<vmem>>
            %dma_wait3A_85 = arith.constant 0 : i32
            %dma_wait3A_86 = arith.constant 0 : i32
            %dma_wait3A_87 = tpu.memref_slice %arg20[%dma_wait3A_85, %dma_wait3A_86] : memref<10240x16xf32, #tpu.memory_space<vmem_shared>> -> memref<10240x16xf32, #tpu.memory_space<vmem_shared>>
            tpu.wait_indirect_dma semaphore(%run_scoped3A_75 : memref<!tpu.dma_semaphore, #tpu.memory_space<semaphore_mem>>) src(%arg13 : memref<512x16xf32, #tpu.memory_space<vmem>>) dst(%dma_wait3A_87 : memref<10240x16xf32, #tpu.memory_space<vmem_shared>>)
            tpu.yield
          }) : () -> ()
          %add3A_68 = arith.constant 3 : i32
          %add3A_69 = arith.addi %add3A_39, %add3A_68 : i32
          %lt3A_70 = arith.constant 10 : i32
          %lt3A_71 = arith.cmpi slt, %add3A_69, %lt3A_70 : i32
          %convert_element_type3A_72 = arith.extui %lt3A_71 : i1 to i32
          %cond3A_73 = arith.constant 0 : i32
          %cond3A_74 = arith.cmpi ne, %convert_element_type3A_72, %cond3A_73 : i32
          scf.if %cond3A_74 {
            %add3A_75 = arith.constant 3 : i32
            %add3A_76 = arith.addi %add3A_39, %add3A_75 : i32
            %dma_start3A_77 = arith.constant 0 : i32
            %dma_start3A_78 = tpu.memref_slice %arg10[%add3A_76, %dma_start3A_77] : memref<10x512xi32, #tpu.memory_space<vmem>> -> memref<1x512xi32, #tpu.memory_space<vmem>>
            %dma_start3A_79 = tpu.memref_squeeze %dma_start3A_78 : memref<1x512xi32, #tpu.memory_space<vmem>> -> memref<512xi32, #tpu.memory_space<vmem>>
            %dma_start3A_80 = arith.constant 0 : i32
            %dma_start3A_81 = arith.constant 0 : i32
            %dma_start3A_82 = tpu.memref_slice %arg9[%dma_start3A_80, %dma_start3A_81] : memref<10240x16xf32, #tpu.memory_space<hbm>> -> memref<10240x16xf32, #tpu.memory_space<hbm>>
            tpu.enqueue_indirect_dma source(%dma_start3A_82 : memref<10240x16xf32, #tpu.memory_space<hbm>>) target(%arg13 : memref<512x16xf32, #tpu.memory_space<vmem>>) offsets(%dma_start3A_79 : memref<512xi32, #tpu.memory_space<vmem>>) semaphore(%arg22 : memref<!tpu.dma_semaphore, #tpu.memory_space<semaphore_mem>>)
          } else {
          }
        } else {
        }
      }
      %scan3A_35 = arith.constant 5 : i32
    } else {
    }
    %eq3A_10 = arith.constant 1 : i32
    %eq3A_11 = arith.cmpi eq, %arg0, %eq3A_10 : i32
    %convert_element_type3A_12 = arith.extui %eq3A_11 : i1 to i32
    %cond3A_13 = arith.constant 0 : i32
    %cond3A_14 = arith.cmpi ne, %convert_element_type3A_12, %cond3A_13 : i32
    scf.if %cond3A_14 {
      %mul3A_16 = arith.constant 10 : i32
      %mul3A_17 = arith.muli %arg1, %mul3A_16 : i32
      %add3A = arith.constant 160 : i32
      %add3A_18 = arith.addi %add3A, %mul3A_17 : i32
      "tpu.region"() ({
        %run_scoped3A_37 = tpu.sem_alloc : memref<!tpu.dma_semaphore, #tpu.memory_space<semaphore_mem>>
        %dma_start3A_38 = arith.constant 0 : i32
        %dma_start3A_39 = arith.constant 0 : i32
        %dma_start3A_40 = tpu.memref_slice %arg10[%dma_start3A_38, %dma_start3A_39] : memref<10x512xi32, #tpu.memory_space<vmem>> -> memref<10x512xi32, #tpu.memory_space<vmem>>
        %dma_start3A_41 = arith.constant 0 : i32
        %dma_start3A_42 = tpu.memref_slice %arg2[%add3A_18, %dma_start3A_41] : memref<320x512xi32, #tpu.memory_space<hbm>> -> memref<10x512xi32, #tpu.memory_space<hbm>>
        %dma_start3A_43 = arith.constant 0 : i32
        %dma_start3A_44 = arith.constant 0 : i32
        %dma_start3A_45 = tpu.memref_slice %arg10[%dma_start3A_43, %dma_start3A_44] : memref<10x512xi32, #tpu.memory_space<vmem>> -> memref<10x512xi32, #tpu.memory_space<vmem>>
        %dma_start3A_46 = arith.constant 0 : i32
        %dma_start3A_47 = tpu.memref_slice %arg2[%add3A_18, %dma_start3A_46] : memref<320x512xi32, #tpu.memory_space<hbm>> -> memref<10x512xi32, #tpu.memory_space<hbm>>
        tpu.enqueue_dma source(%dma_start3A_47 : memref<10x512xi32, #tpu.memory_space<hbm>>) target(%dma_start3A_45 : memref<10x512xi32, #tpu.memory_space<vmem>>) target_semaphore(%run_scoped3A_37 : memref<!tpu.dma_semaphore, #tpu.memory_space<semaphore_mem>>)
        %dma_wait3A = arith.constant 0 : i32
        %dma_wait3A_48 = arith.constant 0 : i32
        %dma_wait3A_49 = tpu.memref_slice %arg10[%dma_wait3A, %dma_wait3A_48] : memref<10x512xi32, #tpu.memory_space<vmem>> -> memref<10x512xi32, #tpu.memory_space<vmem>>
        %dma_wait3A_50 = arith.constant 0 : i32
        %dma_wait3A_51 = tpu.memref_slice %arg2[%add3A_18, %dma_wait3A_50] : memref<320x512xi32, #tpu.memory_space<hbm>> -> memref<10x512xi32, #tpu.memory_space<hbm>>
        %dma_wait3A_52 = arith.constant 0 : i32
        %dma_wait3A_53 = arith.constant 0 : i32
        %dma_wait3A_54 = tpu.memref_slice %arg10[%dma_wait3A_52, %dma_wait3A_53] : memref<10x512xi32, #tpu.memory_space<vmem>> -> memref<10x512xi32, #tpu.memory_space<vmem>>
        %dma_wait3A_55 = arith.constant 0 : i32
        %dma_wait3A_56 = tpu.memref_slice %arg2[%add3A_18, %dma_wait3A_55] : memref<320x512xi32, #tpu.memory_space<hbm>> -> memref<10x512xi32, #tpu.memory_space<hbm>>
        tpu.wait_dma2 semaphore(%run_scoped3A_37 : memref<!tpu.dma_semaphore, #tpu.memory_space<semaphore_mem>>) src(%dma_wait3A_56 : memref<10x512xi32, #tpu.memory_space<hbm>>) dst(%dma_wait3A_54 : memref<10x512xi32, #tpu.memory_space<vmem>>)
        tpu.yield
      }) : () -> ()
      "tpu.region"() ({
        %run_scoped3A_37 = tpu.sem_alloc : memref<!tpu.dma_semaphore, #tpu.memory_space<semaphore_mem>>
        %dma_start3A_38 = arith.constant 0 : i32
        %dma_start3A_39 = arith.constant 0 : i32
        %dma_start3A_40 = tpu.memref_slice %arg11[%dma_start3A_38, %dma_start3A_39] : memref<10x512xi32, #tpu.memory_space<vmem>> -> memref<10x512xi32, #tpu.memory_space<vmem>>
        %dma_start3A_41 = arith.constant 0 : i32
        %dma_start3A_42 = tpu.memref_slice %arg3[%add3A_18, %dma_start3A_41] : memref<320x512xi32, #tpu.memory_space<hbm>> -> memref<10x512xi32, #tpu.memory_space<hbm>>
        %dma_start3A_43 = arith.constant 0 : i32
        %dma_start3A_44 = arith.constant 0 : i32
        %dma_start3A_45 = tpu.memref_slice %arg11[%dma_start3A_43, %dma_start3A_44] : memref<10x512xi32, #tpu.memory_space<vmem>> -> memref<10x512xi32, #tpu.memory_space<vmem>>
        %dma_start3A_46 = arith.constant 0 : i32
        %dma_start3A_47 = tpu.memref_slice %arg3[%add3A_18, %dma_start3A_46] : memref<320x512xi32, #tpu.memory_space<hbm>> -> memref<10x512xi32, #tpu.memory_space<hbm>>
        tpu.enqueue_dma source(%dma_start3A_47 : memref<10x512xi32, #tpu.memory_space<hbm>>) target(%dma_start3A_45 : memref<10x512xi32, #tpu.memory_space<vmem>>) target_semaphore(%run_scoped3A_37 : memref<!tpu.dma_semaphore, #tpu.memory_space<semaphore_mem>>)
        %dma_wait3A = arith.constant 0 : i32
        %dma_wait3A_48 = arith.constant 0 : i32
        %dma_wait3A_49 = tpu.memref_slice %arg11[%dma_wait3A, %dma_wait3A_48] : memref<10x512xi32, #tpu.memory_space<vmem>> -> memref<10x512xi32, #tpu.memory_space<vmem>>
        %dma_wait3A_50 = arith.constant 0 : i32
        %dma_wait3A_51 = tpu.memref_slice %arg3[%add3A_18, %dma_wait3A_50] : memref<320x512xi32, #tpu.memory_space<hbm>> -> memref<10x512xi32, #tpu.memory_space<hbm>>
        %dma_wait3A_52 = arith.constant 0 : i32
        %dma_wait3A_53 = arith.constant 0 : i32
        %dma_wait3A_54 = tpu.memref_slice %arg11[%dma_wait3A_52, %dma_wait3A_53] : memref<10x512xi32, #tpu.memory_space<vmem>> -> memref<10x512xi32, #tpu.memory_space<vmem>>
        %dma_wait3A_55 = arith.constant 0 : i32
        %dma_wait3A_56 = tpu.memref_slice %arg3[%add3A_18, %dma_wait3A_55] : memref<320x512xi32, #tpu.memory_space<hbm>> -> memref<10x512xi32, #tpu.memory_space<hbm>>
        tpu.wait_dma2 semaphore(%run_scoped3A_37 : memref<!tpu.dma_semaphore, #tpu.memory_space<semaphore_mem>>) src(%dma_wait3A_56 : memref<10x512xi32, #tpu.memory_space<hbm>>) dst(%dma_wait3A_54 : memref<10x512xi32, #tpu.memory_space<vmem>>)
        tpu.yield
      }) : () -> ()
      %dma_start3A = arith.constant 0 : i32
      %dma_start3A_19 = arith.constant 0 : i32
      %dma_start3A_20 = tpu.memref_slice %arg10[%dma_start3A, %dma_start3A_19] : memref<10x512xi32, #tpu.memory_space<vmem>> -> memref<1x512xi32, #tpu.memory_space<vmem>>
      %dma_start3A_21 = tpu.memref_squeeze %dma_start3A_20 : memref<1x512xi32, #tpu.memory_space<vmem>> -> memref<512xi32, #tpu.memory_space<vmem>>
      %dma_start3A_22 = arith.constant 0 : i32
      %dma_start3A_23 = arith.constant 0 : i32
      %dma_start3A_24 = tpu.memref_slice %arg9[%dma_start3A_22, %dma_start3A_23] : memref<10240x16xf32, #tpu.memory_space<hbm>> -> memref<10240x16xf32, #tpu.memory_space<hbm>>
      tpu.enqueue_indirect_dma source(%dma_start3A_24 : memref<10240x16xf32, #tpu.memory_space<hbm>>) target(%arg12 : memref<512x16xf32, #tpu.memory_space<vmem>>) offsets(%dma_start3A_21 : memref<512xi32, #tpu.memory_space<vmem>>) semaphore(%arg21 : memref<!tpu.dma_semaphore, #tpu.memory_space<semaphore_mem>>)
      %dma_start3A_25 = arith.constant 1 : i32
      %dma_start3A_26 = arith.constant 0 : i32
      %dma_start3A_27 = tpu.memref_slice %arg10[%dma_start3A_25, %dma_start3A_26] : memref<10x512xi32, #tpu.memory_space<vmem>> -> memref<1x512xi32, #tpu.memory_space<vmem>>
      %dma_start3A_28 = tpu.memref_squeeze %dma_start3A_27 : memref<1x512xi32, #tpu.memory_space<vmem>> -> memref<512xi32, #tpu.memory_space<vmem>>
      %dma_start3A_29 = arith.constant 0 : i32
      %dma_start3A_30 = arith.constant 0 : i32
      %dma_start3A_31 = tpu.memref_slice %arg9[%dma_start3A_29, %dma_start3A_30] : memref<10240x16xf32, #tpu.memory_space<hbm>> -> memref<10240x16xf32, #tpu.memory_space<hbm>>
      tpu.enqueue_indirect_dma source(%dma_start3A_31 : memref<10240x16xf32, #tpu.memory_space<hbm>>) target(%arg13 : memref<512x16xf32, #tpu.memory_space<vmem>>) offsets(%dma_start3A_28 : memref<512xi32, #tpu.memory_space<vmem>>) semaphore(%arg22 : memref<!tpu.dma_semaphore, #tpu.memory_space<semaphore_mem>>)
      %scan3A_32 = arith.constant 0 : i32
      %scan3A_33 = arith.constant 5 : i32
      %scan3A_34 = arith.addi %scan3A_32, %scan3A_33 : i32
      %scan3A_35 = arith.constant 1 : i32
      scf.for %scan3A_37 = %scan3A_32 to %scan3A_34 step %scan3A_35  : i32 {
        %mul3A_38 = arith.constant 2 : i32
        %mul3A_39 = arith.muli %scan3A_37, %mul3A_38 : i32
        %add3A_40 = arith.constant 0 : i32
        %add3A_41 = arith.addi %add3A_40, %mul3A_39 : i32
        %dma_wait3A = arith.constant 0 : i32
        %dma_wait3A_42 = tpu.memref_slice %arg10[%add3A_41, %dma_wait3A] : memref<10x512xi32, #tpu.memory_space<vmem>> -> memref<1x512xi32, #tpu.memory_space<vmem>>
        %dma_wait3A_43 = tpu.memref_squeeze %dma_wait3A_42 : memref<1x512xi32, #tpu.memory_space<vmem>> -> memref<512xi32, #tpu.memory_space<vmem>>
        %dma_wait3A_44 = arith.constant 0 : i32
        %dma_wait3A_45 = arith.constant 0 : i32
        %dma_wait3A_46 = tpu.memref_slice %arg9[%dma_wait3A_44, %dma_wait3A_45] : memref<10240x16xf32, #tpu.memory_space<hbm>> -> memref<10240x16xf32, #tpu.memory_space<hbm>>
        tpu.wait_indirect_dma semaphore(%arg21 : memref<!tpu.dma_semaphore, #tpu.memory_space<semaphore_mem>>) src(%dma_wait3A_46 : memref<10240x16xf32, #tpu.memory_space<hbm>>) dst(%arg12 : memref<512x16xf32, #tpu.memory_space<vmem>>)
        "tpu.region"() ({
          %run_scoped3A_60 = tpu.sem_alloc : memref<!tpu.dma_semaphore, #tpu.memory_space<semaphore_mem>>
          %dma_start3A_61 = arith.constant 0 : i32
          %dma_start3A_62 = tpu.memref_slice %arg11[%add3A_41, %dma_start3A_61] : memref<10x512xi32, #tpu.memory_space<vmem>> -> memref<1x512xi32, #tpu.memory_space<vmem>>
          %dma_start3A_63 = tpu.memref_squeeze %dma_start3A_62 : memref<1x512xi32, #tpu.memory_space<vmem>> -> memref<512xi32, #tpu.memory_space<vmem>>
          %dma_start3A_64 = arith.constant 0 : i32
          %dma_start3A_65 = arith.constant 0 : i32
          %dma_start3A_66 = tpu.memref_slice %arg20[%dma_start3A_64, %dma_start3A_65] : memref<10240x16xf32, #tpu.memory_space<vmem_shared>> -> memref<10240x16xf32, #tpu.memory_space<vmem_shared>>
          tpu.enqueue_indirect_dma source(%arg12 : memref<512x16xf32, #tpu.memory_space<vmem>>) target(%dma_start3A_66 : memref<10240x16xf32, #tpu.memory_space<vmem_shared>>) offsets(%dma_start3A_63 : memref<512xi32, #tpu.memory_space<vmem>>) semaphore(%run_scoped3A_60 : memref<!tpu.dma_semaphore, #tpu.memory_space<semaphore_mem>>) {add = true}
          %dma_wait3A_67 = arith.constant 0 : i32
          %dma_wait3A_68 = tpu.memref_slice %arg11[%add3A_41, %dma_wait3A_67] : memref<10x512xi32, #tpu.memory_space<vmem>> -> memref<1x512xi32, #tpu.memory_space<vmem>>
          %dma_wait3A_69 = tpu.memref_squeeze %dma_wait3A_68 : memref<1x512xi32, #tpu.memory_space<vmem>> -> memref<512xi32, #tpu.memory_space<vmem>>
          %dma_wait3A_70 = arith.constant 0 : i32
          %dma_wait3A_71 = arith.constant 0 : i32
          %dma_wait3A_72 = tpu.memref_slice %arg20[%dma_wait3A_70, %dma_wait3A_71] : memref<10240x16xf32, #tpu.memory_space<vmem_shared>> -> memref<10240x16xf32, #tpu.memory_space<vmem_shared>>
          tpu.wait_indirect_dma semaphore(%run_scoped3A_60 : memref<!tpu.dma_semaphore, #tpu.memory_space<semaphore_mem>>) src(%arg12 : memref<512x16xf32, #tpu.memory_space<vmem>>) dst(%dma_wait3A_72 : memref<10240x16xf32, #tpu.memory_space<vmem_shared>>)
          tpu.yield
        }) : () -> ()
        %add3A_47 = arith.constant 2 : i32
        %add3A_48 = arith.addi %add3A_41, %add3A_47 : i32
        %lt3A = arith.constant 10 : i32
        %lt3A_49 = arith.cmpi slt, %add3A_48, %lt3A : i32
        %convert_element_type3A_50 = arith.extui %lt3A_49 : i1 to i32
        %cond3A_51 = arith.constant 0 : i32
        %cond3A_52 = arith.cmpi ne, %convert_element_type3A_50, %cond3A_51 : i32
        scf.if %cond3A_52 {
          %add3A_60 = arith.constant 2 : i32
          %add3A_61 = arith.addi %add3A_41, %add3A_60 : i32
          %dma_start3A_62 = arith.constant 0 : i32
          %dma_start3A_63 = tpu.memref_slice %arg10[%add3A_61, %dma_start3A_62] : memref<10x512xi32, #tpu.memory_space<vmem>> -> memref<1x512xi32, #tpu.memory_space<vmem>>
          %dma_start3A_64 = tpu.memref_squeeze %dma_start3A_63 : memref<1x512xi32, #tpu.memory_space<vmem>> -> memref<512xi32, #tpu.memory_space<vmem>>
          %dma_start3A_65 = arith.constant 0 : i32
          %dma_start3A_66 = arith.constant 0 : i32
          %dma_start3A_67 = tpu.memref_slice %arg9[%dma_start3A_65, %dma_start3A_66] : memref<10240x16xf32, #tpu.memory_space<hbm>> -> memref<10240x16xf32, #tpu.memory_space<hbm>>
          tpu.enqueue_indirect_dma source(%dma_start3A_67 : memref<10240x16xf32, #tpu.memory_space<hbm>>) target(%arg12 : memref<512x16xf32, #tpu.memory_space<vmem>>) offsets(%dma_start3A_64 : memref<512xi32, #tpu.memory_space<vmem>>) semaphore(%arg21 : memref<!tpu.dma_semaphore, #tpu.memory_space<semaphore_mem>>)
        } else {
        }
        %add3A_53 = arith.constant 1 : i32
        %add3A_54 = arith.addi %add3A_41, %add3A_53 : i32
        %lt3A_55 = arith.constant 10 : i32
        %lt3A_56 = arith.cmpi slt, %add3A_54, %lt3A_55 : i32
        %convert_element_type3A_57 = arith.extui %lt3A_56 : i1 to i32
        %cond3A_58 = arith.constant 0 : i32
        %cond3A_59 = arith.cmpi ne, %convert_element_type3A_57, %cond3A_58 : i32
        scf.if %cond3A_59 {
          %add3A_60 = arith.constant 1 : i32
          %add3A_61 = arith.addi %add3A_41, %add3A_60 : i32
          %dma_wait3A_62 = arith.constant 0 : i32
          %dma_wait3A_63 = tpu.memref_slice %arg10[%add3A_61, %dma_wait3A_62] : memref<10x512xi32, #tpu.memory_space<vmem>> -> memref<1x512xi32, #tpu.memory_space<vmem>>
          %dma_wait3A_64 = tpu.memref_squeeze %dma_wait3A_63 : memref<1x512xi32, #tpu.memory_space<vmem>> -> memref<512xi32, #tpu.memory_space<vmem>>
          %dma_wait3A_65 = arith.constant 0 : i32
          %dma_wait3A_66 = arith.constant 0 : i32
          %dma_wait3A_67 = tpu.memref_slice %arg9[%dma_wait3A_65, %dma_wait3A_66] : memref<10240x16xf32, #tpu.memory_space<hbm>> -> memref<10240x16xf32, #tpu.memory_space<hbm>>
          tpu.wait_indirect_dma semaphore(%arg22 : memref<!tpu.dma_semaphore, #tpu.memory_space<semaphore_mem>>) src(%dma_wait3A_67 : memref<10240x16xf32, #tpu.memory_space<hbm>>) dst(%arg13 : memref<512x16xf32, #tpu.memory_space<vmem>>)
          %add3A_68 = arith.constant 1 : i32
          %add3A_69 = arith.addi %add3A_41, %add3A_68 : i32
          "tpu.region"() ({
            %run_scoped3A_77 = tpu.sem_alloc : memref<!tpu.dma_semaphore, #tpu.memory_space<semaphore_mem>>
            %dma_start3A_78 = arith.constant 0 : i32
            %dma_start3A_79 = tpu.memref_slice %arg11[%add3A_69, %dma_start3A_78] : memref<10x512xi32, #tpu.memory_space<vmem>> -> memref<1x512xi32, #tpu.memory_space<vmem>>
            %dma_start3A_80 = tpu.memref_squeeze %dma_start3A_79 : memref<1x512xi32, #tpu.memory_space<vmem>> -> memref<512xi32, #tpu.memory_space<vmem>>
            %dma_start3A_81 = arith.constant 0 : i32
            %dma_start3A_82 = arith.constant 0 : i32
            %dma_start3A_83 = tpu.memref_slice %arg20[%dma_start3A_81, %dma_start3A_82] : memref<10240x16xf32, #tpu.memory_space<vmem_shared>> -> memref<10240x16xf32, #tpu.memory_space<vmem_shared>>
            tpu.enqueue_indirect_dma source(%arg13 : memref<512x16xf32, #tpu.memory_space<vmem>>) target(%dma_start3A_83 : memref<10240x16xf32, #tpu.memory_space<vmem_shared>>) offsets(%dma_start3A_80 : memref<512xi32, #tpu.memory_space<vmem>>) semaphore(%run_scoped3A_77 : memref<!tpu.dma_semaphore, #tpu.memory_space<semaphore_mem>>) {add = true}
            %dma_wait3A_84 = arith.constant 0 : i32
            %dma_wait3A_85 = tpu.memref_slice %arg11[%add3A_69, %dma_wait3A_84] : memref<10x512xi32, #tpu.memory_space<vmem>> -> memref<1x512xi32, #tpu.memory_space<vmem>>
            %dma_wait3A_86 = tpu.memref_squeeze %dma_wait3A_85 : memref<1x512xi32, #tpu.memory_space<vmem>> -> memref<512xi32, #tpu.memory_space<vmem>>
            %dma_wait3A_87 = arith.constant 0 : i32
            %dma_wait3A_88 = arith.constant 0 : i32
            %dma_wait3A_89 = tpu.memref_slice %arg20[%dma_wait3A_87, %dma_wait3A_88] : memref<10240x16xf32, #tpu.memory_space<vmem_shared>> -> memref<10240x16xf32, #tpu.memory_space<vmem_shared>>
            tpu.wait_indirect_dma semaphore(%run_scoped3A_77 : memref<!tpu.dma_semaphore, #tpu.memory_space<semaphore_mem>>) src(%arg13 : memref<512x16xf32, #tpu.memory_space<vmem>>) dst(%dma_wait3A_89 : memref<10240x16xf32, #tpu.memory_space<vmem_shared>>)
            tpu.yield
          }) : () -> ()
          %add3A_70 = arith.constant 3 : i32
          %add3A_71 = arith.addi %add3A_41, %add3A_70 : i32
          %lt3A_72 = arith.constant 10 : i32
          %lt3A_73 = arith.cmpi slt, %add3A_71, %lt3A_72 : i32
          %convert_element_type3A_74 = arith.extui %lt3A_73 : i1 to i32
          %cond3A_75 = arith.constant 0 : i32
          %cond3A_76 = arith.cmpi ne, %convert_element_type3A_74, %cond3A_75 : i32
          scf.if %cond3A_76 {
            %add3A_77 = arith.constant 3 : i32
            %add3A_78 = arith.addi %add3A_41, %add3A_77 : i32
            %dma_start3A_79 = arith.constant 0 : i32
            %dma_start3A_80 = tpu.memref_slice %arg10[%add3A_78, %dma_start3A_79] : memref<10x512xi32, #tpu.memory_space<vmem>> -> memref<1x512xi32, #tpu.memory_space<vmem>>
            %dma_start3A_81 = tpu.memref_squeeze %dma_start3A_80 : memref<1x512xi32, #tpu.memory_space<vmem>> -> memref<512xi32, #tpu.memory_space<vmem>>
            %dma_start3A_82 = arith.constant 0 : i32
            %dma_start3A_83 = arith.constant 0 : i32
            %dma_start3A_84 = tpu.memref_slice %arg9[%dma_start3A_82, %dma_start3A_83] : memref<10240x16xf32, #tpu.memory_space<hbm>> -> memref<10240x16xf32, #tpu.memory_space<hbm>>
            tpu.enqueue_indirect_dma source(%dma_start3A_84 : memref<10240x16xf32, #tpu.memory_space<hbm>>) target(%arg13 : memref<512x16xf32, #tpu.memory_space<vmem>>) offsets(%dma_start3A_81 : memref<512xi32, #tpu.memory_space<vmem>>) semaphore(%arg22 : memref<!tpu.dma_semaphore, #tpu.memory_space<semaphore_mem>>)
          } else {
          }
        } else {
        }
      }
      %scan3A_36 = arith.constant 5 : i32
    } else {
    }
    %barrier3A_15 = arith.constant 0 : index
    tpu.barrier barrier_id(%barrier3A_15)
    "tpu.region"() ({
      %run_scoped3A_16 = tpu.sem_alloc : memref<!tpu.dma_semaphore, #tpu.memory_space<semaphore_mem>>
      %dma_start3A = arith.constant 0 : i32
      %dma_start3A_17 = tpu.memref_slice %arg8[%arg0, %mul3A_0, %dma_start3A] : memref<2x10240x16xf32, #tpu.memory_space<hbm>> -> memref<1x640x16xf32, #tpu.memory_space<hbm>>
      %dma_start3A_18 = tpu.memref_squeeze %dma_start3A_17 : memref<1x640x16xf32, #tpu.memory_space<hbm>> -> memref<640x16xf32, #tpu.memory_space<hbm>>
      %dma_start3A_19 = arith.constant 0 : i32
      %dma_start3A_20 = tpu.memref_slice %arg20[%mul3A_0, %dma_start3A_19] : memref<10240x16xf32, #tpu.memory_space<vmem_shared>> -> memref<640x16xf32, #tpu.memory_space<vmem_shared>>
      tpu.enqueue_dma source(%dma_start3A_20 : memref<640x16xf32, #tpu.memory_space<vmem_shared>>) target(%dma_start3A_18 : memref<640x16xf32, #tpu.memory_space<hbm>>) target_semaphore(%run_scoped3A_16 : memref<!tpu.dma_semaphore, #tpu.memory_space<semaphore_mem>>)
      %dma_wait3A = arith.constant 0 : i32
      %dma_wait3A_21 = tpu.memref_slice %arg8[%arg0, %mul3A_0, %dma_wait3A] : memref<2x10240x16xf32, #tpu.memory_space<hbm>> -> memref<1x640x16xf32, #tpu.memory_space<hbm>>
      %dma_wait3A_22 = tpu.memref_squeeze %dma_wait3A_21 : memref<1x640x16xf32, #tpu.memory_space<hbm>> -> memref<640x16xf32, #tpu.memory_space<hbm>>
      %dma_wait3A_23 = arith.constant 0 : i32
      %dma_wait3A_24 = tpu.memref_slice %arg20[%mul3A_0, %dma_wait3A_23] : memref<10240x16xf32, #tpu.memory_space<vmem_shared>> -> memref<640x16xf32, #tpu.memory_space<vmem_shared>>
      tpu.wait_dma2 semaphore(%run_scoped3A_16 : memref<!tpu.dma_semaphore, #tpu.memory_space<semaphore_mem>>) src(%dma_wait3A_24 : memref<640x16xf32, #tpu.memory_space<vmem_shared>>) dst(%dma_wait3A_22 : memref<640x16xf32, #tpu.memory_space<hbm>>)
      tpu.yield
    }) : () -> ()
    return
  }
}

#map = affine_map<(d0, d1) -> (0, 0)>
#map1 = affine_map<(d0, d1) -> (0, 0, 0)>
module attributes {stable_mosaic.version = 14 : i64} {
  func.func @k(%arg0: i32, %arg1: i32, %arg2: memref<320x512xi32, #tpu.memory_space<hbm>>, %arg3: memref<640x16xf32, #tpu.memory_space<hbm>>, %arg4: memref<2x10240x16xf32, #tpu.memory_space<hbm>>, %arg5: memref<10x512xi32, #tpu.memory_space<vmem>>, %arg6: memref<640x16xf32, #tpu.memory_space<vmem>>, %arg7: memref<10240x16xf32, #tpu.memory_space<vmem_shared>>, %arg8: memref<!tpu.dma_semaphore, #tpu.memory_space<semaphore_mem>>) attributes {dimension_semantics = [#tpu.dimension_semantics<core_parallel>, #tpu.dimension_semantics<subcore_parallel>], iteration_bounds = array<i64: 2, 16>, scalar_prefetch = 0 : i64, scratch_operands = 4 : i64, tpu.core_type = #tpu.core_type<sc_vector_subcore>, window_params = [{transform_indices = #map}, {transform_indices = #map}, {transform_indices = #map1}]} {
    %mul3A = arith.constant 640 : i32
    %mul3A_0 = arith.muli %arg1, %mul3A : i32
    "tpu.region"() ({
      %run_scoped3A = tpu.sem_alloc : memref<!tpu.dma_semaphore, #tpu.memory_space<semaphore_mem>>
      tpu.enqueue_dma source(%arg3 : memref<640x16xf32, #tpu.memory_space<hbm>>) target(%arg6 : memref<640x16xf32, #tpu.memory_space<vmem>>) target_semaphore(%run_scoped3A : memref<!tpu.dma_semaphore, #tpu.memory_space<semaphore_mem>>)
      tpu.wait_dma2 semaphore(%run_scoped3A : memref<!tpu.dma_semaphore, #tpu.memory_space<semaphore_mem>>) src(%arg3 : memref<640x16xf32, #tpu.memory_space<hbm>>) dst(%arg6 : memref<640x16xf32, #tpu.memory_space<vmem>>)
      tpu.yield
    }) : () -> ()
    "tpu.region"() ({
      %run_scoped3A = tpu.sem_alloc : memref<!tpu.dma_semaphore, #tpu.memory_space<semaphore_mem>>
      %dma_start3A = arith.constant 0 : i32
      %dma_start3A_9 = arith.constant 0 : i32
      %dma_start3A_10 = tpu.memref_slice %arg6[%dma_start3A, %dma_start3A_9] : memref<640x16xf32, #tpu.memory_space<vmem>> -> memref<640x16xf32, #tpu.memory_space<vmem>>
      %dma_start3A_11 = arith.constant 0 : i32
      %dma_start3A_12 = tpu.memref_slice %arg7[%mul3A_0, %dma_start3A_11] : memref<10240x16xf32, #tpu.memory_space<vmem_shared>> -> memref<640x16xf32, #tpu.memory_space<vmem_shared>>
      %dma_start3A_13 = arith.constant 0 : i32
      %dma_start3A_14 = tpu.memref_slice %arg7[%mul3A_0, %dma_start3A_13] : memref<10240x16xf32, #tpu.memory_space<vmem_shared>> -> memref<640x16xf32, #tpu.memory_space<vmem_shared>>
      %dma_start3A_15 = arith.constant 0 : i32
      %dma_start3A_16 = arith.constant 0 : i32
      %dma_start3A_17 = tpu.memref_slice %arg6[%dma_start3A_15, %dma_start3A_16] : memref<640x16xf32, #tpu.memory_space<vmem>> -> memref<640x16xf32, #tpu.memory_space<vmem>>
      tpu.enqueue_dma source(%dma_start3A_17 : memref<640x16xf32, #tpu.memory_space<vmem>>) target(%dma_start3A_14 : memref<640x16xf32, #tpu.memory_space<vmem_shared>>) target_semaphore(%run_scoped3A : memref<!tpu.dma_semaphore, #tpu.memory_space<semaphore_mem>>)
      %dma_wait3A = arith.constant 0 : i32
      %dma_wait3A_18 = arith.constant 0 : i32
      %dma_wait3A_19 = tpu.memref_slice %arg6[%dma_wait3A, %dma_wait3A_18] : memref<640x16xf32, #tpu.memory_space<vmem>> -> memref<640x16xf32, #tpu.memory_space<vmem>>
      %dma_wait3A_20 = arith.constant 0 : i32
      %dma_wait3A_21 = tpu.memref_slice %arg7[%mul3A_0, %dma_wait3A_20] : memref<10240x16xf32, #tpu.memory_space<vmem_shared>> -> memref<640x16xf32, #tpu.memory_space<vmem_shared>>
      %dma_wait3A_22 = arith.constant 0 : i32
      %dma_wait3A_23 = tpu.memref_slice %arg7[%mul3A_0, %dma_wait3A_22] : memref<10240x16xf32, #tpu.memory_space<vmem_shared>> -> memref<640x16xf32, #tpu.memory_space<vmem_shared>>
      %dma_wait3A_24 = arith.constant 0 : i32
      %dma_wait3A_25 = arith.constant 0 : i32
      %dma_wait3A_26 = tpu.memref_slice %arg6[%dma_wait3A_24, %dma_wait3A_25] : memref<640x16xf32, #tpu.memory_space<vmem>> -> memref<640x16xf32, #tpu.memory_space<vmem>>
      tpu.wait_dma2 semaphore(%run_scoped3A : memref<!tpu.dma_semaphore, #tpu.memory_space<semaphore_mem>>) src(%dma_wait3A_26 : memref<640x16xf32, #tpu.memory_space<vmem>>) dst(%dma_wait3A_23 : memref<640x16xf32, #tpu.memory_space<vmem_shared>>)
      tpu.yield
    }) : () -> ()
    %barrier3A = arith.constant 0 : index
    tpu.barrier barrier_id(%barrier3A)
    %eq3A = arith.constant 0 : i32
    %eq3A_1 = arith.cmpi eq, %arg0, %eq3A : i32
    %convert_element_type3A = arith.extui %eq3A_1 : i1 to i32
    %cond3A = arith.constant 0 : i32
    %cond3A_2 = arith.cmpi ne, %convert_element_type3A, %cond3A : i32
    scf.if %cond3A_2 {
      %mul3A_9 = arith.constant 10 : i32
      %mul3A_10 = arith.muli %arg1, %mul3A_9 : i32
      "tpu.region"() ({
        %run_scoped3A = tpu.sem_alloc : memref<!tpu.dma_semaphore, #tpu.memory_space<semaphore_mem>>
        %dma_start3A = arith.constant 0 : i32
        %dma_start3A_20 = arith.constant 0 : i32
        %dma_start3A_21 = tpu.memref_slice %arg5[%dma_start3A, %dma_start3A_20] : memref<10x512xi32, #tpu.memory_space<vmem>> -> memref<10x512xi32, #tpu.memory_space<vmem>>
        %dma_start3A_22 = arith.constant 0 : i32
        %dma_start3A_23 = tpu.memref_slice %arg2[%mul3A_10, %dma_start3A_22] : memref<320x512xi32, #tpu.memory_space<hbm>> -> memref<10x512xi32, #tpu.memory_space<hbm>>
        %dma_start3A_24 = arith.constant 0 : i32
        %dma_start3A_25 = arith.constant 0 : i32
        %dma_start3A_26 = tpu.memref_slice %arg5[%dma_start3A_24, %dma_start3A_25] : memref<10x512xi32, #tpu.memory_space<vmem>> -> memref<10x512xi32, #tpu.memory_space<vmem>>
        %dma_start3A_27 = arith.constant 0 : i32
        %dma_start3A_28 = tpu.memref_slice %arg2[%mul3A_10, %dma_start3A_27] : memref<320x512xi32, #tpu.memory_space<hbm>> -> memref<10x512xi32, #tpu.memory_space<hbm>>
        tpu.enqueue_dma source(%dma_start3A_28 : memref<10x512xi32, #tpu.memory_space<hbm>>) target(%dma_start3A_26 : memref<10x512xi32, #tpu.memory_space<vmem>>) target_semaphore(%run_scoped3A : memref<!tpu.dma_semaphore, #tpu.memory_space<semaphore_mem>>)
        %dma_wait3A = arith.constant 0 : i32
        %dma_wait3A_29 = arith.constant 0 : i32
        %dma_wait3A_30 = tpu.memref_slice %arg5[%dma_wait3A, %dma_wait3A_29] : memref<10x512xi32, #tpu.memory_space<vmem>> -> memref<10x512xi32, #tpu.memory_space<vmem>>
        %dma_wait3A_31 = arith.constant 0 : i32
        %dma_wait3A_32 = tpu.memref_slice %arg2[%mul3A_10, %dma_wait3A_31] : memref<320x512xi32, #tpu.memory_space<hbm>> -> memref<10x512xi32, #tpu.memory_space<hbm>>
        %dma_wait3A_33 = arith.constant 0 : i32
        %dma_wait3A_34 = arith.constant 0 : i32
        %dma_wait3A_35 = tpu.memref_slice %arg5[%dma_wait3A_33, %dma_wait3A_34] : memref<10x512xi32, #tpu.memory_space<vmem>> -> memref<10x512xi32, #tpu.memory_space<vmem>>
        %dma_wait3A_36 = arith.constant 0 : i32
        %dma_wait3A_37 = tpu.memref_slice %arg2[%mul3A_10, %dma_wait3A_36] : memref<320x512xi32, #tpu.memory_space<hbm>> -> memref<10x512xi32, #tpu.memory_space<hbm>>
        tpu.wait_dma2 semaphore(%run_scoped3A : memref<!tpu.dma_semaphore, #tpu.memory_space<semaphore_mem>>) src(%dma_wait3A_37 : memref<10x512xi32, #tpu.memory_space<hbm>>) dst(%dma_wait3A_35 : memref<10x512xi32, #tpu.memory_space<vmem>>)
        tpu.yield
      }) : () -> ()
      %scan3A = arith.constant 0 : i32
      %scan3A_11 = arith.constant 10 : i32
      %scan3A_12 = arith.addi %scan3A, %scan3A_11 : i32
      %scan3A_13 = arith.constant 1 : i32
      scf.for %scan3A_20 = %scan3A to %scan3A_12 step %scan3A_13  : i32 {
        %mul3A_21 = arith.constant 1 : i32
        %mul3A_22 = arith.muli %scan3A_20, %mul3A_21 : i32
        %add3A = arith.constant 0 : i32
        %add3A_23 = arith.addi %add3A, %mul3A_22 : i32
        %dma_start3A = arith.constant 0 : i32
        %dma_start3A_24 = arith.constant 0 : i32
        %dma_start3A_25 = tpu.memref_slice %arg6[%dma_start3A, %dma_start3A_24] : memref<640x16xf32, #tpu.memory_space<vmem>> -> memref<512x16xf32, #tpu.memory_space<vmem>>
        %dma_start3A_26 = arith.constant 0 : i32
        %dma_start3A_27 = tpu.memref_slice %arg5[%add3A_23, %dma_start3A_26] : memref<10x512xi32, #tpu.memory_space<vmem>> -> memref<1x512xi32, #tpu.memory_space<vmem>>
        %dma_start3A_28 = tpu.memref_squeeze %dma_start3A_27 : memref<1x512xi32, #tpu.memory_space<vmem>> -> memref<512xi32, #tpu.memory_space<vmem>>
        %dma_start3A_29 = arith.constant 0 : i32
        %dma_start3A_30 = arith.constant 0 : i32
        %dma_start3A_31 = tpu.memref_slice %arg7[%dma_start3A_29, %dma_start3A_30] : memref<10240x16xf32, #tpu.memory_space<vmem_shared>> -> memref<10240x16xf32, #tpu.memory_space<vmem_shared>>
        tpu.enqueue_indirect_dma source(%dma_start3A_25 : memref<512x16xf32, #tpu.memory_space<vmem>>) target(%dma_start3A_31 : memref<10240x16xf32, #tpu.memory_space<vmem_shared>>) offsets(%dma_start3A_28 : memref<512xi32, #tpu.memory_space<vmem>>) semaphore(%arg8 : memref<!tpu.dma_semaphore, #tpu.memory_space<semaphore_mem>>) {add = true}
      }
      %scan3A_14 = arith.constant 10 : i32
      %scan3A_15 = arith.constant 0 : i32
      %scan3A_16 = arith.constant 10 : i32
      %scan3A_17 = arith.addi %scan3A_15, %scan3A_16 : i32
      %scan3A_18 = arith.constant 1 : i32
      scf.for %scan3A_20 = %scan3A_15 to %scan3A_17 step %scan3A_18  : i32 {
        %mul3A_21 = arith.constant 1 : i32
        %mul3A_22 = arith.muli %scan3A_20, %mul3A_21 : i32
        %add3A = arith.constant 0 : i32
        %add3A_23 = arith.addi %add3A, %mul3A_22 : i32
        %dma_wait3A = arith.constant 0 : i32
        %dma_wait3A_24 = arith.constant 0 : i32
        %dma_wait3A_25 = tpu.memref_slice %arg6[%dma_wait3A, %dma_wait3A_24] : memref<640x16xf32, #tpu.memory_space<vmem>> -> memref<512x16xf32, #tpu.memory_space<vmem>>
        %dma_wait3A_26 = arith.constant 0 : i32
        %dma_wait3A_27 = tpu.memref_slice %arg5[%add3A_23, %dma_wait3A_26] : memref<10x512xi32, #tpu.memory_space<vmem>> -> memref<1x512xi32, #tpu.memory_space<vmem>>
        %dma_wait3A_28 = tpu.memref_squeeze %dma_wait3A_27 : memref<1x512xi32, #tpu.memory_space<vmem>> -> memref<512xi32, #tpu.memory_space<vmem>>
        %dma_wait3A_29 = arith.constant 0 : i32
        %dma_wait3A_30 = arith.constant 0 : i32
        %dma_wait3A_31 = tpu.memref_slice %arg7[%dma_wait3A_29, %dma_wait3A_30] : memref<10240x16xf32, #tpu.memory_space<vmem_shared>> -> memref<10240x16xf32, #tpu.memory_space<vmem_shared>>
        tpu.wait_indirect_dma semaphore(%arg8 : memref<!tpu.dma_semaphore, #tpu.memory_space<semaphore_mem>>) src(%dma_wait3A_25 : memref<512x16xf32, #tpu.memory_space<vmem>>) dst(%dma_wait3A_31 : memref<10240x16xf32, #tpu.memory_space<vmem_shared>>)
      }
      %scan3A_19 = arith.constant 10 : i32
    } else {
    }
    %eq3A_3 = arith.constant 1 : i32
    %eq3A_4 = arith.cmpi eq, %arg0, %eq3A_3 : i32
    %convert_element_type3A_5 = arith.extui %eq3A_4 : i1 to i32
    %cond3A_6 = arith.constant 0 : i32
    %cond3A_7 = arith.cmpi ne, %convert_element_type3A_5, %cond3A_6 : i32
    scf.if %cond3A_7 {
      %mul3A_9 = arith.constant 10 : i32
      %mul3A_10 = arith.muli %arg1, %mul3A_9 : i32
      %add3A = arith.constant 160 : i32
      %add3A_11 = arith.addi %add3A, %mul3A_10 : i32
      "tpu.region"() ({
        %run_scoped3A = tpu.sem_alloc : memref<!tpu.dma_semaphore, #tpu.memory_space<semaphore_mem>>
        %dma_start3A = arith.constant 0 : i32
        %dma_start3A_21 = arith.constant 0 : i32
        %dma_start3A_22 = tpu.memref_slice %arg5[%dma_start3A, %dma_start3A_21] : memref<10x512xi32, #tpu.memory_space<vmem>> -> memref<10x512xi32, #tpu.memory_space<vmem>>
        %dma_start3A_23 = arith.constant 0 : i32
        %dma_start3A_24 = tpu.memref_slice %arg2[%add3A_11, %dma_start3A_23] : memref<320x512xi32, #tpu.memory_space<hbm>> -> memref<10x512xi32, #tpu.memory_space<hbm>>
        %dma_start3A_25 = arith.constant 0 : i32
        %dma_start3A_26 = arith.constant 0 : i32
        %dma_start3A_27 = tpu.memref_slice %arg5[%dma_start3A_25, %dma_start3A_26] : memref<10x512xi32, #tpu.memory_space<vmem>> -> memref<10x512xi32, #tpu.memory_space<vmem>>
        %dma_start3A_28 = arith.constant 0 : i32
        %dma_start3A_29 = tpu.memref_slice %arg2[%add3A_11, %dma_start3A_28] : memref<320x512xi32, #tpu.memory_space<hbm>> -> memref<10x512xi32, #tpu.memory_space<hbm>>
        tpu.enqueue_dma source(%dma_start3A_29 : memref<10x512xi32, #tpu.memory_space<hbm>>) target(%dma_start3A_27 : memref<10x512xi32, #tpu.memory_space<vmem>>) target_semaphore(%run_scoped3A : memref<!tpu.dma_semaphore, #tpu.memory_space<semaphore_mem>>)
        %dma_wait3A = arith.constant 0 : i32
        %dma_wait3A_30 = arith.constant 0 : i32
        %dma_wait3A_31 = tpu.memref_slice %arg5[%dma_wait3A, %dma_wait3A_30] : memref<10x512xi32, #tpu.memory_space<vmem>> -> memref<10x512xi32, #tpu.memory_space<vmem>>
        %dma_wait3A_32 = arith.constant 0 : i32
        %dma_wait3A_33 = tpu.memref_slice %arg2[%add3A_11, %dma_wait3A_32] : memref<320x512xi32, #tpu.memory_space<hbm>> -> memref<10x512xi32, #tpu.memory_space<hbm>>
        %dma_wait3A_34 = arith.constant 0 : i32
        %dma_wait3A_35 = arith.constant 0 : i32
        %dma_wait3A_36 = tpu.memref_slice %arg5[%dma_wait3A_34, %dma_wait3A_35] : memref<10x512xi32, #tpu.memory_space<vmem>> -> memref<10x512xi32, #tpu.memory_space<vmem>>
        %dma_wait3A_37 = arith.constant 0 : i32
        %dma_wait3A_38 = tpu.memref_slice %arg2[%add3A_11, %dma_wait3A_37] : memref<320x512xi32, #tpu.memory_space<hbm>> -> memref<10x512xi32, #tpu.memory_space<hbm>>
        tpu.wait_dma2 semaphore(%run_scoped3A : memref<!tpu.dma_semaphore, #tpu.memory_space<semaphore_mem>>) src(%dma_wait3A_38 : memref<10x512xi32, #tpu.memory_space<hbm>>) dst(%dma_wait3A_36 : memref<10x512xi32, #tpu.memory_space<vmem>>)
        tpu.yield
      }) : () -> ()
      %scan3A = arith.constant 0 : i32
      %scan3A_12 = arith.constant 10 : i32
      %scan3A_13 = arith.addi %scan3A, %scan3A_12 : i32
      %scan3A_14 = arith.constant 1 : i32
      scf.for %scan3A_21 = %scan3A to %scan3A_13 step %scan3A_14  : i32 {
        %mul3A_22 = arith.constant 1 : i32
        %mul3A_23 = arith.muli %scan3A_21, %mul3A_22 : i32
        %add3A_24 = arith.constant 0 : i32
        %add3A_25 = arith.addi %add3A_24, %mul3A_23 : i32
        %dma_start3A = arith.constant 0 : i32
        %dma_start3A_26 = arith.constant 0 : i32
        %dma_start3A_27 = tpu.memref_slice %arg6[%dma_start3A, %dma_start3A_26] : memref<640x16xf32, #tpu.memory_space<vmem>> -> memref<512x16xf32, #tpu.memory_space<vmem>>
        %dma_start3A_28 = arith.constant 0 : i32
        %dma_start3A_29 = tpu.memref_slice %arg5[%add3A_25, %dma_start3A_28] : memref<10x512xi32, #tpu.memory_space<vmem>> -> memref<1x512xi32, #tpu.memory_space<vmem>>
        %dma_start3A_30 = tpu.memref_squeeze %dma_start3A_29 : memref<1x512xi32, #tpu.memory_space<vmem>> -> memref<512xi32, #tpu.memory_space<vmem>>
        %dma_start3A_31 = arith.constant 0 : i32
        %dma_start3A_32 = arith.constant 0 : i32
        %dma_start3A_33 = tpu.memref_slice %arg7[%dma_start3A_31, %dma_start3A_32] : memref<10240x16xf32, #tpu.memory_space<vmem_shared>> -> memref<10240x16xf32, #tpu.memory_space<vmem_shared>>
        tpu.enqueue_indirect_dma source(%dma_start3A_27 : memref<512x16xf32, #tpu.memory_space<vmem>>) target(%dma_start3A_33 : memref<10240x16xf32, #tpu.memory_space<vmem_shared>>) offsets(%dma_start3A_30 : memref<512xi32, #tpu.memory_space<vmem>>) semaphore(%arg8 : memref<!tpu.dma_semaphore, #tpu.memory_space<semaphore_mem>>) {add = true}
      }
      %scan3A_15 = arith.constant 10 : i32
      %scan3A_16 = arith.constant 0 : i32
      %scan3A_17 = arith.constant 10 : i32
      %scan3A_18 = arith.addi %scan3A_16, %scan3A_17 : i32
      %scan3A_19 = arith.constant 1 : i32
      scf.for %scan3A_21 = %scan3A_16 to %scan3A_18 step %scan3A_19  : i32 {
        %mul3A_22 = arith.constant 1 : i32
        %mul3A_23 = arith.muli %scan3A_21, %mul3A_22 : i32
        %add3A_24 = arith.constant 0 : i32
        %add3A_25 = arith.addi %add3A_24, %mul3A_23 : i32
        %dma_wait3A = arith.constant 0 : i32
        %dma_wait3A_26 = arith.constant 0 : i32
        %dma_wait3A_27 = tpu.memref_slice %arg6[%dma_wait3A, %dma_wait3A_26] : memref<640x16xf32, #tpu.memory_space<vmem>> -> memref<512x16xf32, #tpu.memory_space<vmem>>
        %dma_wait3A_28 = arith.constant 0 : i32
        %dma_wait3A_29 = tpu.memref_slice %arg5[%add3A_25, %dma_wait3A_28] : memref<10x512xi32, #tpu.memory_space<vmem>> -> memref<1x512xi32, #tpu.memory_space<vmem>>
        %dma_wait3A_30 = tpu.memref_squeeze %dma_wait3A_29 : memref<1x512xi32, #tpu.memory_space<vmem>> -> memref<512xi32, #tpu.memory_space<vmem>>
        %dma_wait3A_31 = arith.constant 0 : i32
        %dma_wait3A_32 = arith.constant 0 : i32
        %dma_wait3A_33 = tpu.memref_slice %arg7[%dma_wait3A_31, %dma_wait3A_32] : memref<10240x16xf32, #tpu.memory_space<vmem_shared>> -> memref<10240x16xf32, #tpu.memory_space<vmem_shared>>
        tpu.wait_indirect_dma semaphore(%arg8 : memref<!tpu.dma_semaphore, #tpu.memory_space<semaphore_mem>>) src(%dma_wait3A_27 : memref<512x16xf32, #tpu.memory_space<vmem>>) dst(%dma_wait3A_33 : memref<10240x16xf32, #tpu.memory_space<vmem_shared>>)
      }
      %scan3A_20 = arith.constant 10 : i32
    } else {
    }
    %barrier3A_8 = arith.constant 0 : index
    tpu.barrier barrier_id(%barrier3A_8)
    "tpu.region"() ({
      %run_scoped3A = tpu.sem_alloc : memref<!tpu.dma_semaphore, #tpu.memory_space<semaphore_mem>>
      %dma_start3A = arith.constant 0 : i32
      %dma_start3A_9 = tpu.memref_slice %arg4[%arg0, %mul3A_0, %dma_start3A] : memref<2x10240x16xf32, #tpu.memory_space<hbm>> -> memref<1x640x16xf32, #tpu.memory_space<hbm>>
      %dma_start3A_10 = tpu.memref_squeeze %dma_start3A_9 : memref<1x640x16xf32, #tpu.memory_space<hbm>> -> memref<640x16xf32, #tpu.memory_space<hbm>>
      %dma_start3A_11 = arith.constant 0 : i32
      %dma_start3A_12 = tpu.memref_slice %arg7[%mul3A_0, %dma_start3A_11] : memref<10240x16xf32, #tpu.memory_space<vmem_shared>> -> memref<640x16xf32, #tpu.memory_space<vmem_shared>>
      tpu.enqueue_dma source(%dma_start3A_12 : memref<640x16xf32, #tpu.memory_space<vmem_shared>>) target(%dma_start3A_10 : memref<640x16xf32, #tpu.memory_space<hbm>>) target_semaphore(%run_scoped3A : memref<!tpu.dma_semaphore, #tpu.memory_space<semaphore_mem>>)
      %dma_wait3A = arith.constant 0 : i32
      %dma_wait3A_13 = tpu.memref_slice %arg4[%arg0, %mul3A_0, %dma_wait3A] : memref<2x10240x16xf32, #tpu.memory_space<hbm>> -> memref<1x640x16xf32, #tpu.memory_space<hbm>>
      %dma_wait3A_14 = tpu.memref_squeeze %dma_wait3A_13 : memref<1x640x16xf32, #tpu.memory_space<hbm>> -> memref<640x16xf32, #tpu.memory_space<hbm>>
      %dma_wait3A_15 = arith.constant 0 : i32
      %dma_wait3A_16 = tpu.memref_slice %arg7[%mul3A_0, %dma_wait3A_15] : memref<10240x16xf32, #tpu.memory_space<vmem_shared>> -> memref<640x16xf32, #tpu.memory_space<vmem_shared>>
      tpu.wait_dma2 semaphore(%run_scoped3A : memref<!tpu.dma_semaphore, #tpu.memory_space<semaphore_mem>>) src(%dma_wait3A_16 : memref<640x16xf32, #tpu.memory_space<vmem_shared>>) dst(%dma_wait3A_14 : memref<640x16xf32, #tpu.memory_space<hbm>>)
      tpu.yield
    }) : () -> ()
    return
  }
}

#map = affine_map<(d0, d1) -> (0, 0)>
#map1 = affine_map<(d0, d1) -> (0, 0, 0)>
module attributes {stable_mosaic.version = 14 : i64} {
  func.func @k(%arg0: i32, %arg1: i32, %arg2: memref<320x512xi32, #tpu.memory_space<hbm>>, %arg3: memref<320x512xi32, #tpu.memory_space<hbm>>, %arg4: memref<2x10240x16xf32, #tpu.memory_space<hbm>>, %arg5: memref<10240x16xf32, #tpu.memory_space<hbm>>, %arg6: memref<2x10240x16xf32, #tpu.memory_space<hbm>>, %arg7: memref<10240x16xf32, #tpu.memory_space<hbm>>, %arg8: memref<10x512xi32, #tpu.memory_space<vmem>>, %arg9: memref<10x512xi32, #tpu.memory_space<vmem>>, %arg10: memref<512x16xf32, #tpu.memory_space<vmem>>, %arg11: memref<512x16xf32, #tpu.memory_space<vmem>>, %arg12: memref<640x16xf32, #tpu.memory_space<vmem>>, %arg13: memref<640x16xf32, #tpu.memory_space<vmem>>, %arg14: memref<640x16xf32, #tpu.memory_space<vmem>>, %arg15: memref<10240x16xf32, #tpu.memory_space<vmem_shared>>, %arg16: memref<!tpu.dma_semaphore, #tpu.memory_space<semaphore_mem>>, %arg17: memref<!tpu.dma_semaphore, #tpu.memory_space<semaphore_mem>>) attributes {dimension_semantics = [#tpu.dimension_semantics<core_parallel>, #tpu.dimension_semantics<subcore_parallel>], iteration_bounds = array<i64: 2, 16>, scalar_prefetch = 0 : i64, scratch_operands = 10 : i64, tpu.core_type = #tpu.core_type<sc_vector_subcore>, window_params = [{transform_indices = #map}, {transform_indices = #map}, {transform_indices = #map1}, {transform_indices = #map}, {transform_indices = #map1}, {transform_indices = #map}]} {
    %mul3A = arith.constant 640 : i32
    %mul3A_0 = arith.muli %arg1, %mul3A : i32
    %run_scoped3A = arith.constant 0 : i32
    "tpu.region"() ({
      %run_scoped3A_14 = tpu.sem_alloc : memref<!tpu.dma_semaphore, #tpu.memory_space<semaphore_mem>>
      %dma_start3A = arith.constant 0 : i32
      %dma_start3A_15 = tpu.memref_slice %arg4[%run_scoped3A, %mul3A_0, %dma_start3A] : memref<2x10240x16xf32, #tpu.memory_space<hbm>> -> memref<1x640x16xf32, #tpu.memory_space<hbm>>
      %dma_start3A_16 = tpu.memref_squeeze %dma_start3A_15 : memref<1x640x16xf32, #tpu.memory_space<hbm>> -> memref<640x16xf32, #tpu.memory_space<hbm>>
      %dma_start3A_17 = arith.constant 0 : i32
      %dma_start3A_18 = tpu.memref_slice %arg4[%run_scoped3A, %mul3A_0, %dma_start3A_17] : memref<2x10240x16xf32, #tpu.memory_space<hbm>> -> memref<1x640x16xf32, #tpu.memory_space<hbm>>
      %dma_start3A_19 = tpu.memref_squeeze %dma_start3A_18 : memref<1x640x16xf32, #tpu.memory_space<hbm>> -> memref<640x16xf32, #tpu.memory_space<hbm>>
      tpu.enqueue_dma source(%dma_start3A_19 : memref<640x16xf32, #tpu.memory_space<hbm>>) target(%arg12 : memref<640x16xf32, #tpu.memory_space<vmem>>) target_semaphore(%run_scoped3A_14 : memref<!tpu.dma_semaphore, #tpu.memory_space<semaphore_mem>>)
      %dma_wait3A = arith.constant 0 : i32
      %dma_wait3A_20 = tpu.memref_slice %arg4[%run_scoped3A, %mul3A_0, %dma_wait3A] : memref<2x10240x16xf32, #tpu.memory_space<hbm>> -> memref<1x640x16xf32, #tpu.memory_space<hbm>>
      %dma_wait3A_21 = tpu.memref_squeeze %dma_wait3A_20 : memref<1x640x16xf32, #tpu.memory_space<hbm>> -> memref<640x16xf32, #tpu.memory_space<hbm>>
      %dma_wait3A_22 = arith.constant 0 : i32
      %dma_wait3A_23 = tpu.memref_slice %arg4[%run_scoped3A, %mul3A_0, %dma_wait3A_22] : memref<2x10240x16xf32, #tpu.memory_space<hbm>> -> memref<1x640x16xf32, #tpu.memory_space<hbm>>
      %dma_wait3A_24 = tpu.memref_squeeze %dma_wait3A_23 : memref<1x640x16xf32, #tpu.memory_space<hbm>> -> memref<640x16xf32, #tpu.memory_space<hbm>>
      tpu.wait_dma2 semaphore(%run_scoped3A_14 : memref<!tpu.dma_semaphore, #tpu.memory_space<semaphore_mem>>) src(%dma_wait3A_24 : memref<640x16xf32, #tpu.memory_space<hbm>>) dst(%arg12 : memref<640x16xf32, #tpu.memory_space<vmem>>)
      tpu.yield
    }) : () -> ()
    %run_scoped3A_1 = arith.constant 1 : i32
    "tpu.region"() ({
      %run_scoped3A_14 = tpu.sem_alloc : memref<!tpu.dma_semaphore, #tpu.memory_space<semaphore_mem>>
      %dma_start3A = arith.constant 0 : i32
      %dma_start3A_15 = tpu.memref_slice %arg4[%run_scoped3A_1, %mul3A_0, %dma_start3A] : memref<2x10240x16xf32, #tpu.memory_space<hbm>> -> memref<1x640x16xf32, #tpu.memory_space<hbm>>
      %dma_start3A_16 = tpu.memref_squeeze %dma_start3A_15 : memref<1x640x16xf32, #tpu.memory_space<hbm>> -> memref<640x16xf32, #tpu.memory_space<hbm>>
      %dma_start3A_17 = arith.constant 0 : i32
      %dma_start3A_18 = tpu.memref_slice %arg4[%run_scoped3A_1, %mul3A_0, %dma_start3A_17] : memref<2x10240x16xf32, #tpu.memory_space<hbm>> -> memref<1x640x16xf32, #tpu.memory_space<hbm>>
      %dma_start3A_19 = tpu.memref_squeeze %dma_start3A_18 : memref<1x640x16xf32, #tpu.memory_space<hbm>> -> memref<640x16xf32, #tpu.memory_space<hbm>>
      tpu.enqueue_dma source(%dma_start3A_19 : memref<640x16xf32, #tpu.memory_space<hbm>>) target(%arg13 : memref<640x16xf32, #tpu.memory_space<vmem>>) target_semaphore(%run_scoped3A_14 : memref<!tpu.dma_semaphore, #tpu.memory_space<semaphore_mem>>)
      %dma_wait3A = arith.constant 0 : i32
      %dma_wait3A_20 = tpu.memref_slice %arg4[%run_scoped3A_1, %mul3A_0, %dma_wait3A] : memref<2x10240x16xf32, #tpu.memory_space<hbm>> -> memref<1x640x16xf32, #tpu.memory_space<hbm>>
      %dma_wait3A_21 = tpu.memref_squeeze %dma_wait3A_20 : memref<1x640x16xf32, #tpu.memory_space<hbm>> -> memref<640x16xf32, #tpu.memory_space<hbm>>
      %dma_wait3A_22 = arith.constant 0 : i32
      %dma_wait3A_23 = tpu.memref_slice %arg4[%run_scoped3A_1, %mul3A_0, %dma_wait3A_22] : memref<2x10240x16xf32, #tpu.memory_space<hbm>> -> memref<1x640x16xf32, #tpu.memory_space<hbm>>
      %dma_wait3A_24 = tpu.memref_squeeze %dma_wait3A_23 : memref<1x640x16xf32, #tpu.memory_space<hbm>> -> memref<640x16xf32, #tpu.memory_space<hbm>>
      tpu.wait_dma2 semaphore(%run_scoped3A_14 : memref<!tpu.dma_semaphore, #tpu.memory_space<semaphore_mem>>) src(%dma_wait3A_24 : memref<640x16xf32, #tpu.memory_space<hbm>>) dst(%arg13 : memref<640x16xf32, #tpu.memory_space<vmem>>)
      tpu.yield
    }) : () -> ()
    "tpu.region"() ({
      %run_scoped3A_14 = tpu.sem_alloc : memref<!tpu.dma_semaphore, #tpu.memory_space<semaphore_mem>>
      %dma_start3A = arith.constant 0 : i32
      %dma_start3A_15 = tpu.memref_slice %arg5[%mul3A_0, %dma_start3A] : memref<10240x16xf32, #tpu.memory_space<hbm>> -> memref<640x16xf32, #tpu.memory_space<hbm>>
      %dma_start3A_16 = arith.constant 0 : i32
      %dma_start3A_17 = tpu.memref_slice %arg5[%mul3A_0, %dma_start3A_16] : memref<10240x16xf32, #tpu.memory_space<hbm>> -> memref<640x16xf32, #tpu.memory_space<hbm>>
      tpu.enqueue_dma source(%dma_start3A_17 : memref<640x16xf32, #tpu.memory_space<hbm>>) target(%arg14 : memref<640x16xf32, #tpu.memory_space<vmem>>) target_semaphore(%run_scoped3A_14 : memref<!tpu.dma_semaphore, #tpu.memory_space<semaphore_mem>>)
      %dma_wait3A = arith.constant 0 : i32
      %dma_wait3A_18 = tpu.memref_slice %arg5[%mul3A_0, %dma_wait3A] : memref<10240x16xf32, #tpu.memory_space<hbm>> -> memref<640x16xf32, #tpu.memory_space<hbm>>
      %dma_wait3A_19 = arith.constant 0 : i32
      %dma_wait3A_20 = tpu.memref_slice %arg5[%mul3A_0, %dma_wait3A_19] : memref<10240x16xf32, #tpu.memory_space<hbm>> -> memref<640x16xf32, #tpu.memory_space<hbm>>
      tpu.wait_dma2 semaphore(%run_scoped3A_14 : memref<!tpu.dma_semaphore, #tpu.memory_space<semaphore_mem>>) src(%dma_wait3A_20 : memref<640x16xf32, #tpu.memory_space<hbm>>) dst(%arg14 : memref<640x16xf32, #tpu.memory_space<vmem>>)
      tpu.yield
    }) : () -> ()
    %scan3A = arith.constant 0 : i32
    %scan3A_2 = arith.constant 640 : i32
    %scan3A_3 = arith.addi %scan3A, %scan3A_2 : i32
    %scan3A_4 = arith.constant 1 : i32
    scf.for %scan3A_14 = %scan3A to %scan3A_3 step %scan3A_4  : i32 {
      %mul3A_15 = arith.constant 1 : i32
      %mul3A_16 = arith.muli %scan3A_14, %mul3A_15 : i32
      %add3A = arith.constant 0 : i32
      %add3A_17 = arith.addi %add3A, %mul3A_16 : i32
      %get3A = arith.index_cast %add3A_17 : i32 to index
      %get3A_18 = arith.constant 0 : index
      %get3A_19 = tpu.vector_load %arg12[%get3A, %get3A_18] {strides = array<i32>} : memref<640x16xf32, #tpu.memory_space<vmem>>, vector<16xf32>,
      %get3A_20 = arith.index_cast %add3A_17 : i32 to index
      %get3A_21 = arith.constant 0 : index
      %get3A_22 = tpu.vector_load %arg13[%get3A_20, %get3A_21] {strides = array<i32>} : memref<640x16xf32, #tpu.memory_space<vmem>>, vector<16xf32>,
      %add3A_23 = arith.addf %get3A_19, %get3A_22 : vector<16xf32>
      %sub3A = arith.constant 1.000000e+00 : f32
      %sub3A_24 = vector.broadcast %sub3A : f32 to vector<16xf32>
      %sub3A_25 = arith.subf %add3A_23, %sub3A_24 : vector<16xf32>
      %bitcast3A = vector.bitcast %sub3A_25 : vector<16xf32> to vector<16xi32>
      %shift_right_arithmetic3A = arith.constant 1 : i32
      %shift_right_arithmetic3A_26 = vector.broadcast %shift_right_arithmetic3A : i32 to vector<16xi32>
      %shift_right_arithmetic3A_27 = arith.shrsi %bitcast3A, %shift_right_arithmetic3A_26 : vector<16xi32>
      %sub3A_28 = arith.constant 1597463007 : i32
      %sub3A_29 = vector.broadcast %sub3A_28 : i32 to vector<16xi32>
      %sub3A_30 = arith.subi %sub3A_29, %shift_right_arithmetic3A_27 : vector<16xi32>
      %bitcast3A_31 = vector.bitcast %sub3A_30 : vector<16xi32> to vector<16xf32>
      %mul3A_32 = arith.constant 5.000000e-01 : f32
      %mul3A_33 = vector.broadcast %mul3A_32 : f32 to vector<16xf32>
      %mul3A_34 = arith.mulf %mul3A_33, %sub3A_25 : vector<16xf32>
      %mul3A_35 = arith.mulf %mul3A_34, %bitcast3A_31 : vector<16xf32>
      %mul3A_36 = arith.mulf %mul3A_35, %bitcast3A_31 : vector<16xf32>
      %sub3A_37 = arith.constant 1.500000e+00 : f32
      %sub3A_38 = vector.broadcast %sub3A_37 : f32 to vector<16xf32>
      %sub3A_39 = arith.subf %sub3A_38, %mul3A_36 : vector<16xf32>
      %mul3A_40 = arith.mulf %bitcast3A_31, %sub3A_39 : vector<16xf32>
      %mul3A_41 = arith.constant 5.000000e-01 : f32
      %mul3A_42 = vector.broadcast %mul3A_41 : f32 to vector<16xf32>
      %mul3A_43 = arith.mulf %mul3A_42, %sub3A_25 : vector<16xf32>
      %mul3A_44 = arith.mulf %mul3A_43, %mul3A_40 : vector<16xf32>
      %mul3A_45 = arith.mulf %mul3A_44, %mul3A_40 : vector<16xf32>
      %sub3A_46 = arith.constant 1.500000e+00 : f32
      %sub3A_47 = vector.broadcast %sub3A_46 : f32 to vector<16xf32>
      %sub3A_48 = arith.subf %sub3A_47, %mul3A_45 : vector<16xf32>
      %mul3A_49 = arith.mulf %mul3A_40, %sub3A_48 : vector<16xf32>
      %mul3A_50 = arith.constant 5.000000e-01 : f32
      %mul3A_51 = vector.broadcast %mul3A_50 : f32 to vector<16xf32>
      %mul3A_52 = arith.mulf %mul3A_51, %sub3A_25 : vector<16xf32>
      %mul3A_53 = arith.mulf %mul3A_52, %mul3A_49 : vector<16xf32>
      %mul3A_54 = arith.mulf %mul3A_53, %mul3A_49 : vector<16xf32>
      %sub3A_55 = arith.constant 1.500000e+00 : f32
      %sub3A_56 = vector.broadcast %sub3A_55 : f32 to vector<16xf32>
      %sub3A_57 = arith.subf %sub3A_56, %mul3A_54 : vector<16xf32>
      %mul3A_58 = arith.mulf %mul3A_49, %sub3A_57 : vector<16xf32>
      %get3A_59 = arith.index_cast %add3A_17 : i32 to index
      %get3A_60 = arith.constant 0 : index
      %get3A_61 = tpu.vector_load %arg14[%get3A_59, %get3A_60] {strides = array<i32>} : memref<640x16xf32, #tpu.memory_space<vmem>>, vector<16xf32>,
      %mul3A_62 = arith.mulf %get3A_61, %mul3A_58 : vector<16xf32>
      %swap3A = arith.index_cast %add3A_17 : i32 to index
      %swap3A_63 = arith.constant 0 : index
      %swap3A_64 = tpu.vector_load %arg14[%swap3A, %swap3A_63] {strides = array<i32>} : memref<640x16xf32, #tpu.memory_space<vmem>>, vector<16xf32>,
      tpu.vector_store %arg14[%swap3A, %swap3A_63], %mul3A_62 {strides = array<i32>} : memref<640x16xf32, #tpu.memory_space<vmem>>, vector<16xf32>,
    }
    %scan3A_5 = arith.constant 640 : i32
    "tpu.region"() ({
      %run_scoped3A_14 = tpu.sem_alloc : memref<!tpu.dma_semaphore, #tpu.memory_space<semaphore_mem>>
      %dma_start3A = arith.constant 0 : i32
      %dma_start3A_15 = tpu.memref_slice %arg7[%mul3A_0, %dma_start3A] : memref<10240x16xf32, #tpu.memory_space<hbm>> -> memref<640x16xf32, #tpu.memory_space<hbm>>
      %dma_start3A_16 = arith.constant 0 : i32
      %dma_start3A_17 = tpu.memref_slice %arg7[%mul3A_0, %dma_start3A_16] : memref<10240x16xf32, #tpu.memory_space<hbm>> -> memref<640x16xf32, #tpu.memory_space<hbm>>
      tpu.enqueue_dma source(%arg14 : memref<640x16xf32, #tpu.memory_space<vmem>>) target(%dma_start3A_17 : memref<640x16xf32, #tpu.memory_space<hbm>>) target_semaphore(%run_scoped3A_14 : memref<!tpu.dma_semaphore, #tpu.memory_space<semaphore_mem>>)
      %dma_wait3A = arith.constant 0 : i32
      %dma_wait3A_18 = tpu.memref_slice %arg7[%mul3A_0, %dma_wait3A] : memref<10240x16xf32, #tpu.memory_space<hbm>> -> memref<640x16xf32, #tpu.memory_space<hbm>>
      %dma_wait3A_19 = arith.constant 0 : i32
      %dma_wait3A_20 = tpu.memref_slice %arg7[%mul3A_0, %dma_wait3A_19] : memref<10240x16xf32, #tpu.memory_space<hbm>> -> memref<640x16xf32, #tpu.memory_space<hbm>>
      tpu.wait_dma2 semaphore(%run_scoped3A_14 : memref<!tpu.dma_semaphore, #tpu.memory_space<semaphore_mem>>) src(%arg14 : memref<640x16xf32, #tpu.memory_space<vmem>>) dst(%dma_wait3A_20 : memref<640x16xf32, #tpu.memory_space<hbm>>)
      tpu.yield
    }) : () -> ()
    "tpu.region"() ({
      %run_scoped3A_14 = tpu.sem_alloc : memref<!tpu.dma_semaphore, #tpu.memory_space<semaphore_mem>>
      %dma_start3A = arith.constant 0 : i32
      %dma_start3A_15 = tpu.memref_slice %arg15[%mul3A_0, %dma_start3A] : memref<10240x16xf32, #tpu.memory_space<vmem_shared>> -> memref<640x16xf32, #tpu.memory_space<vmem_shared>>
      %dma_start3A_16 = arith.constant 0 : i32
      %dma_start3A_17 = tpu.memref_slice %arg15[%mul3A_0, %dma_start3A_16] : memref<10240x16xf32, #tpu.memory_space<vmem_shared>> -> memref<640x16xf32, #tpu.memory_space<vmem_shared>>
      tpu.enqueue_dma source(%arg14 : memref<640x16xf32, #tpu.memory_space<vmem>>) target(%dma_start3A_17 : memref<640x16xf32, #tpu.memory_space<vmem_shared>>) target_semaphore(%run_scoped3A_14 : memref<!tpu.dma_semaphore, #tpu.memory_space<semaphore_mem>>)
      %dma_wait3A = arith.constant 0 : i32
      %dma_wait3A_18 = tpu.memref_slice %arg15[%mul3A_0, %dma_wait3A] : memref<10240x16xf32, #tpu.memory_space<vmem_shared>> -> memref<640x16xf32, #tpu.memory_space<vmem_shared>>
      %dma_wait3A_19 = arith.constant 0 : i32
      %dma_wait3A_20 = tpu.memref_slice %arg15[%mul3A_0, %dma_wait3A_19] : memref<10240x16xf32, #tpu.memory_space<vmem_shared>> -> memref<640x16xf32, #tpu.memory_space<vmem_shared>>
      tpu.wait_dma2 semaphore(%run_scoped3A_14 : memref<!tpu.dma_semaphore, #tpu.memory_space<semaphore_mem>>) src(%arg14 : memref<640x16xf32, #tpu.memory_space<vmem>>) dst(%dma_wait3A_20 : memref<640x16xf32, #tpu.memory_space<vmem_shared>>)
      tpu.yield
    }) : () -> ()
    %barrier3A = arith.constant 0 : index
    tpu.barrier barrier_id(%barrier3A)
    %eq3A = arith.constant 0 : i32
    %eq3A_6 = arith.cmpi eq, %arg0, %eq3A : i32
    %convert_element_type3A = arith.extui %eq3A_6 : i1 to i32
    %cond3A = arith.constant 0 : i32
    %cond3A_7 = arith.cmpi ne, %convert_element_type3A, %cond3A : i32
    scf.if %cond3A_7 {
      %mul3A_14 = arith.constant 10 : i32
      %mul3A_15 = arith.muli %arg1, %mul3A_14 : i32
      "tpu.region"() ({
        %run_scoped3A_34 = tpu.sem_alloc : memref<!tpu.dma_semaphore, #tpu.memory_space<semaphore_mem>>
        %dma_start3A_35 = arith.constant 0 : i32
        %dma_start3A_36 = arith.constant 0 : i32
        %dma_start3A_37 = tpu.memref_slice %arg8[%dma_start3A_35, %dma_start3A_36] : memref<10x512xi32, #tpu.memory_space<vmem>> -> memref<10x512xi32, #tpu.memory_space<vmem>>
        %dma_start3A_38 = arith.constant 0 : i32
        %dma_start3A_39 = tpu.memref_slice %arg2[%mul3A_15, %dma_start3A_38] : memref<320x512xi32, #tpu.memory_space<hbm>> -> memref<10x512xi32, #tpu.memory_space<hbm>>
        %dma_start3A_40 = arith.constant 0 : i32
        %dma_start3A_41 = arith.constant 0 : i32
        %dma_start3A_42 = tpu.memref_slice %arg8[%dma_start3A_40, %dma_start3A_41] : memref<10x512xi32, #tpu.memory_space<vmem>> -> memref<10x512xi32, #tpu.memory_space<vmem>>
        %dma_start3A_43 = arith.constant 0 : i32
        %dma_start3A_44 = tpu.memref_slice %arg2[%mul3A_15, %dma_start3A_43] : memref<320x512xi32, #tpu.memory_space<hbm>> -> memref<10x512xi32, #tpu.memory_space<hbm>>
        tpu.enqueue_dma source(%dma_start3A_44 : memref<10x512xi32, #tpu.memory_space<hbm>>) target(%dma_start3A_42 : memref<10x512xi32, #tpu.memory_space<vmem>>) target_semaphore(%run_scoped3A_34 : memref<!tpu.dma_semaphore, #tpu.memory_space<semaphore_mem>>)
        %dma_wait3A = arith.constant 0 : i32
        %dma_wait3A_45 = arith.constant 0 : i32
        %dma_wait3A_46 = tpu.memref_slice %arg8[%dma_wait3A, %dma_wait3A_45] : memref<10x512xi32, #tpu.memory_space<vmem>> -> memref<10x512xi32, #tpu.memory_space<vmem>>
        %dma_wait3A_47 = arith.constant 0 : i32
        %dma_wait3A_48 = tpu.memref_slice %arg2[%mul3A_15, %dma_wait3A_47] : memref<320x512xi32, #tpu.memory_space<hbm>> -> memref<10x512xi32, #tpu.memory_space<hbm>>
        %dma_wait3A_49 = arith.constant 0 : i32
        %dma_wait3A_50 = arith.constant 0 : i32
        %dma_wait3A_51 = tpu.memref_slice %arg8[%dma_wait3A_49, %dma_wait3A_50] : memref<10x512xi32, #tpu.memory_space<vmem>> -> memref<10x512xi32, #tpu.memory_space<vmem>>
        %dma_wait3A_52 = arith.constant 0 : i32
        %dma_wait3A_53 = tpu.memref_slice %arg2[%mul3A_15, %dma_wait3A_52] : memref<320x512xi32, #tpu.memory_space<hbm>> -> memref<10x512xi32, #tpu.memory_space<hbm>>
        tpu.wait_dma2 semaphore(%run_scoped3A_34 : memref<!tpu.dma_semaphore, #tpu.memory_space<semaphore_mem>>) src(%dma_wait3A_53 : memref<10x512xi32, #tpu.memory_space<hbm>>) dst(%dma_wait3A_51 : memref<10x512xi32, #tpu.memory_space<vmem>>)
        tpu.yield
      }) : () -> ()
      "tpu.region"() ({
        %run_scoped3A_34 = tpu.sem_alloc : memref<!tpu.dma_semaphore, #tpu.memory_space<semaphore_mem>>
        %dma_start3A_35 = arith.constant 0 : i32
        %dma_start3A_36 = arith.constant 0 : i32
        %dma_start3A_37 = tpu.memref_slice %arg9[%dma_start3A_35, %dma_start3A_36] : memref<10x512xi32, #tpu.memory_space<vmem>> -> memref<10x512xi32, #tpu.memory_space<vmem>>
        %dma_start3A_38 = arith.constant 0 : i32
        %dma_start3A_39 = tpu.memref_slice %arg3[%mul3A_15, %dma_start3A_38] : memref<320x512xi32, #tpu.memory_space<hbm>> -> memref<10x512xi32, #tpu.memory_space<hbm>>
        %dma_start3A_40 = arith.constant 0 : i32
        %dma_start3A_41 = arith.constant 0 : i32
        %dma_start3A_42 = tpu.memref_slice %arg9[%dma_start3A_40, %dma_start3A_41] : memref<10x512xi32, #tpu.memory_space<vmem>> -> memref<10x512xi32, #tpu.memory_space<vmem>>
        %dma_start3A_43 = arith.constant 0 : i32
        %dma_start3A_44 = tpu.memref_slice %arg3[%mul3A_15, %dma_start3A_43] : memref<320x512xi32, #tpu.memory_space<hbm>> -> memref<10x512xi32, #tpu.memory_space<hbm>>
        tpu.enqueue_dma source(%dma_start3A_44 : memref<10x512xi32, #tpu.memory_space<hbm>>) target(%dma_start3A_42 : memref<10x512xi32, #tpu.memory_space<vmem>>) target_semaphore(%run_scoped3A_34 : memref<!tpu.dma_semaphore, #tpu.memory_space<semaphore_mem>>)
        %dma_wait3A = arith.constant 0 : i32
        %dma_wait3A_45 = arith.constant 0 : i32
        %dma_wait3A_46 = tpu.memref_slice %arg9[%dma_wait3A, %dma_wait3A_45] : memref<10x512xi32, #tpu.memory_space<vmem>> -> memref<10x512xi32, #tpu.memory_space<vmem>>
        %dma_wait3A_47 = arith.constant 0 : i32
        %dma_wait3A_48 = tpu.memref_slice %arg3[%mul3A_15, %dma_wait3A_47] : memref<320x512xi32, #tpu.memory_space<hbm>> -> memref<10x512xi32, #tpu.memory_space<hbm>>
        %dma_wait3A_49 = arith.constant 0 : i32
        %dma_wait3A_50 = arith.constant 0 : i32
        %dma_wait3A_51 = tpu.memref_slice %arg9[%dma_wait3A_49, %dma_wait3A_50] : memref<10x512xi32, #tpu.memory_space<vmem>> -> memref<10x512xi32, #tpu.memory_space<vmem>>
        %dma_wait3A_52 = arith.constant 0 : i32
        %dma_wait3A_53 = tpu.memref_slice %arg3[%mul3A_15, %dma_wait3A_52] : memref<320x512xi32, #tpu.memory_space<hbm>> -> memref<10x512xi32, #tpu.memory_space<hbm>>
        tpu.wait_dma2 semaphore(%run_scoped3A_34 : memref<!tpu.dma_semaphore, #tpu.memory_space<semaphore_mem>>) src(%dma_wait3A_53 : memref<10x512xi32, #tpu.memory_space<hbm>>) dst(%dma_wait3A_51 : memref<10x512xi32, #tpu.memory_space<vmem>>)
        tpu.yield
      }) : () -> ()
      %dma_start3A = arith.constant 0 : i32
      %dma_start3A_16 = arith.constant 0 : i32
      %dma_start3A_17 = tpu.memref_slice %arg8[%dma_start3A, %dma_start3A_16] : memref<10x512xi32, #tpu.memory_space<vmem>> -> memref<1x512xi32, #tpu.memory_space<vmem>>
      %dma_start3A_18 = tpu.memref_squeeze %dma_start3A_17 : memref<1x512xi32, #tpu.memory_space<vmem>> -> memref<512xi32, #tpu.memory_space<vmem>>
      %dma_start3A_19 = arith.constant 0 : i32
      %dma_start3A_20 = arith.constant 0 : i32
      %dma_start3A_21 = tpu.memref_slice %arg7[%dma_start3A_19, %dma_start3A_20] : memref<10240x16xf32, #tpu.memory_space<hbm>> -> memref<10240x16xf32, #tpu.memory_space<hbm>>
      tpu.enqueue_indirect_dma source(%dma_start3A_21 : memref<10240x16xf32, #tpu.memory_space<hbm>>) target(%arg10 : memref<512x16xf32, #tpu.memory_space<vmem>>) offsets(%dma_start3A_18 : memref<512xi32, #tpu.memory_space<vmem>>) semaphore(%arg16 : memref<!tpu.dma_semaphore, #tpu.memory_space<semaphore_mem>>)
      %dma_start3A_22 = arith.constant 1 : i32
      %dma_start3A_23 = arith.constant 0 : i32
      %dma_start3A_24 = tpu.memref_slice %arg8[%dma_start3A_22, %dma_start3A_23] : memref<10x512xi32, #tpu.memory_space<vmem>> -> memref<1x512xi32, #tpu.memory_space<vmem>>
      %dma_start3A_25 = tpu.memref_squeeze %dma_start3A_24 : memref<1x512xi32, #tpu.memory_space<vmem>> -> memref<512xi32, #tpu.memory_space<vmem>>
      %dma_start3A_26 = arith.constant 0 : i32
      %dma_start3A_27 = arith.constant 0 : i32
      %dma_start3A_28 = tpu.memref_slice %arg7[%dma_start3A_26, %dma_start3A_27] : memref<10240x16xf32, #tpu.memory_space<hbm>> -> memref<10240x16xf32, #tpu.memory_space<hbm>>
      tpu.enqueue_indirect_dma source(%dma_start3A_28 : memref<10240x16xf32, #tpu.memory_space<hbm>>) target(%arg11 : memref<512x16xf32, #tpu.memory_space<vmem>>) offsets(%dma_start3A_25 : memref<512xi32, #tpu.memory_space<vmem>>) semaphore(%arg17 : memref<!tpu.dma_semaphore, #tpu.memory_space<semaphore_mem>>)
      %scan3A_29 = arith.constant 0 : i32
      %scan3A_30 = arith.constant 5 : i32
      %scan3A_31 = arith.addi %scan3A_29, %scan3A_30 : i32
      %scan3A_32 = arith.constant 1 : i32
      scf.for %scan3A_34 = %scan3A_29 to %scan3A_31 step %scan3A_32  : i32 {
        %mul3A_35 = arith.constant 2 : i32
        %mul3A_36 = arith.muli %scan3A_34, %mul3A_35 : i32
        %add3A = arith.constant 0 : i32
        %add3A_37 = arith.addi %add3A, %mul3A_36 : i32
        %dma_wait3A = arith.constant 0 : i32
        %dma_wait3A_38 = tpu.memref_slice %arg8[%add3A_37, %dma_wait3A] : memref<10x512xi32, #tpu.memory_space<vmem>> -> memref<1x512xi32, #tpu.memory_space<vmem>>
        %dma_wait3A_39 = tpu.memref_squeeze %dma_wait3A_38 : memref<1x512xi32, #tpu.memory_space<vmem>> -> memref<512xi32, #tpu.memory_space<vmem>>
        %dma_wait3A_40 = arith.constant 0 : i32
        %dma_wait3A_41 = arith.constant 0 : i32
        %dma_wait3A_42 = tpu.memref_slice %arg7[%dma_wait3A_40, %dma_wait3A_41] : memref<10240x16xf32, #tpu.memory_space<hbm>> -> memref<10240x16xf32, #tpu.memory_space<hbm>>
        tpu.wait_indirect_dma semaphore(%arg16 : memref<!tpu.dma_semaphore, #tpu.memory_space<semaphore_mem>>) src(%dma_wait3A_42 : memref<10240x16xf32, #tpu.memory_space<hbm>>) dst(%arg10 : memref<512x16xf32, #tpu.memory_space<vmem>>)
        "tpu.region"() ({
          %run_scoped3A_56 = tpu.sem_alloc : memref<!tpu.dma_semaphore, #tpu.memory_space<semaphore_mem>>
          %dma_start3A_57 = arith.constant 0 : i32
          %dma_start3A_58 = tpu.memref_slice %arg9[%add3A_37, %dma_start3A_57] : memref<10x512xi32, #tpu.memory_space<vmem>> -> memref<1x512xi32, #tpu.memory_space<vmem>>
          %dma_start3A_59 = tpu.memref_squeeze %dma_start3A_58 : memref<1x512xi32, #tpu.memory_space<vmem>> -> memref<512xi32, #tpu.memory_space<vmem>>
          %dma_start3A_60 = arith.constant 0 : i32
          %dma_start3A_61 = arith.constant 0 : i32
          %dma_start3A_62 = tpu.memref_slice %arg15[%dma_start3A_60, %dma_start3A_61] : memref<10240x16xf32, #tpu.memory_space<vmem_shared>> -> memref<10240x16xf32, #tpu.memory_space<vmem_shared>>
          tpu.enqueue_indirect_dma source(%arg10 : memref<512x16xf32, #tpu.memory_space<vmem>>) target(%dma_start3A_62 : memref<10240x16xf32, #tpu.memory_space<vmem_shared>>) offsets(%dma_start3A_59 : memref<512xi32, #tpu.memory_space<vmem>>) semaphore(%run_scoped3A_56 : memref<!tpu.dma_semaphore, #tpu.memory_space<semaphore_mem>>) {add = true}
          %dma_wait3A_63 = arith.constant 0 : i32
          %dma_wait3A_64 = tpu.memref_slice %arg9[%add3A_37, %dma_wait3A_63] : memref<10x512xi32, #tpu.memory_space<vmem>> -> memref<1x512xi32, #tpu.memory_space<vmem>>
          %dma_wait3A_65 = tpu.memref_squeeze %dma_wait3A_64 : memref<1x512xi32, #tpu.memory_space<vmem>> -> memref<512xi32, #tpu.memory_space<vmem>>
          %dma_wait3A_66 = arith.constant 0 : i32
          %dma_wait3A_67 = arith.constant 0 : i32
          %dma_wait3A_68 = tpu.memref_slice %arg15[%dma_wait3A_66, %dma_wait3A_67] : memref<10240x16xf32, #tpu.memory_space<vmem_shared>> -> memref<10240x16xf32, #tpu.memory_space<vmem_shared>>
          tpu.wait_indirect_dma semaphore(%run_scoped3A_56 : memref<!tpu.dma_semaphore, #tpu.memory_space<semaphore_mem>>) src(%arg10 : memref<512x16xf32, #tpu.memory_space<vmem>>) dst(%dma_wait3A_68 : memref<10240x16xf32, #tpu.memory_space<vmem_shared>>)
          tpu.yield
        }) : () -> ()
        %add3A_43 = arith.constant 2 : i32
        %add3A_44 = arith.addi %add3A_37, %add3A_43 : i32
        %lt3A = arith.constant 10 : i32
        %lt3A_45 = arith.cmpi slt, %add3A_44, %lt3A : i32
        %convert_element_type3A_46 = arith.extui %lt3A_45 : i1 to i32
        %cond3A_47 = arith.constant 0 : i32
        %cond3A_48 = arith.cmpi ne, %convert_element_type3A_46, %cond3A_47 : i32
        scf.if %cond3A_48 {
          %add3A_56 = arith.constant 2 : i32
          %add3A_57 = arith.addi %add3A_37, %add3A_56 : i32
          %dma_start3A_58 = arith.constant 0 : i32
          %dma_start3A_59 = tpu.memref_slice %arg8[%add3A_57, %dma_start3A_58] : memref<10x512xi32, #tpu.memory_space<vmem>> -> memref<1x512xi32, #tpu.memory_space<vmem>>
          %dma_start3A_60 = tpu.memref_squeeze %dma_start3A_59 : memref<1x512xi32, #tpu.memory_space<vmem>> -> memref<512xi32, #tpu.memory_space<vmem>>
          %dma_start3A_61 = arith.constant 0 : i32
          %dma_start3A_62 = arith.constant 0 : i32
          %dma_start3A_63 = tpu.memref_slice %arg7[%dma_start3A_61, %dma_start3A_62] : memref<10240x16xf32, #tpu.memory_space<hbm>> -> memref<10240x16xf32, #tpu.memory_space<hbm>>
          tpu.enqueue_indirect_dma source(%dma_start3A_63 : memref<10240x16xf32, #tpu.memory_space<hbm>>) target(%arg10 : memref<512x16xf32, #tpu.memory_space<vmem>>) offsets(%dma_start3A_60 : memref<512xi32, #tpu.memory_space<vmem>>) semaphore(%arg16 : memref<!tpu.dma_semaphore, #tpu.memory_space<semaphore_mem>>)
        } else {
        }
        %add3A_49 = arith.constant 1 : i32
        %add3A_50 = arith.addi %add3A_37, %add3A_49 : i32
        %lt3A_51 = arith.constant 10 : i32
        %lt3A_52 = arith.cmpi slt, %add3A_50, %lt3A_51 : i32
        %convert_element_type3A_53 = arith.extui %lt3A_52 : i1 to i32
        %cond3A_54 = arith.constant 0 : i32
        %cond3A_55 = arith.cmpi ne, %convert_element_type3A_53, %cond3A_54 : i32
        scf.if %cond3A_55 {
          %add3A_56 = arith.constant 1 : i32
          %add3A_57 = arith.addi %add3A_37, %add3A_56 : i32
          %dma_wait3A_58 = arith.constant 0 : i32
          %dma_wait3A_59 = tpu.memref_slice %arg8[%add3A_57, %dma_wait3A_58] : memref<10x512xi32, #tpu.memory_space<vmem>> -> memref<1x512xi32, #tpu.memory_space<vmem>>
          %dma_wait3A_60 = tpu.memref_squeeze %dma_wait3A_59 : memref<1x512xi32, #tpu.memory_space<vmem>> -> memref<512xi32, #tpu.memory_space<vmem>>
          %dma_wait3A_61 = arith.constant 0 : i32
          %dma_wait3A_62 = arith.constant 0 : i32
          %dma_wait3A_63 = tpu.memref_slice %arg7[%dma_wait3A_61, %dma_wait3A_62] : memref<10240x16xf32, #tpu.memory_space<hbm>> -> memref<10240x16xf32, #tpu.memory_space<hbm>>
          tpu.wait_indirect_dma semaphore(%arg17 : memref<!tpu.dma_semaphore, #tpu.memory_space<semaphore_mem>>) src(%dma_wait3A_63 : memref<10240x16xf32, #tpu.memory_space<hbm>>) dst(%arg11 : memref<512x16xf32, #tpu.memory_space<vmem>>)
          %add3A_64 = arith.constant 1 : i32
          %add3A_65 = arith.addi %add3A_37, %add3A_64 : i32
          "tpu.region"() ({
            %run_scoped3A_73 = tpu.sem_alloc : memref<!tpu.dma_semaphore, #tpu.memory_space<semaphore_mem>>
            %dma_start3A_74 = arith.constant 0 : i32
            %dma_start3A_75 = tpu.memref_slice %arg9[%add3A_65, %dma_start3A_74] : memref<10x512xi32, #tpu.memory_space<vmem>> -> memref<1x512xi32, #tpu.memory_space<vmem>>
            %dma_start3A_76 = tpu.memref_squeeze %dma_start3A_75 : memref<1x512xi32, #tpu.memory_space<vmem>> -> memref<512xi32, #tpu.memory_space<vmem>>
            %dma_start3A_77 = arith.constant 0 : i32
            %dma_start3A_78 = arith.constant 0 : i32
            %dma_start3A_79 = tpu.memref_slice %arg15[%dma_start3A_77, %dma_start3A_78] : memref<10240x16xf32, #tpu.memory_space<vmem_shared>> -> memref<10240x16xf32, #tpu.memory_space<vmem_shared>>
            tpu.enqueue_indirect_dma source(%arg11 : memref<512x16xf32, #tpu.memory_space<vmem>>) target(%dma_start3A_79 : memref<10240x16xf32, #tpu.memory_space<vmem_shared>>) offsets(%dma_start3A_76 : memref<512xi32, #tpu.memory_space<vmem>>) semaphore(%run_scoped3A_73 : memref<!tpu.dma_semaphore, #tpu.memory_space<semaphore_mem>>) {add = true}
            %dma_wait3A_80 = arith.constant 0 : i32
            %dma_wait3A_81 = tpu.memref_slice %arg9[%add3A_65, %dma_wait3A_80] : memref<10x512xi32, #tpu.memory_space<vmem>> -> memref<1x512xi32, #tpu.memory_space<vmem>>
            %dma_wait3A_82 = tpu.memref_squeeze %dma_wait3A_81 : memref<1x512xi32, #tpu.memory_space<vmem>> -> memref<512xi32, #tpu.memory_space<vmem>>
            %dma_wait3A_83 = arith.constant 0 : i32
            %dma_wait3A_84 = arith.constant 0 : i32
            %dma_wait3A_85 = tpu.memref_slice %arg15[%dma_wait3A_83, %dma_wait3A_84] : memref<10240x16xf32, #tpu.memory_space<vmem_shared>> -> memref<10240x16xf32, #tpu.memory_space<vmem_shared>>
            tpu.wait_indirect_dma semaphore(%run_scoped3A_73 : memref<!tpu.dma_semaphore, #tpu.memory_space<semaphore_mem>>) src(%arg11 : memref<512x16xf32, #tpu.memory_space<vmem>>) dst(%dma_wait3A_85 : memref<10240x16xf32, #tpu.memory_space<vmem_shared>>)
            tpu.yield
          }) : () -> ()
          %add3A_66 = arith.constant 3 : i32
          %add3A_67 = arith.addi %add3A_37, %add3A_66 : i32
          %lt3A_68 = arith.constant 10 : i32
          %lt3A_69 = arith.cmpi slt, %add3A_67, %lt3A_68 : i32
          %convert_element_type3A_70 = arith.extui %lt3A_69 : i1 to i32
          %cond3A_71 = arith.constant 0 : i32
          %cond3A_72 = arith.cmpi ne, %convert_element_type3A_70, %cond3A_71 : i32
          scf.if %cond3A_72 {
            %add3A_73 = arith.constant 3 : i32
            %add3A_74 = arith.addi %add3A_37, %add3A_73 : i32
            %dma_start3A_75 = arith.constant 0 : i32
            %dma_start3A_76 = tpu.memref_slice %arg8[%add3A_74, %dma_start3A_75] : memref<10x512xi32, #tpu.memory_space<vmem>> -> memref<1x512xi32, #tpu.memory_space<vmem>>
            %dma_start3A_77 = tpu.memref_squeeze %dma_start3A_76 : memref<1x512xi32, #tpu.memory_space<vmem>> -> memref<512xi32, #tpu.memory_space<vmem>>
            %dma_start3A_78 = arith.constant 0 : i32
            %dma_start3A_79 = arith.constant 0 : i32
            %dma_start3A_80 = tpu.memref_slice %arg7[%dma_start3A_78, %dma_start3A_79] : memref<10240x16xf32, #tpu.memory_space<hbm>> -> memref<10240x16xf32, #tpu.memory_space<hbm>>
            tpu.enqueue_indirect_dma source(%dma_start3A_80 : memref<10240x16xf32, #tpu.memory_space<hbm>>) target(%arg11 : memref<512x16xf32, #tpu.memory_space<vmem>>) offsets(%dma_start3A_77 : memref<512xi32, #tpu.memory_space<vmem>>) semaphore(%arg17 : memref<!tpu.dma_semaphore, #tpu.memory_space<semaphore_mem>>)
          } else {
          }
        } else {
        }
      }
      %scan3A_33 = arith.constant 5 : i32
    } else {
    }
    %eq3A_8 = arith.constant 1 : i32
    %eq3A_9 = arith.cmpi eq, %arg0, %eq3A_8 : i32
    %convert_element_type3A_10 = arith.extui %eq3A_9 : i1 to i32
    %cond3A_11 = arith.constant 0 : i32
    %cond3A_12 = arith.cmpi ne, %convert_element_type3A_10, %cond3A_11 : i32
    scf.if %cond3A_12 {
      %mul3A_14 = arith.constant 10 : i32
      %mul3A_15 = arith.muli %arg1, %mul3A_14 : i32
      %add3A = arith.constant 160 : i32
      %add3A_16 = arith.addi %add3A, %mul3A_15 : i32
      "tpu.region"() ({
        %run_scoped3A_35 = tpu.sem_alloc : memref<!tpu.dma_semaphore, #tpu.memory_space<semaphore_mem>>
        %dma_start3A_36 = arith.constant 0 : i32
        %dma_start3A_37 = arith.constant 0 : i32
        %dma_start3A_38 = tpu.memref_slice %arg8[%dma_start3A_36, %dma_start3A_37] : memref<10x512xi32, #tpu.memory_space<vmem>> -> memref<10x512xi32, #tpu.memory_space<vmem>>
        %dma_start3A_39 = arith.constant 0 : i32
        %dma_start3A_40 = tpu.memref_slice %arg2[%add3A_16, %dma_start3A_39] : memref<320x512xi32, #tpu.memory_space<hbm>> -> memref<10x512xi32, #tpu.memory_space<hbm>>
        %dma_start3A_41 = arith.constant 0 : i32
        %dma_start3A_42 = arith.constant 0 : i32
        %dma_start3A_43 = tpu.memref_slice %arg8[%dma_start3A_41, %dma_start3A_42] : memref<10x512xi32, #tpu.memory_space<vmem>> -> memref<10x512xi32, #tpu.memory_space<vmem>>
        %dma_start3A_44 = arith.constant 0 : i32
        %dma_start3A_45 = tpu.memref_slice %arg2[%add3A_16, %dma_start3A_44] : memref<320x512xi32, #tpu.memory_space<hbm>> -> memref<10x512xi32, #tpu.memory_space<hbm>>
        tpu.enqueue_dma source(%dma_start3A_45 : memref<10x512xi32, #tpu.memory_space<hbm>>) target(%dma_start3A_43 : memref<10x512xi32, #tpu.memory_space<vmem>>) target_semaphore(%run_scoped3A_35 : memref<!tpu.dma_semaphore, #tpu.memory_space<semaphore_mem>>)
        %dma_wait3A = arith.constant 0 : i32
        %dma_wait3A_46 = arith.constant 0 : i32
        %dma_wait3A_47 = tpu.memref_slice %arg8[%dma_wait3A, %dma_wait3A_46] : memref<10x512xi32, #tpu.memory_space<vmem>> -> memref<10x512xi32, #tpu.memory_space<vmem>>
        %dma_wait3A_48 = arith.constant 0 : i32
        %dma_wait3A_49 = tpu.memref_slice %arg2[%add3A_16, %dma_wait3A_48] : memref<320x512xi32, #tpu.memory_space<hbm>> -> memref<10x512xi32, #tpu.memory_space<hbm>>
        %dma_wait3A_50 = arith.constant 0 : i32
        %dma_wait3A_51 = arith.constant 0 : i32
        %dma_wait3A_52 = tpu.memref_slice %arg8[%dma_wait3A_50, %dma_wait3A_51] : memref<10x512xi32, #tpu.memory_space<vmem>> -> memref<10x512xi32, #tpu.memory_space<vmem>>
        %dma_wait3A_53 = arith.constant 0 : i32
        %dma_wait3A_54 = tpu.memref_slice %arg2[%add3A_16, %dma_wait3A_53] : memref<320x512xi32, #tpu.memory_space<hbm>> -> memref<10x512xi32, #tpu.memory_space<hbm>>
        tpu.wait_dma2 semaphore(%run_scoped3A_35 : memref<!tpu.dma_semaphore, #tpu.memory_space<semaphore_mem>>) src(%dma_wait3A_54 : memref<10x512xi32, #tpu.memory_space<hbm>>) dst(%dma_wait3A_52 : memref<10x512xi32, #tpu.memory_space<vmem>>)
        tpu.yield
      }) : () -> ()
      "tpu.region"() ({
        %run_scoped3A_35 = tpu.sem_alloc : memref<!tpu.dma_semaphore, #tpu.memory_space<semaphore_mem>>
        %dma_start3A_36 = arith.constant 0 : i32
        %dma_start3A_37 = arith.constant 0 : i32
        %dma_start3A_38 = tpu.memref_slice %arg9[%dma_start3A_36, %dma_start3A_37] : memref<10x512xi32, #tpu.memory_space<vmem>> -> memref<10x512xi32, #tpu.memory_space<vmem>>
        %dma_start3A_39 = arith.constant 0 : i32
        %dma_start3A_40 = tpu.memref_slice %arg3[%add3A_16, %dma_start3A_39] : memref<320x512xi32, #tpu.memory_space<hbm>> -> memref<10x512xi32, #tpu.memory_space<hbm>>
        %dma_start3A_41 = arith.constant 0 : i32
        %dma_start3A_42 = arith.constant 0 : i32
        %dma_start3A_43 = tpu.memref_slice %arg9[%dma_start3A_41, %dma_start3A_42] : memref<10x512xi32, #tpu.memory_space<vmem>> -> memref<10x512xi32, #tpu.memory_space<vmem>>
        %dma_start3A_44 = arith.constant 0 : i32
        %dma_start3A_45 = tpu.memref_slice %arg3[%add3A_16, %dma_start3A_44] : memref<320x512xi32, #tpu.memory_space<hbm>> -> memref<10x512xi32, #tpu.memory_space<hbm>>
        tpu.enqueue_dma source(%dma_start3A_45 : memref<10x512xi32, #tpu.memory_space<hbm>>) target(%dma_start3A_43 : memref<10x512xi32, #tpu.memory_space<vmem>>) target_semaphore(%run_scoped3A_35 : memref<!tpu.dma_semaphore, #tpu.memory_space<semaphore_mem>>)
        %dma_wait3A = arith.constant 0 : i32
        %dma_wait3A_46 = arith.constant 0 : i32
        %dma_wait3A_47 = tpu.memref_slice %arg9[%dma_wait3A, %dma_wait3A_46] : memref<10x512xi32, #tpu.memory_space<vmem>> -> memref<10x512xi32, #tpu.memory_space<vmem>>
        %dma_wait3A_48 = arith.constant 0 : i32
        %dma_wait3A_49 = tpu.memref_slice %arg3[%add3A_16, %dma_wait3A_48] : memref<320x512xi32, #tpu.memory_space<hbm>> -> memref<10x512xi32, #tpu.memory_space<hbm>>
        %dma_wait3A_50 = arith.constant 0 : i32
        %dma_wait3A_51 = arith.constant 0 : i32
        %dma_wait3A_52 = tpu.memref_slice %arg9[%dma_wait3A_50, %dma_wait3A_51] : memref<10x512xi32, #tpu.memory_space<vmem>> -> memref<10x512xi32, #tpu.memory_space<vmem>>
        %dma_wait3A_53 = arith.constant 0 : i32
        %dma_wait3A_54 = tpu.memref_slice %arg3[%add3A_16, %dma_wait3A_53] : memref<320x512xi32, #tpu.memory_space<hbm>> -> memref<10x512xi32, #tpu.memory_space<hbm>>
        tpu.wait_dma2 semaphore(%run_scoped3A_35 : memref<!tpu.dma_semaphore, #tpu.memory_space<semaphore_mem>>) src(%dma_wait3A_54 : memref<10x512xi32, #tpu.memory_space<hbm>>) dst(%dma_wait3A_52 : memref<10x512xi32, #tpu.memory_space<vmem>>)
        tpu.yield
      }) : () -> ()
      %dma_start3A = arith.constant 0 : i32
      %dma_start3A_17 = arith.constant 0 : i32
      %dma_start3A_18 = tpu.memref_slice %arg8[%dma_start3A, %dma_start3A_17] : memref<10x512xi32, #tpu.memory_space<vmem>> -> memref<1x512xi32, #tpu.memory_space<vmem>>
      %dma_start3A_19 = tpu.memref_squeeze %dma_start3A_18 : memref<1x512xi32, #tpu.memory_space<vmem>> -> memref<512xi32, #tpu.memory_space<vmem>>
      %dma_start3A_20 = arith.constant 0 : i32
      %dma_start3A_21 = arith.constant 0 : i32
      %dma_start3A_22 = tpu.memref_slice %arg7[%dma_start3A_20, %dma_start3A_21] : memref<10240x16xf32, #tpu.memory_space<hbm>> -> memref<10240x16xf32, #tpu.memory_space<hbm>>
      tpu.enqueue_indirect_dma source(%dma_start3A_22 : memref<10240x16xf32, #tpu.memory_space<hbm>>) target(%arg10 : memref<512x16xf32, #tpu.memory_space<vmem>>) offsets(%dma_start3A_19 : memref<512xi32, #tpu.memory_space<vmem>>) semaphore(%arg16 : memref<!tpu.dma_semaphore, #tpu.memory_space<semaphore_mem>>)
      %dma_start3A_23 = arith.constant 1 : i32
      %dma_start3A_24 = arith.constant 0 : i32
      %dma_start3A_25 = tpu.memref_slice %arg8[%dma_start3A_23, %dma_start3A_24] : memref<10x512xi32, #tpu.memory_space<vmem>> -> memref<1x512xi32, #tpu.memory_space<vmem>>
      %dma_start3A_26 = tpu.memref_squeeze %dma_start3A_25 : memref<1x512xi32, #tpu.memory_space<vmem>> -> memref<512xi32, #tpu.memory_space<vmem>>
      %dma_start3A_27 = arith.constant 0 : i32
      %dma_start3A_28 = arith.constant 0 : i32
      %dma_start3A_29 = tpu.memref_slice %arg7[%dma_start3A_27, %dma_start3A_28] : memref<10240x16xf32, #tpu.memory_space<hbm>> -> memref<10240x16xf32, #tpu.memory_space<hbm>>
      tpu.enqueue_indirect_dma source(%dma_start3A_29 : memref<10240x16xf32, #tpu.memory_space<hbm>>) target(%arg11 : memref<512x16xf32, #tpu.memory_space<vmem>>) offsets(%dma_start3A_26 : memref<512xi32, #tpu.memory_space<vmem>>) semaphore(%arg17 : memref<!tpu.dma_semaphore, #tpu.memory_space<semaphore_mem>>)
      %scan3A_30 = arith.constant 0 : i32
      %scan3A_31 = arith.constant 5 : i32
      %scan3A_32 = arith.addi %scan3A_30, %scan3A_31 : i32
      %scan3A_33 = arith.constant 1 : i32
      scf.for %scan3A_35 = %scan3A_30 to %scan3A_32 step %scan3A_33  : i32 {
        %mul3A_36 = arith.constant 2 : i32
        %mul3A_37 = arith.muli %scan3A_35, %mul3A_36 : i32
        %add3A_38 = arith.constant 0 : i32
        %add3A_39 = arith.addi %add3A_38, %mul3A_37 : i32
        %dma_wait3A = arith.constant 0 : i32
        %dma_wait3A_40 = tpu.memref_slice %arg8[%add3A_39, %dma_wait3A] : memref<10x512xi32, #tpu.memory_space<vmem>> -> memref<1x512xi32, #tpu.memory_space<vmem>>
        %dma_wait3A_41 = tpu.memref_squeeze %dma_wait3A_40 : memref<1x512xi32, #tpu.memory_space<vmem>> -> memref<512xi32, #tpu.memory_space<vmem>>
        %dma_wait3A_42 = arith.constant 0 : i32
        %dma_wait3A_43 = arith.constant 0 : i32
        %dma_wait3A_44 = tpu.memref_slice %arg7[%dma_wait3A_42, %dma_wait3A_43] : memref<10240x16xf32, #tpu.memory_space<hbm>> -> memref<10240x16xf32, #tpu.memory_space<hbm>>
        tpu.wait_indirect_dma semaphore(%arg16 : memref<!tpu.dma_semaphore, #tpu.memory_space<semaphore_mem>>) src(%dma_wait3A_44 : memref<10240x16xf32, #tpu.memory_space<hbm>>) dst(%arg10 : memref<512x16xf32, #tpu.memory_space<vmem>>)
        "tpu.region"() ({
          %run_scoped3A_58 = tpu.sem_alloc : memref<!tpu.dma_semaphore, #tpu.memory_space<semaphore_mem>>
          %dma_start3A_59 = arith.constant 0 : i32
          %dma_start3A_60 = tpu.memref_slice %arg9[%add3A_39, %dma_start3A_59] : memref<10x512xi32, #tpu.memory_space<vmem>> -> memref<1x512xi32, #tpu.memory_space<vmem>>
          %dma_start3A_61 = tpu.memref_squeeze %dma_start3A_60 : memref<1x512xi32, #tpu.memory_space<vmem>> -> memref<512xi32, #tpu.memory_space<vmem>>
          %dma_start3A_62 = arith.constant 0 : i32
          %dma_start3A_63 = arith.constant 0 : i32
          %dma_start3A_64 = tpu.memref_slice %arg15[%dma_start3A_62, %dma_start3A_63] : memref<10240x16xf32, #tpu.memory_space<vmem_shared>> -> memref<10240x16xf32, #tpu.memory_space<vmem_shared>>
          tpu.enqueue_indirect_dma source(%arg10 : memref<512x16xf32, #tpu.memory_space<vmem>>) target(%dma_start3A_64 : memref<10240x16xf32, #tpu.memory_space<vmem_shared>>) offsets(%dma_start3A_61 : memref<512xi32, #tpu.memory_space<vmem>>) semaphore(%run_scoped3A_58 : memref<!tpu.dma_semaphore, #tpu.memory_space<semaphore_mem>>) {add = true}
          %dma_wait3A_65 = arith.constant 0 : i32
          %dma_wait3A_66 = tpu.memref_slice %arg9[%add3A_39, %dma_wait3A_65] : memref<10x512xi32, #tpu.memory_space<vmem>> -> memref<1x512xi32, #tpu.memory_space<vmem>>
          %dma_wait3A_67 = tpu.memref_squeeze %dma_wait3A_66 : memref<1x512xi32, #tpu.memory_space<vmem>> -> memref<512xi32, #tpu.memory_space<vmem>>
          %dma_wait3A_68 = arith.constant 0 : i32
          %dma_wait3A_69 = arith.constant 0 : i32
          %dma_wait3A_70 = tpu.memref_slice %arg15[%dma_wait3A_68, %dma_wait3A_69] : memref<10240x16xf32, #tpu.memory_space<vmem_shared>> -> memref<10240x16xf32, #tpu.memory_space<vmem_shared>>
          tpu.wait_indirect_dma semaphore(%run_scoped3A_58 : memref<!tpu.dma_semaphore, #tpu.memory_space<semaphore_mem>>) src(%arg10 : memref<512x16xf32, #tpu.memory_space<vmem>>) dst(%dma_wait3A_70 : memref<10240x16xf32, #tpu.memory_space<vmem_shared>>)
          tpu.yield
        }) : () -> ()
        %add3A_45 = arith.constant 2 : i32
        %add3A_46 = arith.addi %add3A_39, %add3A_45 : i32
        %lt3A = arith.constant 10 : i32
        %lt3A_47 = arith.cmpi slt, %add3A_46, %lt3A : i32
        %convert_element_type3A_48 = arith.extui %lt3A_47 : i1 to i32
        %cond3A_49 = arith.constant 0 : i32
        %cond3A_50 = arith.cmpi ne, %convert_element_type3A_48, %cond3A_49 : i32
        scf.if %cond3A_50 {
          %add3A_58 = arith.constant 2 : i32
          %add3A_59 = arith.addi %add3A_39, %add3A_58 : i32
          %dma_start3A_60 = arith.constant 0 : i32
          %dma_start3A_61 = tpu.memref_slice %arg8[%add3A_59, %dma_start3A_60] : memref<10x512xi32, #tpu.memory_space<vmem>> -> memref<1x512xi32, #tpu.memory_space<vmem>>
          %dma_start3A_62 = tpu.memref_squeeze %dma_start3A_61 : memref<1x512xi32, #tpu.memory_space<vmem>> -> memref<512xi32, #tpu.memory_space<vmem>>
          %dma_start3A_63 = arith.constant 0 : i32
          %dma_start3A_64 = arith.constant 0 : i32
          %dma_start3A_65 = tpu.memref_slice %arg7[%dma_start3A_63, %dma_start3A_64] : memref<10240x16xf32, #tpu.memory_space<hbm>> -> memref<10240x16xf32, #tpu.memory_space<hbm>>
          tpu.enqueue_indirect_dma source(%dma_start3A_65 : memref<10240x16xf32, #tpu.memory_space<hbm>>) target(%arg10 : memref<512x16xf32, #tpu.memory_space<vmem>>) offsets(%dma_start3A_62 : memref<512xi32, #tpu.memory_space<vmem>>) semaphore(%arg16 : memref<!tpu.dma_semaphore, #tpu.memory_space<semaphore_mem>>)
        } else {
        }
        %add3A_51 = arith.constant 1 : i32
        %add3A_52 = arith.addi %add3A_39, %add3A_51 : i32
        %lt3A_53 = arith.constant 10 : i32
        %lt3A_54 = arith.cmpi slt, %add3A_52, %lt3A_53 : i32
        %convert_element_type3A_55 = arith.extui %lt3A_54 : i1 to i32
        %cond3A_56 = arith.constant 0 : i32
        %cond3A_57 = arith.cmpi ne, %convert_element_type3A_55, %cond3A_56 : i32
        scf.if %cond3A_57 {
          %add3A_58 = arith.constant 1 : i32
          %add3A_59 = arith.addi %add3A_39, %add3A_58 : i32
          %dma_wait3A_60 = arith.constant 0 : i32
          %dma_wait3A_61 = tpu.memref_slice %arg8[%add3A_59, %dma_wait3A_60] : memref<10x512xi32, #tpu.memory_space<vmem>> -> memref<1x512xi32, #tpu.memory_space<vmem>>
          %dma_wait3A_62 = tpu.memref_squeeze %dma_wait3A_61 : memref<1x512xi32, #tpu.memory_space<vmem>> -> memref<512xi32, #tpu.memory_space<vmem>>
          %dma_wait3A_63 = arith.constant 0 : i32
          %dma_wait3A_64 = arith.constant 0 : i32
          %dma_wait3A_65 = tpu.memref_slice %arg7[%dma_wait3A_63, %dma_wait3A_64] : memref<10240x16xf32, #tpu.memory_space<hbm>> -> memref<10240x16xf32, #tpu.memory_space<hbm>>
          tpu.wait_indirect_dma semaphore(%arg17 : memref<!tpu.dma_semaphore, #tpu.memory_space<semaphore_mem>>) src(%dma_wait3A_65 : memref<10240x16xf32, #tpu.memory_space<hbm>>) dst(%arg11 : memref<512x16xf32, #tpu.memory_space<vmem>>)
          %add3A_66 = arith.constant 1 : i32
          %add3A_67 = arith.addi %add3A_39, %add3A_66 : i32
          "tpu.region"() ({
            %run_scoped3A_75 = tpu.sem_alloc : memref<!tpu.dma_semaphore, #tpu.memory_space<semaphore_mem>>
            %dma_start3A_76 = arith.constant 0 : i32
            %dma_start3A_77 = tpu.memref_slice %arg9[%add3A_67, %dma_start3A_76] : memref<10x512xi32, #tpu.memory_space<vmem>> -> memref<1x512xi32, #tpu.memory_space<vmem>>
            %dma_start3A_78 = tpu.memref_squeeze %dma_start3A_77 : memref<1x512xi32, #tpu.memory_space<vmem>> -> memref<512xi32, #tpu.memory_space<vmem>>
            %dma_start3A_79 = arith.constant 0 : i32
            %dma_start3A_80 = arith.constant 0 : i32
            %dma_start3A_81 = tpu.memref_slice %arg15[%dma_start3A_79, %dma_start3A_80] : memref<10240x16xf32, #tpu.memory_space<vmem_shared>> -> memref<10240x16xf32, #tpu.memory_space<vmem_shared>>
            tpu.enqueue_indirect_dma source(%arg11 : memref<512x16xf32, #tpu.memory_space<vmem>>) target(%dma_start3A_81 : memref<10240x16xf32, #tpu.memory_space<vmem_shared>>) offsets(%dma_start3A_78 : memref<512xi32, #tpu.memory_space<vmem>>) semaphore(%run_scoped3A_75 : memref<!tpu.dma_semaphore, #tpu.memory_space<semaphore_mem>>) {add = true}
            %dma_wait3A_82 = arith.constant 0 : i32
            %dma_wait3A_83 = tpu.memref_slice %arg9[%add3A_67, %dma_wait3A_82] : memref<10x512xi32, #tpu.memory_space<vmem>> -> memref<1x512xi32, #tpu.memory_space<vmem>>
            %dma_wait3A_84 = tpu.memref_squeeze %dma_wait3A_83 : memref<1x512xi32, #tpu.memory_space<vmem>> -> memref<512xi32, #tpu.memory_space<vmem>>
            %dma_wait3A_85 = arith.constant 0 : i32
            %dma_wait3A_86 = arith.constant 0 : i32
            %dma_wait3A_87 = tpu.memref_slice %arg15[%dma_wait3A_85, %dma_wait3A_86] : memref<10240x16xf32, #tpu.memory_space<vmem_shared>> -> memref<10240x16xf32, #tpu.memory_space<vmem_shared>>
            tpu.wait_indirect_dma semaphore(%run_scoped3A_75 : memref<!tpu.dma_semaphore, #tpu.memory_space<semaphore_mem>>) src(%arg11 : memref<512x16xf32, #tpu.memory_space<vmem>>) dst(%dma_wait3A_87 : memref<10240x16xf32, #tpu.memory_space<vmem_shared>>)
            tpu.yield
          }) : () -> ()
          %add3A_68 = arith.constant 3 : i32
          %add3A_69 = arith.addi %add3A_39, %add3A_68 : i32
          %lt3A_70 = arith.constant 10 : i32
          %lt3A_71 = arith.cmpi slt, %add3A_69, %lt3A_70 : i32
          %convert_element_type3A_72 = arith.extui %lt3A_71 : i1 to i32
          %cond3A_73 = arith.constant 0 : i32
          %cond3A_74 = arith.cmpi ne, %convert_element_type3A_72, %cond3A_73 : i32
          scf.if %cond3A_74 {
            %add3A_75 = arith.constant 3 : i32
            %add3A_76 = arith.addi %add3A_39, %add3A_75 : i32
            %dma_start3A_77 = arith.constant 0 : i32
            %dma_start3A_78 = tpu.memref_slice %arg8[%add3A_76, %dma_start3A_77] : memref<10x512xi32, #tpu.memory_space<vmem>> -> memref<1x512xi32, #tpu.memory_space<vmem>>
            %dma_start3A_79 = tpu.memref_squeeze %dma_start3A_78 : memref<1x512xi32, #tpu.memory_space<vmem>> -> memref<512xi32, #tpu.memory_space<vmem>>
            %dma_start3A_80 = arith.constant 0 : i32
            %dma_start3A_81 = arith.constant 0 : i32
            %dma_start3A_82 = tpu.memref_slice %arg7[%dma_start3A_80, %dma_start3A_81] : memref<10240x16xf32, #tpu.memory_space<hbm>> -> memref<10240x16xf32, #tpu.memory_space<hbm>>
            tpu.enqueue_indirect_dma source(%dma_start3A_82 : memref<10240x16xf32, #tpu.memory_space<hbm>>) target(%arg11 : memref<512x16xf32, #tpu.memory_space<vmem>>) offsets(%dma_start3A_79 : memref<512xi32, #tpu.memory_space<vmem>>) semaphore(%arg17 : memref<!tpu.dma_semaphore, #tpu.memory_space<semaphore_mem>>)
          } else {
          }
        } else {
        }
      }
      %scan3A_34 = arith.constant 5 : i32
    } else {
    }
    %barrier3A_13 = arith.constant 0 : index
    tpu.barrier barrier_id(%barrier3A_13)
    "tpu.region"() ({
      %run_scoped3A_14 = tpu.sem_alloc : memref<!tpu.dma_semaphore, #tpu.memory_space<semaphore_mem>>
      %dma_start3A = arith.constant 0 : i32
      %dma_start3A_15 = tpu.memref_slice %arg6[%arg0, %mul3A_0, %dma_start3A] : memref<2x10240x16xf32, #tpu.memory_space<hbm>> -> memref<1x640x16xf32, #tpu.memory_space<hbm>>
      %dma_start3A_16 = tpu.memref_squeeze %dma_start3A_15 : memref<1x640x16xf32, #tpu.memory_space<hbm>> -> memref<640x16xf32, #tpu.memory_space<hbm>>
      %dma_start3A_17 = arith.constant 0 : i32
      %dma_start3A_18 = tpu.memref_slice %arg15[%mul3A_0, %dma_start3A_17] : memref<10240x16xf32, #tpu.memory_space<vmem_shared>> -> memref<640x16xf32, #tpu.memory_space<vmem_shared>>
      tpu.enqueue_dma source(%dma_start3A_18 : memref<640x16xf32, #tpu.memory_space<vmem_shared>>) target(%dma_start3A_16 : memref<640x16xf32, #tpu.memory_space<hbm>>) target_semaphore(%run_scoped3A_14 : memref<!tpu.dma_semaphore, #tpu.memory_space<semaphore_mem>>)
      %dma_wait3A = arith.constant 0 : i32
      %dma_wait3A_19 = tpu.memref_slice %arg6[%arg0, %mul3A_0, %dma_wait3A] : memref<2x10240x16xf32, #tpu.memory_space<hbm>> -> memref<1x640x16xf32, #tpu.memory_space<hbm>>
      %dma_wait3A_20 = tpu.memref_squeeze %dma_wait3A_19 : memref<1x640x16xf32, #tpu.memory_space<hbm>> -> memref<640x16xf32, #tpu.memory_space<hbm>>
      %dma_wait3A_21 = arith.constant 0 : i32
      %dma_wait3A_22 = tpu.memref_slice %arg15[%mul3A_0, %dma_wait3A_21] : memref<10240x16xf32, #tpu.memory_space<vmem_shared>> -> memref<640x16xf32, #tpu.memory_space<vmem_shared>>
      tpu.wait_dma2 semaphore(%run_scoped3A_14 : memref<!tpu.dma_semaphore, #tpu.memory_space<semaphore_mem>>) src(%dma_wait3A_22 : memref<640x16xf32, #tpu.memory_space<vmem_shared>>) dst(%dma_wait3A_20 : memref<640x16xf32, #tpu.memory_space<hbm>>)
      tpu.yield
    }) : () -> ()
    return
  }
}

module attributes {stable_mosaic.version = 14 : i64} {
  func.func @body(%arg0: i32, %arg1: memref<2560x256xf32, #tpu.memory_space<vmem>>, %arg2: memref<256x16xf32, #tpu.memory_space<vmem>>, %arg3: memref<2560x16xf32, #tpu.memory_space<vmem>>) attributes {dimension_semantics = [#tpu.dimension_semantics<arbitrary>], iteration_bounds = array<i64: 4>, scalar_prefetch = 0 : i64, scratch_operands = 0 : i64, tpu.core_type = #tpu.core_type<tc>, window_params = [{transform_indices = @transform_0, window_bounds = array<i64: 2560, 256>}, {pipeline_mode = #tpu.pipeline_mode<synchronous>, transform_indices = @transform_1, window_bounds = array<i64: 256, 16>}, {transform_indices = @transform_2, window_bounds = array<i64: 2560, 16>}]} {
    %get3A = arith.constant 0 : index
    %get3A_0 = arith.constant 0 : index
    %get3A_1 = vector.load %arg1[%get3A, %get3A_0] : memref<2560x256xf32, #tpu.memory_space<vmem>>, vector<2560x256xf32>
    %get3A_2 = arith.constant 0 : index
    %get3A_3 = arith.constant 0 : index
    %get3A_4 = vector.load %arg2[%get3A_2, %get3A_3] : memref<256x16xf32, #tpu.memory_space<vmem>>, vector<256x16xf32>
    %dot_general3A = arith.constant dense<0.000000e+00> : vector<2560x16xf32>
    %dot_general3A_5 = tpu.matmul %get3A_1, %get3A_4, %dot_general3A {dimension_numbers = #tpu.dot_dimension_numbers<[1], [0], [0], [1], [0, 0, 1, 1], [], []>, transpose_lhs_hint = false} : vector<2560x256xf32>, vector<256x16xf32>, vector<2560x16xf32> -> vector<2560x16xf32>
    %swap3A = arith.constant 0 : index
    %swap3A_6 = arith.constant 0 : index
    %swap3A_7 = vector.load %arg3[%swap3A, %swap3A_6] : memref<2560x16xf32, #tpu.memory_space<vmem>>, vector<2560x16xf32>
    tpu.vector_store %arg3[%swap3A, %swap3A_6], %dot_general3A_5 {strides = array<i32>} : memref<2560x16xf32, #tpu.memory_space<vmem>>, vector<2560x16xf32>,
    return
  }
  func.func @transform_0(%arg0: i32) -> (i32, i32) {
    %c0_i32 = arith.constant 0 : i32
    %c0_i32_0 = arith.constant 0 : i32
    return %arg0, %c0_i32 : i32, i32
  }
  func.func @transform_1(%arg0: i32) -> (i32, i32) {
    %c0_i32 = arith.constant 0 : i32
    %c0_i32_0 = arith.constant 0 : i32
    %c0_i32_1 = arith.constant 0 : i32
    return %c0_i32, %c0_i32_0 : i32, i32
  }
  func.func @transform_2(%arg0: i32) -> (i32, i32) {
    %c0_i32 = arith.constant 0 : i32
    %c0_i32_0 = arith.constant 0 : i32
    return %arg0, %c0_i32 : i32, i32
  }
}

module attributes {stable_mosaic.version = 14 : i64} {
  func.func @body(%arg0: i32, %arg1: memref<2x2000x16xf32, #tpu.memory_space<vmem>>, %arg2: memref<2x2000x16xf32, #tpu.memory_space<vmem>>, %arg3: memref<2000x16xf32, #tpu.memory_space<vmem>>, %arg4: memref<16x256xf32, #tpu.memory_space<vmem>>, %arg5: memref<1x256xf32, #tpu.memory_space<vmem>>, %arg6: memref<2000x256xf32, #tpu.memory_space<vmem>>) attributes {dimension_semantics = [#tpu.dimension_semantics<arbitrary>], iteration_bounds = array<i64: 5>, scalar_prefetch = 0 : i64, scratch_operands = 0 : i64, tpu.core_type = #tpu.core_type<tc>, window_params = [{transform_indices = @transform_0, window_bounds = array<i64: 2, 2000, 16>}, {transform_indices = @transform_1, window_bounds = array<i64: 2, 2000, 16>}, {transform_indices = @transform_2, window_bounds = array<i64: 2000, 16>}, {pipeline_mode = #tpu.pipeline_mode<synchronous>, transform_indices = @transform_3, window_bounds = array<i64: 16, 256>}, {pipeline_mode = #tpu.pipeline_mode<synchronous>, transform_indices = @transform_4, window_bounds = array<i64: 1, 256>}, {transform_indices = @transform_5, window_bounds = array<i64: 2000, 256>}]} {
    %get3A = arith.constant 0 : index
    %get3A_0 = arith.constant 0 : index
    %get3A_1 = arith.constant 0 : index
    %get3A_2 = vector.load %arg1[%get3A, %get3A_0, %get3A_1] : memref<2x2000x16xf32, #tpu.memory_space<vmem>>, vector<1x2000x16xf32>
    %get3A_3 = vector.shape_cast %get3A_2 : vector<1x2000x16xf32> to vector<2000x16xf32>
    %get3A_4 = arith.constant 1 : index
    %get3A_5 = arith.constant 0 : index
    %get3A_6 = arith.constant 0 : index
    %get3A_7 = vector.load %arg1[%get3A_4, %get3A_5, %get3A_6] : memref<2x2000x16xf32, #tpu.memory_space<vmem>>, vector<1x2000x16xf32>
    %get3A_8 = vector.shape_cast %get3A_7 : vector<1x2000x16xf32> to vector<2000x16xf32>
    %add3A = arith.addf %get3A_3, %get3A_8 : vector<2000x16xf32>
    %sub3A = arith.constant 1.000000e+00 : f32
    %sub3A_9 = vector.broadcast %sub3A : f32 to vector<2000x16xf32>
    %sub3A_10 = arith.subf %add3A, %sub3A_9 : vector<2000x16xf32>
    %rsqrt3A = math.rsqrt %sub3A_10 : vector<2000x16xf32>
    %get3A_11 = arith.constant 0 : index
    %get3A_12 = arith.constant 0 : index
    %get3A_13 = arith.constant 0 : index
    %get3A_14 = vector.load %arg2[%get3A_11, %get3A_12, %get3A_13] : memref<2x2000x16xf32, #tpu.memory_space<vmem>>, vector<1x2000x16xf32>
    %get3A_15 = vector.shape_cast %get3A_14 : vector<1x2000x16xf32> to vector<2000x16xf32>
    %get3A_16 = arith.constant 1 : index
    %get3A_17 = arith.constant 0 : index
    %get3A_18 = arith.constant 0 : index
    %get3A_19 = vector.load %arg2[%get3A_16, %get3A_17, %get3A_18] : memref<2x2000x16xf32, #tpu.memory_space<vmem>>, vector<1x2000x16xf32>
    %get3A_20 = vector.shape_cast %get3A_19 : vector<1x2000x16xf32> to vector<2000x16xf32>
    %add3A_21 = arith.addf %get3A_15, %get3A_20 : vector<2000x16xf32>
    %get3A_22 = arith.constant 0 : index
    %get3A_23 = arith.constant 0 : index
    %get3A_24 = vector.load %arg3[%get3A_22, %get3A_23] : memref<2000x16xf32, #tpu.memory_space<vmem>>, vector<2000x16xf32>
    %sub3A_25 = arith.subf %add3A_21, %get3A_24 : vector<2000x16xf32>
    %mul3A = arith.mulf %sub3A_25, %rsqrt3A : vector<2000x16xf32>
    %get3A_26 = arith.constant 0 : index
    %get3A_27 = arith.constant 0 : index
    %get3A_28 = vector.load %arg4[%get3A_26, %get3A_27] : memref<16x256xf32, #tpu.memory_space<vmem>>, vector<16x256xf32>
    %dot_general3A = arith.constant dense<0.000000e+00> : vector<2000x256xf32>
    %dot_general3A_29 = tpu.matmul %mul3A, %get3A_28, %dot_general3A {dimension_numbers = #tpu.dot_dimension_numbers<[1], [0], [0], [1], [0, 0, 1, 1], [], []>, transpose_lhs_hint = false} : vector<2000x16xf32>, vector<16x256xf32>, vector<2000x256xf32> -> vector<2000x256xf32>
    %get3A_30 = arith.constant 0 : index
    %get3A_31 = arith.constant 0 : index
    %get3A_32 = vector.load %arg5[%get3A_30, %get3A_31] : memref<1x256xf32, #tpu.memory_space<vmem>>, vector<1x256xf32>
    %add3A_33 = vector.broadcast %get3A_32 : vector<1x256xf32> to vector<2000x256xf32>
    %add3A_34 = arith.addf %dot_general3A_29, %add3A_33 : vector<2000x256xf32>
    %swap3A = arith.constant 0 : index
    %swap3A_35 = arith.constant 0 : index
    %swap3A_36 = vector.load %arg6[%swap3A, %swap3A_35] : memref<2000x256xf32, #tpu.memory_space<vmem>>, vector<2000x256xf32>
    tpu.vector_store %arg6[%swap3A, %swap3A_35], %add3A_34 {strides = array<i32>} : memref<2000x256xf32, #tpu.memory_space<vmem>>, vector<2000x256xf32>,
    return
  }
  func.func @transform_0(%arg0: i32) -> (i32, i32, i32) {
    %c0_i32 = arith.constant 0 : i32
    %c0_i32_0 = arith.constant 0 : i32
    %c0_i32_1 = arith.constant 0 : i32
    return %c0_i32, %arg0, %c0_i32_0 : i32, i32, i32
  }
  func.func @transform_1(%arg0: i32) -> (i32, i32, i32) {
    %c0_i32 = arith.constant 0 : i32
    %c0_i32_0 = arith.constant 0 : i32
    %c0_i32_1 = arith.constant 0 : i32
    return %c0_i32, %arg0, %c0_i32_0 : i32, i32, i32
  }
  func.func @transform_2(%arg0: i32) -> (i32, i32) {
    %c0_i32 = arith.constant 0 : i32
    %c0_i32_0 = arith.constant 0 : i32
    return %arg0, %c0_i32 : i32, i32
  }
  func.func @transform_3(%arg0: i32) -> (i32, i32) {
    %c0_i32 = arith.constant 0 : i32
    %c0_i32_0 = arith.constant 0 : i32
    %c0_i32_1 = arith.constant 0 : i32
    return %c0_i32, %c0_i32_0 : i32, i32
  }
  func.func @transform_4(%arg0: i32) -> (i32, i32) {
    %c0_i32 = arith.constant 0 : i32
    %c0_i32_0 = arith.constant 0 : i32
    %c0_i32_1 = arith.constant 0 : i32
    return %c0_i32, %c0_i32_0 : i32, i32
  }
  func.func @transform_5(%arg0: i32) -> (i32, i32) {
    %c0_i32 = arith.constant 0 : i32
    %c0_i32_0 = arith.constant 0 : i32
    return %arg0, %c0_i32 : i32, i32
  }
}

</mosaic_0001>

<sc_bundles>
// kernel: kernel.10.cloned.1.call-start
scs
__scs_entry_jumppad:
0x0: {  	(pc) =	sbr.rel $0x88, $3  }
0x1: {  	(tag) =	ssettag $0x0;
	lr =	simm.s32 $0x1  }
0x2: {  	[smem:$0x3F9B] =	sst lr;
	_ =	strace $0xD0000000  }
0x3: {  	_ = 	snop  }
0x4: {  	_ = 	snop  }
0x5: {  	_ = 	snop  }
0x6: {  	_ = 	snop  }
0x7: {  	_ = 	snop  }
__scs_overlays_trampoline_lowered:
0x8: {  	[smem:$0x3FAA] =	sst s0  }
0x9: {  	[smem:$0x3FAB] =	sst s1  }
0xa: {  	[smem:$0x3FAC] =	sst s2  }
0xb: {  	[smem:$0x3FAD] =	sst s3  }
0xc: {  	[smem:$0x3FAE] =	sst s4  }
0xd: {  	[smem:$0x3FAF] =	sst s5  }
0xe: {  	[smem:$0x3FB0] =	sst s6  }
0xf: {  	[smem:$0x3FB1] =	sst s7  }
0x10: {  	[smem:$0x3FB2] =	sst s8  }
0x11: {  	[smem:$0x3FB3] =	sst s9;
	s0 =	simm.s32 @!p0 $0x0  }
0x12: {  	s1 =	sld [smem:$0x3F99];
	s0 =	simm.s32 @p0 $0x1  }
0x13: {  	[smem:$0x3FB4] =	sst s0;
	s0 =	simm.s32 @!p1 $0x0  }
0x14: {  	s2 =	sld [smem:$0x3F98];
	s0 =	simm.s32 @p1 $0x1  }
0x15: {  	[smem:$0x3FB5] =	sst s0;
	s0 =	simm.s32 @!p2 $0x0  }
0x16: {  	s3 =	sld [smem:$0x3FDB];
	s0 =	simm.s32 @p2 $0x1  }
0x17: {  	s4 =	simm.s32 $0x1BF5;
	[smem:$0x3FB7] =	sst s0  }
0x18: {  	s0 =	sld [smem:$0x3F9A];
	_ =	swait.ge [sflag:s4], $0x0  }
0x19: {  	s7 =	sld [smem:$0x3F9B]  }
0x1a: {  	s8 =	sadd.s32 $0xFFFFE003, lr  }
0x1b: {  	s9 =	sadd.s32 $0xFFFFFEF7, lr;
	s5 =	simm.s32 $0xFFFFFFFF;
	p2 =	slt.u32 s8, $0xFFFFF086  }
0x1c: {  	p1 =	slt.u32 s9, $0xF7A;
	s5 =	simm.s32 @!p2 $0x0  }
0x1d: {  	s5 =	simm.s32 @p1 $0x1;
	p0 =	seq.s32 s7, s2  }
0x1e: {  	s7 =	smul.u32 @!p0 $0xF7A, s2;
	p2 =	seq.s32 @!p0 s5, $0x0  }
0x1f: {  	s9 =	smul.u32 $0xF7A, s1;
	s8 =	simm.s32 @!p0 $0x1BF5;
	p2 =	por !p2, p0  }
0x20: {  	[sflag:s8] =	ssyncset.s32 @!p0 $0xFFFFF086;
	s6 =	sadd.s32 @!p0 s3, s7;
	s7 =	simm.s32 @!p0 $0x108  }
0x21: {  	s3 =	sadd.s32 s3, s9;
	s6 =	sadd.s32 @!p0 $0x88, s6;
	s7 =	simm.s32 @p2 $0x1082  }
0x22: {  	[simem:s7], [sflag:s8] =	dma.local @!p0 [hbm:s6], $0xF7A  }
0x23: {  	s9 =	sor.u32 $0xD0000000, s2;
	s6 =	simm.s32 $0x108;
	_ =	swait.ge @!p0 [sflag:s8], $0x0  }
0x24: {  	s3 =	sadd.s32 $0x88, s3;
	s6 =	simm.s32 @!p1 $0x1082;
	[sflag:s4] =	ssyncset.s32 $0xFFFFF086  }
0x25: {  	[simem:s6], [sflag:s4] =	dma.local [hbm:s3], $0xF7A  }
0x26: {  	[smem:$0x3F9B] =	sst s1;
	(tag) =	ssettag s2;
	_ =	strace s9  }
0x27: {  	s1 =	sld [smem:$0x3FAB]  }
0x28: {  	s2 =	sld [smem:$0x3FAC]  }
0x29: {  	s4 =	sld [smem:$0x3FAE]  }
0x2a: {  	p0 =	seq.s32 s5, $0x0;
	s5 =	sld [smem:$0x3FAF]  }
0x2b: {  	s6 =	sld [smem:$0x3FB0]  }
0x2c: {  	s7 =	sld [smem:$0x3FB1]  }
0x2d: {  	s3 =	simm.s32 $0x108;
	s8 =	sld [smem:$0x3FB2]  }
0x2e: {  	s3 =	simm.s32 @!p0 $0x1082;
	s9 =	sld [smem:$0x3FB3]  }
0x2f: {  	lr =	sadd.s32 s0, s3;
	s0 =	sld [smem:$0x3FAA]  }
0x30: {  	s3 =	sld [smem:$0x3FAD]  }
0x31: {  	[smem:$0x3FB6] =	sst s10  }
0x32: {  	s10 =	sld [smem:$0x3FB4];
	_ =	sdelay $0x3  }
0x33: {  	p0 =	seq.s32 s10, $0x1;
	s10 =	sld [smem:$0x3FB6];
	_ =	sdelay $0x3  }
0x34: {  	[smem:$0x3FB6] =	sst s10  }
0x35: {  	s10 =	sld [smem:$0x3FB5];
	_ =	sdelay $0x3  }
0x36: {  	p1 =	seq.s32 s10, $0x1;
	s10 =	sld [smem:$0x3FB6];
	_ =	sdelay $0x3  }
0x37: {  	[smem:$0x3FB6] =	sst s10  }
0x38: {  	s10 =	sld [smem:$0x3FB7]  }
0x39: {  	_ = 	snop;
	(pc) =	sbr.ind lr, $3  }
0x3a: {  	_ = 	snop  }
0x3b: {  	_ = 	snop  }
0x3c: {  	p2 =	seq.s32 s10, $0x1;
	s10 =	sld [smem:$0x3FB6]  }
0x3d: {  	_ =	shalt  }
0x3e: {  	_ =	shalt  }
0x3f: {  	_ =	shalt  }
0x40: {  	_ =	shalt  }
0x41: {  	_ =	shalt  }
0x42: {  	_ =	shalt  }
0x43: {  	_ =	shalt  }
0x44: {  	_ =	shalt  }
0x45: {  	_ =	shalt  }
0x46: {  	_ =	shalt  }
0x47: {  	_ =	shalt  }
0x48: {  	_ =	shalt  }
0x49: {  	_ =	shalt  }
0x4a: {  	_ =	shalt  }
0x4b: {  	_ =	shalt  }
0x4c: {  	_ =	shalt  }
0x4d: {  	_ =	shalt  }
0x4e: {  	_ =	shalt  }
0x4f: {  	_ =	shalt  }
0x50: {  	_ =	shalt  }
0x51: {  	_ =	shalt  }
0x52: {  	_ =	shalt  }
0x53: {  	_ =	shalt  }
0x54: {  	_ =	shalt  }
0x55: {  	_ =	shalt  }
0x56: {  	_ =	shalt  }
0x57: {  	_ =	shalt  }
0x58: {  	_ =	shalt  }
0x59: {  	_ =	shalt  }
0x5a: {  	_ =	shalt  }
0x5b: {  	_ =	shalt  }
0x5c: {  	_ =	shalt  }
0x5d: {  	_ =	shalt  }
0x5e: {  	_ =	shalt  }
0x5f: {  	_ =	shalt  }
0x60: {  	_ =	shalt  }
0x61: {  	_ =	shalt  }
0x62: {  	_ =	shalt  }
0x63: {  	_ =	shalt  }
0x64: {  	_ =	shalt  }
0x65: {  	_ =	shalt  }
0x66: {  	_ =	shalt  }
0x67: {  	_ =	shalt  }
0x68: {  	_ =	shalt  }
0x69: {  	_ =	shalt  }
0x6a: {  	_ =	shalt  }
0x6b: {  	_ =	shalt  }
0x6c: {  	_ =	shalt  }
0x6d: {  	_ =	shalt  }
0x6e: {  	_ =	shalt  }
0x6f: {  	_ =	shalt  }
0x70: {  	_ =	shalt  }
0x71: {  	_ =	shalt  }
0x72: {  	_ =	shalt  }
0x73: {  	_ =	shalt  }
0x74: {  	_ =	shalt  }
0x75: {  	_ =	shalt  }
0x76: {  	_ =	shalt  }
0x77: {  	_ =	shalt  }
0x78: {  	_ =	shalt  }
0x79: {  	_ =	shalt  }
0x7a: {  	_ =	shalt  }
0x7b: {  	_ =	shalt  }
0x7c: {  	_ =	shalt  }
0x7d: {  	_ =	shalt  }
0x7e: {  	_ =	shalt  }
0x7f: {  	_ =	shalt  }
0x80: {  	_ =	shalt  }
0x81: {  	_ =	shalt  }
0x82: {  	_ =	shalt  }
0x83: {  	_ =	shalt  }
0x84: {  	_ =	shalt  }
0x85: {  	_ =	shalt  }
0x86: {  	_ =	shalt  }
0x87: {  	_ =	shalt  }
.Lfunc_end0:
.L_simem_size_0:
called_computation.1_lowered:
.L_overlay_start_0:
0x88: {  	s2 =	sld [smem:$0x3FD9]  }
0x89: {  	s3 =	sld [smem:$0x3FFE];
	_ =	sdelay $0x1  }
0x8a: {  	s1 =	srdreg.scid  }
0x8b: {  	s0 =	sand.u32 $0x1, s1  }
0x8c: {  	s17 =	sshll.u32 s0, $0xA;
	s2 =	sadd.s32 s3, s2  }
0x8d: {  	s2 =	sadd.s32 s2, s17  }
0x8e: {  	[smem:$0x3FC2] =	sst s2  }
0x8f: {  	_ = 	snop  }
0x90: {  	s2 =	sld [smem:$0x3FD0];
	(tm) =	ssettm $0x1  }
0x91: {  	s18 =	sld [smem:$0x3FFB];
	_ =	sdelay $0x3  }
0x92: {  	_ =	strace s18  }
0x93: {  	s3 =	sld [smem:$0x3FFC];
	_ =	sdelay $0x3  }
0x94: {  	_ =	strace s3  }
0x95: {  	s3 =	sld [smem:$0x3FFD];
	_ =	sdelay $0x3  }
0x96: {  	_ =	strace s3  }
0x97: {  	_ =	strace $0x8FFFFFFF  }
0x98: {  	s19 =	sld [smem:$0x3FDB];
	_ =	sdelay $0x1  }
0x99: {  	s4 =	simm.s32 $_scs_section_size  }
0x9a: {  	s5 =	simm.s32 $_size__tile_overlayer_lowered;
	s6 =	simm.s32 $_tile_overlayer_lowered  }
0x9b: {  	s22 =	simm.s32 $0x1BFF;
	s21 =	sshll.u32 s6, $0x1;
	s3 =	sadd.s32 s4, s19  }
0x9c: {  	s7 =	simm.s32 $0x0;
	s20 =	sshll.u32 s5, $0x1;
	s5 =	sadd.s32 s21, s3  }
0x9d: {  	[timem:s7], [sflag:s22] =	dma.local [hbm:s5], s20  }
0x9e: {  	_ =	swait.ge [sflag:s22], s20  }
0x9f: {  	s4 =	ssub.s32 $0x0, s20;
	[sflag:s22] =	ssyncset.done $0x0  }
0xa0: {  	[sflag:s22] =	ssyncadd.s32 s4;
	_ =	sdelay $0x1  }
0xa1: {  	s23 =	simm.s32 $0x1B8B  }
0xa2: {  	_ =	swait.ge [sflag:s23], $0x1  }
0xa3: {  	[sflag:s23] =	ssyncset.done $0x0  }
0xa4: {  	s25 =	simm.s32 $0x1B8E;
	s24 =	sld [smem:$0x3FFE];
	[sflag:s23] =	ssyncadd.s32 $0xFFFFFFFF  }
0xa5: {  	s26 =	simm.s32 $execute0_lowered;
	[smem:$0x3FD2] =	sst s25  }
0xa6: {  	s5 =	sshll.u32 s26, $0x1;
	_ =	strace $0x80000049;
	[dreg:$0x1] =	wrdreg $0xFFFFFFFF  }
0xa7: {  	s28 =	simm.s32 $_size_execute0_lowered;
	s3 =	sadd.s32 s3, s5;
	[dreg:$0x0] =	wrdreg $0x0  }
0xa8: {  	s5 =	sshll.u32 s28, $0x1;
	[dreg:$0x2] =	wrdreg s3  }
0xa9: {  	[dreg:$0x3] =	wrdreg s5  }
0xaa: {  	[dreg:$0x4] =	wrdreg $0xC0  }
0xab: {  	_ =	task [dreg:s7], $0x5FFFF  }
0xac: {  	[dreg:$0x1] =	wrdreg $0xFFFFFFFF  }
0xad: {  	[dreg:$0x0] =	wrdreg $0x60  }
0xae: {  	[dreg:$0x2] =	wrdreg s24  }
0xaf: {  	[dreg:$0x3] =	wrdreg s2  }
0xb0: {  	[dreg:$0x4] =	wrdreg $0xE0000  }
0xb1: {  	[dreg:$0x5] =	wrdreg $0x9  }
0xb2: {  	_ =	task.clear_ibuf [dreg:s7], $0x6FFFF;
	_ =	strace $0x90000049  }
0xb3: {  	s29 =	simm.s32 $0x9;
	_ =	strace $0x8000004B  }
0xb4: {  	_ =	swait.ge [sflag:s29], $0x1  }
0xb5: {  	[sflag:s29] =	ssyncadd.s32 $0xFFFFFFFF  }
0xb6: {  	_ =	strace $0x9000004B  }
0xb7: {  	_ =	sfence  }
0xb8: {  	s30 =	sld [smem:$0x0];
	_ =	sdelay $0x2  }
0xb9: {  	s31 =	sshll.u32 s1, $0xD;
	s1 =	sshrl.u32 s1, $0x2  }
0xba: {  	s3 =	sand.u32 $0x4000, s31;
	s1 =	sadd.s32 s1, s30  }
0xbb: {  	s0 =	sor.u32 s3, s0;
	s1 =	sshll.u32 s1, $0x11  }
0xbc: {  	s0 =	sor.u32 s1, s0  }
0xbd: {  	s0 =	sadd.s32 $0x8F2B, s0  }
0xbe: {  	[sflag:s0] =	ssyncadd.remote.s32 $0x1  }
0xbf: {  	_ =	sfence.sel $0xFFFF  }
0xc0: {  	[dreg:$0x0] =	wrdreg $0xFFFFFFFF;
	(pc) =	sbr.abs _section_cstart, $3  }
0xc1: {  	[dreg:$0x1] =	wrdreg $0xFFFFFFFF  }
0xc2: {  	_ =	task.clear_ibuf [dreg:s7], $0x2FFFF;
	_ =	strace $0x9FFFFFFF  }
0xc3: {  	(tm) =	ssettm $0x7FFFFFFF  }
tec
execute0_lowered:
.L_overlay_start_1:
0x0: {  	(tag) =	ssettag $0x1  }
0x1: {  	s0 =	rddreg [dreg:$0x0]  }
0x2: {  	s1 =	rddreg [dreg:$0x1]  }
0x3: {  	s2 =	rddreg [dreg:$0x2]  }
0x4: {  	s7 =	stileid.u32;
	s3 =	simm.s32 $0x0;
	s5 =	srdreg.scid  }
0x5: {  	s15 =	simm.s32 $0x3;
	s17 =	simm.s32 $0xB800;
	s18 =	simm.s32 $0x1400  }
0x6: {  	s19 =	simm.s32 $0x200;
	s20 =	simm.s32 $0x2800;
	s21 =	simm.s32 $0x4800  }
0x7: {  	s28 =	simm.s32 $0x1200;
	s29 =	simm.s32 $0x2400;
	s4 =	smul.u32 $0x1400, s7  }
0x8: {  	s30 =	simm.s32 $0x2600;
	s31 =	simm.s32 $0x0;
	s6 =	smul.u32 $0x280, s7  }
0x9: {  	s5 =	sand.u32 $0x1, s5;
	s9 =	smul.u32 $0x2800, s7;
	[smem:$0x7FF] =	sst s3  }
0xa: {  	p0 =	seq.s32 s5, $0x1;
	s22 =	smul.u32 $0x28000, s5;
	_ =	strace $0x8000004A  }
0xb: {  	s5 =	ssub.s32 $0x2, s5;
	s4 =	sshrl.u32 s4, $0x3;
	s8 =	sshrl.u32 s9, $0x3  }
0xc: {  	s25 =	sshrl.u32 s5, $0x1;
	s4 =	sadd.s32 $0x2800, s4;
	s23 =	sadd.s32 s9, s22  }
0xd: {  	s24 =	sadd.s32 s8, s0;
	s26 =	ssub.s32 s5, s25;
	s7 =	sadd.s32 s1, s8  }
0xe: {  	s9 =	sadd.s32 s9, s2;
	s22 =	simm.s32 $0x1;
	s6 =	smov.u32 @p0 s4  }
0xf: {  	s4 =	sshrl.u32 s23, $0x3;
	s5 =	sadd.s32 $0x7600, s24;
	s11 =	smax.u32 s26, $0x1  }
0x10: {  	s13 =	sadd.s32 s6, s0;
	s10 =	sadd.s32 s4, s0;
	s4 =	sadd.s32 $0x20600, s0  }
0x11: {  	s6 =	sadd.s32 $0xC600, s24;
	s24 =	simm.s32 $0x2;
	s8 =	sadd.s32 s4, s8  }
0x12: {  	s10 =	sadd.s32 $0x16600, s10;
	s12 =	sadd.s32 $0x11600, s13;
	s13 =	sadd.s32 $0x2000, s13  }
.LBB2_1:
0x13: {  	s0 =	simm.s32 $0x6800  }
0x14: {  	[tilespmem:s0], [sflag:$0x3] =	stream.linear.gather [hbm4b:s5+s3], $0x2800, $0x38;
	[tilespmem:$0x10800] =	vst v63  }
0x15: {  	_ =	swait.ge [sflag:s15], $0x2800  }
0x16: {  	[sflag:s15] =	ssyncset.done $0x0  }
0x17: {  	s26 =	simm.s32 $0x9000;
	[sflag:s15] =	ssyncadd.s32 $0xFFFFD800  }
0x18: {  	[tilespmem:s26], [sflag:$0x3] =	stream.linear.gather [hbm4b:s6+s3], $0x2800, $0x38;
	[tilespmem:$0x10800] =	vst v63  }
0x19: {  	_ =	swait.ge [sflag:s15], $0x2800  }
0x1a: {  	[sflag:s15] =	ssyncset.done $0x0  }
0x1b: {  	[sflag:s15] =	ssyncadd.s32 $0xFFFFD800  }
0x1c: {  	[tilespmem:s17], [sflag:$0x3] =	stream.linear.gather [hbm4b:s7+s3], $0x2800, $0x38;
	[tilespmem:$0x10800] =	vst v63  }
0x1d: {  	_ =	swait.ge [sflag:s15], $0x2800  }
0x1e: {  	[sflag:s15] =	ssyncset.done $0x0  }
0x1f: {  	s23 =	simm.s32 $0x0;
	[sflag:s15] =	ssyncadd.s32 $0xFFFFD800  }
0x20: {  	v0 =	vld [tilespmem:s23+$0x6800]  }
0x21: {  	v1 =	vld [tilespmem:s23+$0x9000];
	_ =	sdelay $0x4  }
0x22: {  	v0 =	vadd.f32 v1, v0  }
0x23: {  	s14 =	simm.s32 $0x10  }
0x24: {  	v2 =	vld [tilespmem:s14+$0x9000];
	v0 =	vadd.f32 $-1.000000000e+00, v0  }
0x25: {  	v1 =	vld [tilespmem:s14+$0x6800]  }
0x26: {  	v3 =	vshra.s32 v0, $0x1;
	v5 =	vmul.f32 $5.000000000e-01, v0  }
0x27: {  	v0 =	vsub.s32 $0x5F3759DF, v3  }
0x28: {  	v3 =	vmul.f32 v0, v5;
	_ =	sdelay $0x1  }
0x29: {  	s0 =	simm.s32 $0x20;
	v1 =	vadd.f32 v2, v1;
	v2 =	vmul.f32 v0, v3  }
0x2a: {  	v4 =	vld [tilespmem:s0+$0x9000]  }
0x2b: {  	v1 =	vadd.f32 $-1.000000000e+00, v1;
	v3 =	vld [tilespmem:s0+$0x6800];
	v2 =	vsub.f32 $1.500000000e+00, v2;
	_ =	sdelay $0x1  }
0x2c: {  	v6 =	vshra.s32 v1, $0x1;
	v1 =	vmul.f32 $5.000000000e-01, v1;
	v2 =	vmul.f32 v0, v2  }
0x2d: {  	v6 =	vsub.s32 $0x5F3759DF, v6  }
0x2e: {  	v0 =	vmul.f32 v6, v1;
	v7 =	vmul.f32 v2, v5  }
0x2f: {  	v3 =	vadd.f32 v4, v3  }
0x30: {  	s16 =	simm.s32 $0x30;
	v0 =	vmul.f32 v6, v0;
	v4 =	vmul.f32 v7, v2  }
0x31: {  	v9 =	vld [tilespmem:s16+$0x9000];
	v3 =	vadd.f32 $-1.000000000e+00, v3  }
0x32: {  	v7 =	vld [tilespmem:s16+$0x6800];
	v8 =	vsub.f32 $1.500000000e+00, v0;
	v10 =	vsub.f32 $1.500000000e+00, v4  }
0x33: {  	v0 =	vmul.f32 $5.000000000e-01, v3;
	v4 =	vshra.s32 v3, $0x1  }
0x34: {  	v3 =	vmul.f32 v6, v8;
	v4 =	vsub.s32 $0x5F3759DF, v4;
	v2 =	vmul.f32 v10, v2  }
0x35: {  	v6 =	vmul.f32 v4, v0  }
0x36: {  	v8 =	vmul.f32 v3, v1;
	v10 =	vmul.f32 v2, v5  }
0x37: {  	s1 =	simm.s32 $0x40;
	v7 =	vadd.f32 v9, v7;
	v6 =	vmul.f32 v4, v6  }
0x38: {  	v5 =	vld [tilespmem:s1+$0x6800];
	v11 =	vmul.f32 v8, v3;
	v12 =	vmul.f32 v10, v2  }
0x39: {  	v8 =	vadd.f32 $-1.000000000e+00, v7;
	v7 =	vld [tilespmem:s23+$0xB800];
	v9 =	vsub.f32 $1.500000000e+00, v6  }
0x3a: {  	s25 =	simm.s32 $0x140;
	v6 =	vld [tilespmem:s1+$0x9000];
	v10 =	vsub.f32 $1.500000000e+00, v11;
	v11 =	vsub.f32 $1.500000000e+00, v12  }
.LBB2_2:
0x3b: {  	p0 =	sne.s32 s25, $0x9FC0;
	v12 =	vshra.s32 v8, $0x1;
	v8 =	vmul.f32 $5.000000000e-01, v8;
	v9 =	vmul.f32 v4, v9  }
0x3c: {  	v4 =	vsub.s32 $0x5F3759DF, v12;
	v11 =	vmul.f32 v11, v2;
	v2 =	vmul.f32 v10, v3  }
0x3d: {  	v10 =	vmul.f32 v4, v8;
	v12 =	vmul.f32 v9, v0;
	v3 =	vmov v9  }
.Ltmp0:
0x3e: {  	v9 =	vmul.f32 v2, v1;
	v7 =	vmul.f32 v11, v7;
	v1 =	vmovc v0;
	v0 =	vmov v8;
	(pc) =	sbr.rel @p0 .LBB2_2-.Ltmp0, $4  }
0x3f: {  	s26 =	sshra.s32 s25, $0x2;
	v6 =	vadd.f32 v6, v5;
	v10 =	vmul.f32 v4, v10  }
0x40: {  	v11 =	vmul.f32 v12, v3;
	v5 =	vld [tilespmem:s26+$0x6800];
	v12 =	vmul.f32 v9, v2;
	[tilespmem:s23+$0xB800] =	vst v7;
	s23 =	smov.u32 s14;
	s14 =	smov.u32 s0;
	s0 =	smov.u32 s16  }
0x41: {  	s16 =	smov.u32 s1;
	s1 =	smov.u32 s26;
	v8 =	vadd.f32 $-1.000000000e+00, v6;
	v9 =	vsub.f32 $1.500000000e+00, v10;
	v7 =	vld [tilespmem:s23+$0xB800]  }
0x42: {  	s25 =	sadd.s32 $0x40, s25;
	v10 =	vsub.f32 $1.500000000e+00, v11;
	v6 =	vld [tilespmem:s1+$0x9000];
	v11 =	vsub.f32 $1.500000000e+00, v12  }
0x43: {  	v12 =	vshra.s32 v8, $0x1;
	v45 =	vmul.f32 $5.000000000e-01, v8;
	v4 =	vmul.f32 v4, v9  }
0x44: {  	v46 =	vsub.s32 $0x5F3759DF, v12;
	v3 =	vmul.f32 v10, v3;
	v2 =	vmul.f32 v11, v2  }
0x45: {  	v47 =	vmul.f32 v46, v45;
	v48 =	vmul.f32 v4, v0  }
0x46: {  	v1 =	vmul.f32 v3, v1;
	v2 =	vmul.f32 v2, v7  }
0x47: {  	v5 =	vadd.f32 v6, v5;
	v49 =	vmul.f32 v46, v47  }
0x48: {  	v50 =	vmul.f32 v48, v4;
	[tilespmem:s23+$0xB800] =	vst v2;
	v1 =	vmul.f32 v1, v3  }
0x49: {  	v5 =	vadd.f32 $-1.000000000e+00, v5;
	v6 =	vsub.f32 $1.500000000e+00, v49;
	v51 =	vld [tilespmem:s14+$0xB800]  }
0x4a: {  	v2 =	vsub.f32 $1.500000000e+00, v50;
	v1 =	vsub.f32 $1.500000000e+00, v1  }
0x4b: {  	v52 =	vshra.s32 v5, $0x1;
	v5 =	vmul.f32 $5.000000000e-01, v5;
	v6 =	vmul.f32 v46, v6  }
0x4c: {  	v2 =	vmul.f32 v2, v4;
	v53 =	vsub.s32 $0x5F3759DF, v52;
	v1 =	vmul.f32 v1, v3  }
0x4d: {  	v54 =	vmul.f32 v53, v5;
	v55 =	vmul.f32 v6, v45  }
0x4e: {  	v56 =	vmul.f32 v2, v0;
	v1 =	vmul.f32 v1, v51  }
0x4f: {  	v3 =	vmul.f32 v53, v54  }
0x50: {  	v57 =	vmul.f32 v55, v6;
	v0 =	vmul.f32 v56, v2;
	[tilespmem:s14+$0xB800] =	vst v1  }
0x51: {  	v3 =	vsub.f32 $1.500000000e+00, v3;
	v58 =	vld [tilespmem:s0+$0xB800]  }
0x52: {  	v1 =	vsub.f32 $1.500000000e+00, v57;
	v0 =	vsub.f32 $1.500000000e+00, v0  }
0x53: {  	v3 =	vmul.f32 v53, v3  }
0x54: {  	v1 =	vmul.f32 v1, v6;
	v0 =	vmul.f32 v0, v2  }
0x55: {  	v59 =	vmul.f32 v3, v5  }
0x56: {  	v6 =	vmul.f32 v1, v45;
	v0 =	vmul.f32 v0, v58;
	_ =	sdelay $0x1  }
0x57: {  	v60 =	vmul.f32 v59, v3;
	v61 =	vmul.f32 v6, v1;
	[tilespmem:s0+$0xB800] =	vst v0  }
0x58: {  	v62 =	vld [tilespmem:s16+$0xB800]  }
0x59: {  	v0 =	vsub.f32 $1.500000000e+00, v60;
	v2 =	vsub.f32 $1.500000000e+00, v61;
	_ =	sdelay $0x1  }
0x5a: {  	v0 =	vmul.f32 v0, v3;
	v1 =	vmul.f32 v2, v1;
	_ =	sdelay $0x1  }
0x5b: {  	v63 =	vmul.f32 v0, v5;
	v1 =	vmul.f32 v1, v62;
	_ =	sdelay $0x1  }
0x5c: {  	v2 =	vmul.f32 v63, v0;
	[tilespmem:s16+$0xB800] =	vst v1  }
0x5d: {  	v1 =	vld [tilespmem:s1+$0xB800]  }
0x5e: {  	v2 =	vsub.f32 $1.500000000e+00, v2;
	_ =	sdelay $0x1  }
0x5f: {  	v0 =	vmul.f32 v2, v0;
	_ =	sdelay $0x1  }
0x60: {  	v0 =	vmul.f32 v0, v1;
	_ =	sdelay $0x1  }
0x61: {  	[tilespmem:s1+$0xB800] =	vst v0  }
0x62: {  	[hbm4b:s8+s3] =	stream.linear.scatter [tilespmem:s17], [sflag:$0x3], $0x2800, $0x38;
	[tilespmem:$0x10800] =	vst v63  }
0x63: {  	_ =	swait.ge [sflag:s15], $0x2800  }
0x64: {  	[sflag:s15] =	ssyncset.done $0x0  }
0x65: {  	[sflag:s15] =	ssyncadd.s32 $0xFFFFD800  }
0x66: {  	[spmem:s9] =	stream.linear.scatter [tilespmem:s17], [sflag:$0x3], $0x2800, $0x38;
	[tilespmem:$0x10800] =	vst v63  }
0x67: {  	_ =	swait.ge [sflag:s15], $0x2800  }
0x68: {  	[sflag:s15] =	ssyncset.done $0x0  }
0x69: {  	[sflag:s15] =	ssyncadd.s32 $0xFFFFD800  }
0x6a: {  	[bflag:$0x0] =	sbarrier.arrive $0xFFFF  }
0x6b: {  	[tilespmem:s3], [sflag:$0x3] =	stream.linear.gather [hbm4b:s12+s3], $0x1400, $0x38;
	[tilespmem:$0x10800] =	vst v63  }
0x6c: {  	_ =	swait.ge [sflag:s15], $0x1400  }
0x6d: {  	[sflag:s15] =	ssyncset.done $0x0  }
0x6e: {  	[sflag:s15] =	ssyncadd.s32 $0xFFFFEC00  }
0x6f: {  	[tilespmem:s18], [sflag:$0x3] =	stream.linear.gather [hbm4b:s13+s3], $0x1400, $0x38;
	[tilespmem:$0x10800] =	vst v63  }
0x70: {  	_ =	swait.ge [sflag:s15], $0x1400  }
0x71: {  	[sflag:s15] =	ssyncset.done $0x0  }
0x72: {  	[sflag:s15] =	ssyncadd.s32 $0xFFFFEC00  }
0x73: {  	[tilespmem:s20], [sflag:$0x1] =	stream.indirect.gather [hbm4b:s4+s19], $0x10, s3, s19, $0xb8;
	[tilespmem:$0x10800] =	vst v63  }
0x74: {  	_ = 	snop  }
0x75: {  	[tilespmem:s21], [sflag:$0x2] =	stream.indirect.gather [hbm4b:s4+s19], $0x10, s19, s19, $0xb8;
	[tilespmem:$0x10800] =	vst v63  }
0x76: {  	_ =	swait.ge [sflag:s22], $0x2000  }
0x77: {  	[sflag:s22] =	ssyncset.done $0x0  }
0x78: {  	[sflag:s22] =	ssyncadd.s32 $0xFFFFE000  }
0x79: {  	[spmem:s2] =	stream.indirect.scatter.add.f32 [tilespmem:s20], [sflag:$0x3], $0x10, s18, s19, $0xb8;
	[tilespmem:$0x10800] =	vst v63  }
0x7a: {  	_ =	swait.ge [sflag:s15], $0x2000  }
0x7b: {  	[sflag:s15] =	ssyncset.done $0x0  }
0x7c: {  	s16 =	simm.s32 $0x400;
	[sflag:s15] =	ssyncadd.s32 $0xFFFFE000  }
0x7d: {  	[tilespmem:s20], [sflag:$0x1] =	stream.indirect.gather [hbm4b:s4+s19], $0x10, s16, s19, $0xb8;
	[tilespmem:$0x10800] =	vst v63  }
0x7e: {  	_ =	swait.ge [sflag:s24], $0x2000  }
0x7f: {  	[sflag:s24] =	ssyncset.done $0x0  }
0x80: {  	s23 =	simm.s32 $0x1600;
	[sflag:s24] =	ssyncadd.s32 $0xFFFFE000  }
0x81: {  	[spmem:s2] =	stream.indirect.scatter.add.f32 [tilespmem:s21], [sflag:$0x3], $0x10, s23, s19, $0xb8;
	[tilespmem:$0x10800] =	vst v63  }
0x82: {  	_ =	swait.ge [sflag:s15], $0x2000  }
0x83: {  	[sflag:s15] =	ssyncset.done $0x0  }
0x84: {  	s25 =	simm.s32 $0x600;
	[sflag:s15] =	ssyncadd.s32 $0xFFFFE000  }
0x85: {  	[tilespmem:s21], [sflag:$0x2] =	stream.indirect.gather [hbm4b:s4+s19], $0x10, s25, s19, $0xb8;
	[tilespmem:$0x10800] =	vst v63  }
0x86: {  	_ =	swait.ge [sflag:s22], $0x2000  }
0x87: {  	[sflag:s22] =	ssyncset.done $0x0  }
0x88: {  	s26 =	simm.s32 $0x1800;
	[sflag:s22] =	ssyncadd.s32 $0xFFFFE000  }
0x89: {  	[spmem:s2] =	stream.indirect.scatter.add.f32 [tilespmem:s20], [sflag:$0x3], $0x10, s26, s19, $0xb8;
	[tilespmem:$0x10800] =	vst v63  }
0x8a: {  	_ =	swait.ge [sflag:s15], $0x2000  }
0x8b: {  	[sflag:s15] =	ssyncset.done $0x0  }
0x8c: {  	s1 =	simm.s32 $0x800;
	[sflag:s15] =	ssyncadd.s32 $0xFFFFE000  }
0x8d: {  	[tilespmem:s20], [sflag:$0x1] =	stream.indirect.gather [hbm4b:s4+s19], $0x10, s1, s19, $0xb8;
	[tilespmem:$0x10800] =	vst v63  }
0x8e: {  	_ =	swait.ge [sflag:s24], $0x2000  }
0x8f: {  	[sflag:s24] =	ssyncset.done $0x0  }
0x90: {  	s14 =	simm.s32 $0x1A00;
	[sflag:s24] =	ssyncadd.s32 $0xFFFFE000  }
0x91: {  	[spmem:s2] =	stream.indirect.scatter.add.f32 [tilespmem:s21], [sflag:$0x3], $0x10, s14, s19, $0xb8;
	[tilespmem:$0x10800] =	vst v63  }
0x92: {  	_ =	swait.ge [sflag:s15], $0x2000  }
0x93: {  	[sflag:s15] =	ssyncset.done $0x0  }
0x94: {  	s16 =	simm.s32 $0xA00;
	[sflag:s15] =	ssyncadd.s32 $0xFFFFE000  }
0x95: {  	[tilespmem:s21], [sflag:$0x2] =	stream.indirect.gather [hbm4b:s4+s19], $0x10, s16, s19, $0xb8;
	[tilespmem:$0x10800] =	vst v63  }
0x96: {  	_ =	swait.ge [sflag:s22], $0x2000  }
0x97: {  	[sflag:s22] =	ssyncset.done $0x0  }
0x98: {  	s23 =	simm.s32 $0x1C00;
	[sflag:s22] =	ssyncadd.s32 $0xFFFFE000  }
0x99: {  	[spmem:s2] =	stream.indirect.scatter.add.f32 [tilespmem:s20], [sflag:$0x3], $0x10, s23, s19, $0xb8;
	[tilespmem:$0x10800] =	vst v63  }
0x9a: {  	_ =	swait.ge [sflag:s15], $0x2000  }
0x9b: {  	[sflag:s15] =	ssyncset.done $0x0  }
0x9c: {  	s25 =	simm.s32 $0xC00;
	[sflag:s15] =	ssyncadd.s32 $0xFFFFE000  }
0x9d: {  	[tilespmem:s20], [sflag:$0x1] =	stream.indirect.gather [hbm4b:s4+s19], $0x10, s25, s19, $0xb8;
	[tilespmem:$0x10800] =	vst v63  }
0x9e: {  	_ =	swait.ge [sflag:s24], $0x2000  }
0x9f: {  	[sflag:s24] =	ssyncset.done $0x0  }
0xa0: {  	s26 =	simm.s32 $0x1E00;
	[sflag:s24] =	ssyncadd.s32 $0xFFFFE000  }
0xa1: {  	[spmem:s2] =	stream.indirect.scatter.add.f32 [tilespmem:s21], [sflag:$0x3], $0x10, s26, s19, $0xb8;
	[tilespmem:$0x10800] =	vst v63  }
0xa2: {  	_ =	swait.ge [sflag:s15], $0x2000  }
0xa3: {  	[sflag:s15] =	ssyncset.done $0x0  }
0xa4: {  	s1 =	simm.s32 $0xE00;
	[sflag:s15] =	ssyncadd.s32 $0xFFFFE000  }
0xa5: {  	[tilespmem:s21], [sflag:$0x2] =	stream.indirect.gather [hbm4b:s4+s19], $0x10, s1, s19, $0xb8;
	[tilespmem:$0x10800] =	vst v63  }
0xa6: {  	_ =	swait.ge [sflag:s22], $0x2000  }
0xa7: {  	[sflag:s22] =	ssyncset.done $0x0  }
0xa8: {  	s14 =	simm.s32 $0x2000;
	[sflag:s22] =	ssyncadd.s32 $0xFFFFE000  }
0xa9: {  	[spmem:s2] =	stream.indirect.scatter.add.f32 [tilespmem:s20], [sflag:$0x3], $0x10, s14, s19, $0xb8;
	[tilespmem:$0x10800] =	vst v63  }
0xaa: {  	_ =	swait.ge [sflag:s15], $0x2000  }
0xab: {  	[sflag:s15] =	ssyncset.done $0x0  }
0xac: {  	s16 =	simm.s32 $0x1000;
	[sflag:s15] =	ssyncadd.s32 $0xFFFFE000  }
0xad: {  	[tilespmem:s20], [sflag:$0x1] =	stream.indirect.gather [hbm4b:s4+s19], $0x10, s16, s19, $0xb8;
	[tilespmem:$0x10800] =	vst v63  }
0xae: {  	_ =	swait.ge [sflag:s24], $0x2000  }
0xaf: {  	[sflag:s24] =	ssyncset.done $0x0  }
0xb0: {  	s23 =	simm.s32 $0x2200;
	[sflag:s24] =	ssyncadd.s32 $0xFFFFE000  }
0xb1: {  	[spmem:s2] =	stream.indirect.scatter.add.f32 [tilespmem:s21], [sflag:$0x3], $0x10, s23, s19, $0xb8;
	[tilespmem:$0x10800] =	vst v63  }
0xb2: {  	_ =	swait.ge [sflag:s15], $0x2000  }
0xb3: {  	[sflag:s15] =	ssyncset.done $0x0  }
0xb4: {  	[sflag:s15] =	ssyncadd.s32 $0xFFFFE000  }
0xb5: {  	[tilespmem:s21], [sflag:$0x2] =	stream.indirect.gather [hbm4b:s4+s19], $0x10, s28, s19, $0xb8;
	[tilespmem:$0x10800] =	vst v63  }
0xb6: {  	_ =	swait.ge [sflag:s22], $0x2000  }
0xb7: {  	[sflag:s22] =	ssyncset.done $0x0  }
0xb8: {  	[sflag:s22] =	ssyncadd.s32 $0xFFFFE000  }
0xb9: {  	[spmem:s2] =	stream.indirect.scatter.add.f32 [tilespmem:s20], [sflag:$0x3], $0x10, s29, s19, $0xb8;
	[tilespmem:$0x10800] =	vst v63  }
0xba: {  	_ =	swait.ge [sflag:s15], $0x2000  }
0xbb: {  	[sflag:s15] =	ssyncset.done $0x0  }
0xbc: {  	[sflag:s15] =	ssyncadd.s32 $0xFFFFE000  }
0xbd: {  	_ =	swait.ge [sflag:s24], $0x2000  }
0xbe: {  	[sflag:s24] =	ssyncset.done $0x0  }
0xbf: {  	[sflag:s24] =	ssyncadd.s32 $0xFFFFE000  }
0xc0: {  	[spmem:s2] =	stream.indirect.scatter.add.f32 [tilespmem:s21], [sflag:$0x3], $0x10, s30, s19, $0xb8;
	[tilespmem:$0x10800] =	vst v63  }
0xc1: {  	s25 =	stileid.u32;
	_ =	swait.ge [sflag:s15], $0x2000  }
0xc2: {  	s31 =	sadd.s32 $0x1, s31;
	s0 =	sshll.u32 s25, $0x6;
	[sflag:s15] =	ssyncset.done $0x0  }
0xc3: {  	p0 =	sne.s32 s31, s11;
	s0 =	sor.u32 $0x1C03, s0;
	[sflag:s15] =	ssyncadd.s32 $0xFFFFE000  }
.Ltmp1:
0xc4: {  	s26 =	sshrl.u32 s9, $0x3;
	[bflag:$0x0] =	sbarrier.arrive $0xFFFF;
	(pc) =	sbr.rel @p0 .LBB2_1-.Ltmp1, $4  }
0xc5: {  	[hbm:s10], [sflag:s0] =	dma.local [spmem:s26], $0x500  }
0xc6: {  	_ =	swait.ge [sflag:s15], $0x500  }
0xc7: {  	[sflag:s15] =	ssyncset.done $0x0  }
0xc8: {  	[sflag:s15] =	ssyncadd.s32 $0xFFFFFB00  }
0xc9: {  	_ =	sfence.sel $0x180000  }
0xca: {  	[bflag:$0x0] =	sbarrier.arrive $0xFFFF  }
0xcb: {  	_ =	strace $0x9000004A  }
0xcc: {  	s0 =	stileid.u32;
	[bflag:$0x2] =	sbarrier.arrive $0xFFFF  }
0xcd: {  	p0 =	sne.s32 s0, $0x0;
	s0 =	rddreg [dreg:$0x3]  }
0xce: {  	s0 =	sadd.s32 @!p0 $0x100000, s0  }
0xcf: {  	[sflag:s0] =	ssyncadd.tile.s32 @!p0 $0x1;
	_ =	shalt  }
.Lfunc_end2:
_tile_overlayer_lowered:
.L_overlay_start_2:
0xd0: {  	(tag) =	ssettag $0x2  }
0xd1: {  	s0 =	rddreg [dreg:$0x0];
	s2 =	stileid.u32  }
0xd2: {  	s1 =	rddreg [dreg:$0x1];
	p0 =	sne.s32 s2, $0x0  }
0xd3: {  	s3 =	rddreg [dreg:$0x2];
	[bflag:$0x3] =	sbarrier.arrive $0xFFFF;
	s2 =	simm.s32 @!p0 $0x1C03  }
0xd4: {  	[timem:s3], [sflag:s2] =	dma.local @!p0 [hbm:s0], s1  }
0xd5: {  	s0 =	simm.s32 @!p0 $0x3  }
0xd6: {  	_ =	swait.ge @!p0 [sflag:s0], s1  }
0xd7: {  	s1 =	ssub.s32 @!p0 $0x0, s1;
	[sflag:s0] =	ssyncset.done @!p0 $0x0  }
0xd8: {  	[sflag:s0] =	ssyncadd.s32 @!p0 s1  }
0xd9: {  	[bflag:$0x3] =	sbarrier.arrive $0xFFFF  }
0xda: {  	_ =	shalt  }

// kernel: kernel.13.cloned.1.call-start
scs
__scs_entry_jumppad:
0x0: {  	(pc) =	sbr.rel $0x88, $3  }
0x1: {  	(tag) =	ssettag $0x0;
	lr =	simm.s32 $0x1  }
0x2: {  	[smem:$0x3F9B] =	sst lr;
	_ =	strace $0xD0000000  }
0x3: {  	_ = 	snop  }
0x4: {  	_ = 	snop  }
0x5: {  	_ = 	snop  }
0x6: {  	_ = 	snop  }
0x7: {  	_ = 	snop  }
__scs_overlays_trampoline_lowered:
0x8: {  	[smem:$0x3FAA] =	sst s0  }
0x9: {  	[smem:$0x3FAB] =	sst s1  }
0xa: {  	[smem:$0x3FAC] =	sst s2  }
0xb: {  	[smem:$0x3FAD] =	sst s3  }
0xc: {  	[smem:$0x3FAE] =	sst s4  }
0xd: {  	[smem:$0x3FAF] =	sst s5  }
0xe: {  	[smem:$0x3FB0] =	sst s6  }
0xf: {  	[smem:$0x3FB1] =	sst s7  }
0x10: {  	[smem:$0x3FB2] =	sst s8  }
0x11: {  	[smem:$0x3FB3] =	sst s9;
	s0 =	simm.s32 @!p0 $0x0  }
0x12: {  	s1 =	sld [smem:$0x3F99];
	s0 =	simm.s32 @p0 $0x1  }
0x13: {  	[smem:$0x3FB4] =	sst s0;
	s0 =	simm.s32 @!p1 $0x0  }
0x14: {  	s2 =	sld [smem:$0x3F98];
	s0 =	simm.s32 @p1 $0x1  }
0x15: {  	[smem:$0x3FB5] =	sst s0;
	s0 =	simm.s32 @!p2 $0x0  }
0x16: {  	s3 =	sld [smem:$0x3FDB];
	s0 =	simm.s32 @p2 $0x1  }
0x17: {  	s4 =	simm.s32 $0x1BF5;
	[smem:$0x3FB7] =	sst s0  }
0x18: {  	s0 =	sld [smem:$0x3F9A];
	_ =	swait.ge [sflag:s4], $0x0  }
0x19: {  	s7 =	sld [smem:$0x3F9B]  }
0x1a: {  	s8 =	sadd.s32 $0xFFFFE003, lr  }
0x1b: {  	s9 =	sadd.s32 $0xFFFFFEF7, lr;
	s5 =	simm.s32 $0xFFFFFFFF;
	p2 =	slt.u32 s8, $0xFFFFF086  }
0x1c: {  	p1 =	slt.u32 s9, $0xF7A;
	s5 =	simm.s32 @!p2 $0x0  }
0x1d: {  	s5 =	simm.s32 @p1 $0x1;
	p0 =	seq.s32 s7, s2  }
0x1e: {  	s7 =	smul.u32 @!p0 $0xF7A, s2;
	p2 =	seq.s32 @!p0 s5, $0x0  }
0x1f: {  	s9 =	smul.u32 $0xF7A, s1;
	s8 =	simm.s32 @!p0 $0x1BF5;
	p2 =	por !p2, p0  }
0x20: {  	[sflag:s8] =	ssyncset.s32 @!p0 $0xFFFFF086;
	s6 =	sadd.s32 @!p0 s3, s7;
	s7 =	simm.s32 @!p0 $0x108  }
0x21: {  	s3 =	sadd.s32 s3, s9;
	s6 =	sadd.s32 @!p0 $0x88, s6;
	s7 =	simm.s32 @p2 $0x1082  }
0x22: {  	[simem:s7], [sflag:s8] =	dma.local @!p0 [hbm:s6], $0xF7A  }
0x23: {  	s9 =	sor.u32 $0xD0000000, s2;
	s6 =	simm.s32 $0x108;
	_ =	swait.ge @!p0 [sflag:s8], $0x0  }
0x24: {  	s3 =	sadd.s32 $0x88, s3;
	s6 =	simm.s32 @!p1 $0x1082;
	[sflag:s4] =	ssyncset.s32 $0xFFFFF086  }
0x25: {  	[simem:s6], [sflag:s4] =	dma.local [hbm:s3], $0xF7A  }
0x26: {  	[smem:$0x3F9B] =	sst s1;
	(tag) =	ssettag s2;
	_ =	strace s9  }
0x27: {  	s1 =	sld [smem:$0x3FAB]  }
0x28: {  	s2 =	sld [smem:$0x3FAC]  }
0x29: {  	s4 =	sld [smem:$0x3FAE]  }
0x2a: {  	p0 =	seq.s32 s5, $0x0;
	s5 =	sld [smem:$0x3FAF]  }
0x2b: {  	s6 =	sld [smem:$0x3FB0]  }
0x2c: {  	s7 =	sld [smem:$0x3FB1]  }
0x2d: {  	s3 =	simm.s32 $0x108;
	s8 =	sld [smem:$0x3FB2]  }
0x2e: {  	s3 =	simm.s32 @!p0 $0x1082;
	s9 =	sld [smem:$0x3FB3]  }
0x2f: {  	lr =	sadd.s32 s0, s3;
	s0 =	sld [smem:$0x3FAA]  }
0x30: {  	s3 =	sld [smem:$0x3FAD]  }
0x31: {  	[smem:$0x3FB6] =	sst s10  }
0x32: {  	s10 =	sld [smem:$0x3FB4];
	_ =	sdelay $0x3  }
0x33: {  	p0 =	seq.s32 s10, $0x1;
	s10 =	sld [smem:$0x3FB6];
	_ =	sdelay $0x3  }
0x34: {  	[smem:$0x3FB6] =	sst s10  }
0x35: {  	s10 =	sld [smem:$0x3FB5];
	_ =	sdelay $0x3  }
0x36: {  	p1 =	seq.s32 s10, $0x1;
	s10 =	sld [smem:$0x3FB6];
	_ =	sdelay $0x3  }
0x37: {  	[smem:$0x3FB6] =	sst s10  }
0x38: {  	s10 =	sld [smem:$0x3FB7]  }
0x39: {  	_ = 	snop;
	(pc) =	sbr.ind lr, $3  }
0x3a: {  	_ = 	snop  }
0x3b: {  	_ = 	snop  }
0x3c: {  	p2 =	seq.s32 s10, $0x1;
	s10 =	sld [smem:$0x3FB6]  }
0x3d: {  	_ =	shalt  }
0x3e: {  	_ =	shalt  }
0x3f: {  	_ =	shalt  }
0x40: {  	_ =	shalt  }
0x41: {  	_ =	shalt  }
0x42: {  	_ =	shalt  }
0x43: {  	_ =	shalt  }
0x44: {  	_ =	shalt  }
0x45: {  	_ =	shalt  }
0x46: {  	_ =	shalt  }
0x47: {  	_ =	shalt  }
0x48: {  	_ =	shalt  }
0x49: {  	_ =	shalt  }
0x4a: {  	_ =	shalt  }
0x4b: {  	_ =	shalt  }
0x4c: {  	_ =	shalt  }
0x4d: {  	_ =	shalt  }
0x4e: {  	_ =	shalt  }
0x4f: {  	_ =	shalt  }
0x50: {  	_ =	shalt  }
0x51: {  	_ =	shalt  }
0x52: {  	_ =	shalt  }
0x53: {  	_ =	shalt  }
0x54: {  	_ =	shalt  }
0x55: {  	_ =	shalt  }
0x56: {  	_ =	shalt  }
0x57: {  	_ =	shalt  }
0x58: {  	_ =	shalt  }
0x59: {  	_ =	shalt  }
0x5a: {  	_ =	shalt  }
0x5b: {  	_ =	shalt  }
0x5c: {  	_ =	shalt  }
0x5d: {  	_ =	shalt  }
0x5e: {  	_ =	shalt  }
0x5f: {  	_ =	shalt  }
0x60: {  	_ =	shalt  }
0x61: {  	_ =	shalt  }
0x62: {  	_ =	shalt  }
0x63: {  	_ =	shalt  }
0x64: {  	_ =	shalt  }
0x65: {  	_ =	shalt  }
0x66: {  	_ =	shalt  }
0x67: {  	_ =	shalt  }
0x68: {  	_ =	shalt  }
0x69: {  	_ =	shalt  }
0x6a: {  	_ =	shalt  }
0x6b: {  	_ =	shalt  }
0x6c: {  	_ =	shalt  }
0x6d: {  	_ =	shalt  }
0x6e: {  	_ =	shalt  }
0x6f: {  	_ =	shalt  }
0x70: {  	_ =	shalt  }
0x71: {  	_ =	shalt  }
0x72: {  	_ =	shalt  }
0x73: {  	_ =	shalt  }
0x74: {  	_ =	shalt  }
0x75: {  	_ =	shalt  }
0x76: {  	_ =	shalt  }
0x77: {  	_ =	shalt  }
0x78: {  	_ =	shalt  }
0x79: {  	_ =	shalt  }
0x7a: {  	_ =	shalt  }
0x7b: {  	_ =	shalt  }
0x7c: {  	_ =	shalt  }
0x7d: {  	_ =	shalt  }
0x7e: {  	_ =	shalt  }
0x7f: {  	_ =	shalt  }
0x80: {  	_ =	shalt  }
0x81: {  	_ =	shalt  }
0x82: {  	_ =	shalt  }
0x83: {  	_ =	shalt  }
0x84: {  	_ =	shalt  }
0x85: {  	_ =	shalt  }
0x86: {  	_ =	shalt  }
0x87: {  	_ =	shalt  }
.Lfunc_end0:
.L_simem_size_0:
called_computation.2_lowered:
.L_overlay_start_0:
0x88: {  	s2 =	sld [smem:$0x3FD9]  }
0x89: {  	s3 =	sld [smem:$0x3FFE];
	_ =	sdelay $0x1  }
0x8a: {  	s1 =	srdreg.scid  }
0x8b: {  	s0 =	sand.u32 $0x1, s1  }
0x8c: {  	s17 =	sshll.u32 s0, $0xA;
	s2 =	sadd.s32 s3, s2  }
0x8d: {  	s2 =	sadd.s32 s2, s17  }
0x8e: {  	[smem:$0x3FC2] =	sst s2  }
0x8f: {  	_ = 	snop  }
0x90: {  	s2 =	sld [smem:$0x3FC6]  }
0x91: {  	s18 =	sld [smem:$0x3FD0];
	(tm) =	ssettm $0x1  }
0x92: {  	s4 =	sld [smem:$0x3FFB];
	_ =	sdelay $0x3  }
0x93: {  	_ =	strace s4  }
0x94: {  	s4 =	sld [smem:$0x3FFC];
	_ =	sdelay $0x3  }
0x95: {  	_ =	strace s4  }
0x96: {  	s4 =	sld [smem:$0x3FFD];
	_ =	sdelay $0x3  }
0x97: {  	_ =	strace s4  }
0x98: {  	_ =	strace $0x8FFFFFFF  }
0x99: {  	s19 =	sld [smem:$0x3FDB];
	_ =	sdelay $0x1  }
0x9a: {  	s5 =	simm.s32 $_scs_section_size  }
0x9b: {  	s6 =	simm.s32 $_size__tile_overlayer_lowered;
	s7 =	simm.s32 $_tile_overlayer_lowered  }
0x9c: {  	s22 =	simm.s32 $0x1BFF;
	s21 =	sshll.u32 s7, $0x1;
	s4 =	sadd.s32 s5, s19  }
0x9d: {  	s8 =	simm.s32 $0x0;
	s20 =	sshll.u32 s6, $0x1;
	s6 =	sadd.s32 s21, s4  }
0x9e: {  	[timem:s8], [sflag:s22] =	dma.local [hbm:s6], s20  }
0x9f: {  	_ =	swait.ge [sflag:s22], s20  }
0xa0: {  	s5 =	ssub.s32 $0x0, s20;
	[sflag:s22] =	ssyncset.done $0x0  }
0xa1: {  	[sflag:s22] =	ssyncadd.s32 s5;
	_ =	sdelay $0x1  }
0xa2: {  	s23 =	simm.s32 $0x1B8B  }
0xa3: {  	_ =	swait.ge [sflag:s23], $0x1  }
0xa4: {  	[sflag:s23] =	ssyncset.done $0x0  }
0xa5: {  	s25 =	simm.s32 $0x1B8E;
	s24 =	sld [smem:$0x3FFE];
	[sflag:s23] =	ssyncadd.s32 $0xFFFFFFFF  }
0xa6: {  	s26 =	simm.s32 $execute0_lowered;
	[smem:$0x3FD2] =	sst s25  }
0xa7: {  	s6 =	sshll.u32 s26, $0x1;
	_ =	strace $0x8000004C;
	[dreg:$0x1] =	wrdreg $0xFFFFFFFF  }
0xa8: {  	s28 =	simm.s32 $_size_execute0_lowered;
	s4 =	sadd.s32 s4, s6;
	[dreg:$0x0] =	wrdreg $0x0  }
0xa9: {  	s6 =	sshll.u32 s28, $0x1;
	[dreg:$0x2] =	wrdreg s4  }
0xaa: {  	[dreg:$0x3] =	wrdreg s6  }
0xab: {  	[dreg:$0x4] =	wrdreg $0xC0  }
0xac: {  	_ =	task [dreg:s8], $0x5FFFF  }
0xad: {  	[dreg:$0x1] =	wrdreg $0xFFFFFFFF  }
0xae: {  	[dreg:$0x0] =	wrdreg $0x60  }
0xaf: {  	[dreg:$0x2] =	wrdreg s24  }
0xb0: {  	[dreg:$0x3] =	wrdreg s2  }
0xb1: {  	[dreg:$0x4] =	wrdreg s18  }
0xb2: {  	[dreg:$0x5] =	wrdreg $0x130100  }
0xb3: {  	[dreg:$0x6] =	wrdreg $0x9  }
0xb4: {  	_ =	task.clear_ibuf [dreg:s8], $0x7FFFF;
	_ =	strace $0x9000004C  }
0xb5: {  	s29 =	simm.s32 $0x9;
	_ =	strace $0x8000004E  }
0xb6: {  	_ =	swait.ge [sflag:s29], $0x1  }
0xb7: {  	[sflag:s29] =	ssyncadd.s32 $0xFFFFFFFF  }
0xb8: {  	_ =	strace $0x9000004E  }
0xb9: {  	_ =	sfence  }
0xba: {  	s30 =	sld [smem:$0x0];
	_ =	sdelay $0x2  }
0xbb: {  	s31 =	sshll.u32 s1, $0xD;
	s1 =	sshrl.u32 s1, $0x2  }
0xbc: {  	s3 =	sand.u32 $0x4000, s31;
	s1 =	sadd.s32 s1, s30  }
0xbd: {  	s0 =	sor.u32 s3, s0;
	s1 =	sshll.u32 s1, $0x11  }
0xbe: {  	s0 =	sor.u32 s1, s0  }
0xbf: {  	s0 =	sadd.s32 $0x8F2B, s0  }
0xc0: {  	[sflag:s0] =	ssyncadd.remote.s32 $0x1  }
0xc1: {  	_ =	sfence.sel $0xFFFF  }
0xc2: {  	[dreg:$0x0] =	wrdreg $0xFFFFFFFF;
	(pc) =	sbr.abs _section_cstart, $3  }
0xc3: {  	[dreg:$0x1] =	wrdreg $0xFFFFFFFF  }
0xc4: {  	_ =	task.clear_ibuf [dreg:s8], $0x2FFFF;
	_ =	strace $0x9FFFFFFF  }
0xc5: {  	(tm) =	ssettm $0x7FFFFFFF  }
tec
execute0_lowered:
.L_overlay_start_1:
0x0: {  	(tag) =	ssettag $0x1  }
0x1: {  	s0 =	rddreg [dreg:$0x0]  }
0x2: {  	s1 =	rddreg [dreg:$0x2]  }
0x3: {  	s3 =	rddreg [dreg:$0x3];
	s8 =	stileid.u32;
	s4 =	simm.s32 $0x0  }
0x4: {  	s5 =	srdreg.scid;
	s18 =	simm.s32 $0x3;
	s20 =	simm.s32 $0xB800  }
0x5: {  	s28 =	simm.s32 $0x4800;
	s29 =	simm.s32 $0x1;
	s31 =	simm.s32 $0x2  }
0x6: {  	s17 =	simm.s32 $0x2200;
	s19 =	simm.s32 $0x1200;
	s2 =	smul.u32 $0x1400, s8  }
0x7: {  	s21 =	simm.s32 $0x2400;
	s22 =	simm.s32 $0x2600;
	s6 =	smul.u32 $0x280, s8  }
0x8: {  	s7 =	sand.u32 $0x1, s5;
	s12 =	smul.u32 $0x2800, s8;
	[smem:$0x7FF] =	sst s4  }
0x9: {  	s24 =	sadd.s32 $0x7600, s0;
	s10 =	sadd.s32 $0x16600, s0;
	s5 =	sadd.s32 $0x25600, s0  }
0xa: {  	p0 =	seq.s32 s7, $0x1;
	_ =	strace $0x8000004D;
	s25 =	ssub.s32 $0x2, s7  }
0xb: {  	s13 =	smul.u32 $0x28000, s7;
	s2 =	sshrl.u32 s2, $0x3;
	s23 =	sshrl.u32 s12, $0x3  }
0xc: {  	s26 =	sshrl.u32 s25, $0x1;
	s2 =	sadd.s32 $0x2800, s2;
	s9 =	sadd.s32 s23, s0  }
0xd: {  	s11 =	sadd.s32 $0x5000, s23;
	s13 =	sadd.s32 s12, s13;
	s12 =	sadd.s32 s12, s3  }
0xe: {  	s6 =	smov.u32 @p0 s2;
	s7 =	sadd.s32 s24, s11;
	s8 =	sadd.s32 $0x20600, s9  }
0xf: {  	s9 =	sadd.s32 s10, s23;
	s10 =	sadd.s32 s10, s11;
	s11 =	sadd.s32 s5, s23  }
0x10: {  	s30 =	sshrl.u32 s13, $0x3;
	s16 =	sadd.s32 s6, s0;
	s0 =	ssub.s32 s25, s26  }
0x11: {  	s6 =	sadd.s32 s24, s23;
	s13 =	sadd.s32 s1, s30;
	s24 =	simm.s32 $0x1400  }
0x12: {  	s25 =	simm.s32 $0x200;
	s26 =	simm.s32 $0x2800;
	s23 =	simm.s32 $0x0  }
0x13: {  	s14 =	smax.u32 s0, $0x1;
	s15 =	sadd.s32 $0x11600, s16;
	s16 =	sadd.s32 $0x2000, s16  }
.LBB2_1:
0x14: {  	s0 =	simm.s32 $0x6800  }
0x15: {  	[tilespmem:s0], [sflag:$0x3] =	stream.linear.gather [hbm4b:s6+s4], $0x2800, $0x38;
	[tilespmem:$0x15810] =	vst v63  }
0x16: {  	_ =	swait.ge [sflag:s18], $0x2800  }
0x17: {  	[sflag:s18] =	ssyncset.done $0x0  }
0x18: {  	s1 =	simm.s32 $0x9000;
	[sflag:s18] =	ssyncadd.s32 $0xFFFFD800  }
0x19: {  	[tilespmem:s1], [sflag:$0x3] =	stream.linear.gather [hbm4b:s7+s4], $0x2800, $0x38;
	[tilespmem:$0x15810] =	vst v63  }
0x1a: {  	_ =	swait.ge [sflag:s18], $0x2800  }
0x1b: {  	[sflag:s18] =	ssyncset.done $0x0  }
0x1c: {  	[sflag:s18] =	ssyncadd.s32 $0xFFFFD800  }
0x1d: {  	[tilespmem:s20], [sflag:$0x3] =	stream.linear.gather [hbm4b:s8+s4], $0x2800, $0x38;
	[tilespmem:$0x15810] =	vst v63  }
0x1e: {  	_ =	swait.ge [sflag:s18], $0x2800  }
0x1f: {  	[sflag:s18] =	ssyncset.done $0x0  }
0x20: {  	s2 =	simm.s32 $0xE000;
	[sflag:s18] =	ssyncadd.s32 $0xFFFFD800  }
0x21: {  	[tilespmem:s2], [sflag:$0x3] =	stream.linear.gather [hbm4b:s9+s4], $0x2800, $0x38;
	[tilespmem:$0x15810] =	vst v63  }
0x22: {  	_ =	swait.ge [sflag:s18], $0x2800  }
0x23: {  	[sflag:s18] =	ssyncset.done $0x0  }
0x24: {  	s1 =	simm.s32 $0x10800;
	[sflag:s18] =	ssyncadd.s32 $0xFFFFD800  }
0x25: {  	[tilespmem:s1], [sflag:$0x3] =	stream.linear.gather [hbm4b:s10+s4], $0x2800, $0x38;
	[tilespmem:$0x15810] =	vst v63  }
0x26: {  	_ =	swait.ge [sflag:s18], $0x2800  }
0x27: {  	[sflag:s18] =	ssyncset.done $0x0  }
0x28: {  	[sflag:s18] =	ssyncadd.s32 $0xFFFFD800  }
0x29: {  	s1 =	simm.s32 $0x13000;
	s2 =	rddreg [dreg:$0x1]  }
0x2a: {  	[tilespmem:s1], [sflag:$0x3] =	stream.linear.gather [hbm4b:s2+s4], $0x10, $0x38;
	[tilespmem:$0x15810] =	vst v63  }
0x2b: {  	_ =	swait.ge [sflag:s18], $0x10  }
0x2c: {  	[sflag:s18] =	ssyncset.done $0x0  }
0x2d: {  	s2 =	simm.s32 $0x0;
	[sflag:s18] =	ssyncadd.s32 $0xFFFFFFF0  }
0x2e: {  	v0 =	vld [tilespmem:s2+$0x6800]  }
0x2f: {  	v1 =	vld [tilespmem:s2+$0x9000];
	_ =	sdelay $0x4  }
0x30: {  	v0 =	vadd.f32 v1, v0;
	_ =	sdelay $0x1  }
0x31: {  	v0 =	vadd.f32 $-1.000000000e+00, v0;
	_ =	sdelay $0x1  }
0x32: {  	v1 =	vshra.s32 v0, $0x1;
	v5 =	vmul.f32 $5.000000000e-01, v0  }
0x33: {  	v0 =	vsub.s32 $0x5F3759DF, v1  }
0x34: {  	v1 =	vmul.f32 v0, v5;
	_ =	sdelay $0x1  }
0x35: {  	s30 =	simm.s32 $0x10;
	v1 =	vmul.f32 v0, v1  }
0x36: {  	v2 =	vld [tilespmem:s30+$0x6800]  }
0x37: {  	v3 =	vld [tilespmem:s30+$0x9000];
	v1 =	vsub.f32 $1.500000000e+00, v1;
	_ =	sdelay $0x1  }
0x38: {  	v1 =	vmul.f32 v0, v1;
	_ =	sdelay $0x1  }
0x39: {  	v0 =	vmul.f32 v1, v5  }
0x3a: {  	v2 =	vadd.f32 v3, v2  }
0x3b: {  	v0 =	vmul.f32 v0, v1  }
0x3c: {  	v2 =	vadd.f32 $-1.000000000e+00, v2  }
0x3d: {  	v3 =	vsub.f32 $1.500000000e+00, v0  }
0x3e: {  	v4 =	vshra.s32 v2, $0x1;
	v0 =	vmul.f32 $5.000000000e-01, v2  }
0x3f: {  	v2 =	vsub.s32 $0x5F3759DF, v4;
	v4 =	vld [tilespmem:s2+$0x10800];
	v1 =	vmul.f32 v3, v1  }
0x40: {  	v3 =	vld [tilespmem:s2+$0xE000];
	v7 =	vmul.f32 v2, v0  }
0x41: {  	v8 =	vmul.f32 v1, v5  }
0x42: {  	s0 =	simm.s32 $0x20;
	v6 =	vld [tilespmem:s2+$0xB800];
	v7 =	vmul.f32 v2, v7  }
0x43: {  	s1 =	simm.s32 $0xC0;
	v5 =	vld [tilespmem:s0+$0x6800];
	v8 =	vmul.f32 v8, v1  }
.LBB2_2:
0x44: {  	p0 =	sne.s32 s1, $0x9FC0;
	v9 =	vld [tilespmem:s0+$0x9000];
	v7 =	vsub.f32 $1.500000000e+00, v7  }
0x45: {  	v8 =	vsub.f32 $1.500000000e+00, v8;
	v3 =	vadd.f32 v4, v3  }
0x46: {  	v4 =	vmul.f32 v2, v7;
	v2 =	vld [tilespmem:$0x13000]  }
0x47: {  	v7 =	vmul.f32 v8, v1;
	v1 =	vsub.f32 v3, v6  }
0x48: {  	v3 =	vmul.f32 v4, v0  }
0x49: {  	v5 =	vadd.f32 v9, v5;
	v1 =	vmul.f32 v7, v1  }
0x4a: {  	v3 =	vmul.f32 v3, v4  }
0x4b: {  	v5 =	vadd.f32 $-1.000000000e+00, v5;
	v1 =	vadd.f32 v1, v2  }
0x4c: {  	v3 =	vsub.f32 $1.500000000e+00, v3  }
0x4d: {  	v2 =	vshra.s32 v5, $0x1;
	v5 =	vmul.f32 $5.000000000e-01, v5;
	v6 =	vmax.f32 v1, $0.0e+00  }
.Ltmp0:
0x4e: {  	v2 =	vsub.s32 $0x5F3759DF, v2;
	v1 =	vmul.f32 v3, v4;
	v3 =	vld [tilespmem:s30+$0xE000];
	v6 =	vmul.f32 v6, v7;
	(pc) =	sbr.rel @p0 .LBB2_2-.Ltmp0, $4  }
0x4f: {  	v7 =	vmul.f32 v2, v5;
	v4 =	vld [tilespmem:s30+$0x10800]  }
0x50: {  	v8 =	vmul.f32 v1, v0;
	[tilespmem:s2+$0xB800] =	vst v6;
	v0 =	vmov v5;
	s2 =	smov.u32 s30;
	s30 =	smov.u32 s0  }
0x51: {  	s0 =	sshra.s32 s1, $0x2;
	v7 =	vmul.f32 v2, v7;
	v6 =	vld [tilespmem:s2+$0xB800]  }
0x52: {  	s1 =	sadd.s32 $0x40, s1;
	v5 =	vld [tilespmem:s0+$0x6800];
	v8 =	vmul.f32 v8, v1  }
0x53: {  	v9 =	vld [tilespmem:s0+$0x9000];
	v7 =	vsub.f32 $1.500000000e+00, v7  }
0x54: {  	v8 =	vsub.f32 $1.500000000e+00, v8;
	v3 =	vadd.f32 v4, v3  }
0x55: {  	v47 =	vld [tilespmem:$0x13000];
	v2 =	vmul.f32 v2, v7  }
0x56: {  	v1 =	vmul.f32 v8, v1;
	v3 =	vsub.f32 v3, v6  }
0x57: {  	v48 =	vmul.f32 v2, v0  }
0x58: {  	v5 =	vadd.f32 v9, v5;
	v3 =	vmul.f32 v1, v3  }
0x59: {  	v6 =	vmul.f32 v48, v2  }
0x5a: {  	v5 =	vadd.f32 $-1.000000000e+00, v5;
	v3 =	vadd.f32 v3, v47  }
0x5b: {  	v49 =	vsub.f32 $1.500000000e+00, v6  }
0x5c: {  	v50 =	vshra.s32 v5, $0x1;
	v5 =	vmul.f32 $5.000000000e-01, v5;
	v3 =	vmax.f32 v3, $0.0e+00  }
0x5d: {  	v51 =	vld [tilespmem:s30+$0xE000];
	v6 =	vsub.s32 $0x5F3759DF, v50;
	v2 =	vmul.f32 v49, v2;
	v1 =	vmul.f32 v3, v1  }
0x5e: {  	v53 =	vld [tilespmem:s30+$0x10800];
	v52 =	vmul.f32 v6, v5  }
0x5f: {  	[tilespmem:s2+$0xB800] =	vst v1;
	v54 =	vmul.f32 v2, v0  }
0x60: {  	v55 =	vmul.f32 v6, v52;
	v56 =	vld [tilespmem:s30+$0xB800]  }
0x61: {  	v0 =	vmul.f32 v54, v2  }
0x62: {  	v1 =	vsub.f32 $1.500000000e+00, v55  }
0x63: {  	v4 =	vadd.f32 v53, v51;
	v0 =	vsub.f32 $1.500000000e+00, v0  }
0x64: {  	v57 =	vld [tilespmem:$0x13000];
	v1 =	vmul.f32 v6, v1  }
0x65: {  	v0 =	vmul.f32 v0, v2;
	v58 =	vsub.f32 v4, v56  }
0x66: {  	v59 =	vmul.f32 v1, v5  }
0x67: {  	v2 =	vmul.f32 v0, v58  }
0x68: {  	v3 =	vmul.f32 v59, v1  }
0x69: {  	v2 =	vadd.f32 v2, v57  }
0x6a: {  	v3 =	vsub.f32 $1.500000000e+00, v3  }
0x6b: {  	v2 =	vmax.f32 v2, $0.0e+00  }
0x6c: {  	v60 =	vld [tilespmem:s0+$0xE000];
	v1 =	vmul.f32 v3, v1;
	v0 =	vmul.f32 v2, v0  }
0x6d: {  	v61 =	vld [tilespmem:s0+$0x10800]  }
0x6e: {  	v62 =	vmul.f32 v1, v5;
	[tilespmem:s30+$0xB800] =	vst v0  }
0x6f: {  	v0 =	vld [tilespmem:s0+$0xB800]  }
0x70: {  	v4 =	vmul.f32 v62, v1;
	_ =	sdelay $0x1  }
0x71: {  	v2 =	vadd.f32 v61, v60;
	v4 =	vsub.f32 $1.500000000e+00, v4  }
0x72: {  	v63 =	vld [tilespmem:$0x13000]  }
0x73: {  	v1 =	vmul.f32 v4, v1;
	v0 =	vsub.f32 v2, v0;
	_ =	sdelay $0x1  }
0x74: {  	v0 =	vmul.f32 v1, v0;
	_ =	sdelay $0x1  }
0x75: {  	v0 =	vadd.f32 v0, v63;
	_ =	sdelay $0x1  }
0x76: {  	v0 =	vmax.f32 v0, $0.0e+00  }
0x77: {  	v0 =	vmul.f32 v0, v1;
	_ =	sdelay $0x1  }
0x78: {  	[tilespmem:s0+$0xB800] =	vst v0  }
0x79: {  	[hbm4b:s11+s4] =	stream.linear.scatter [tilespmem:s20], [sflag:$0x3], $0x2800, $0x38;
	[tilespmem:$0x15810] =	vst v63  }
0x7a: {  	_ =	swait.ge [sflag:s18], $0x2800  }
0x7b: {  	[sflag:s18] =	ssyncset.done $0x0  }
0x7c: {  	[sflag:s18] =	ssyncadd.s32 $0xFFFFD800  }
0x7d: {  	[spmem:s12] =	stream.linear.scatter [tilespmem:s20], [sflag:$0x3], $0x2800, $0x38;
	[tilespmem:$0x15810] =	vst v63  }
0x7e: {  	_ =	swait.ge [sflag:s18], $0x2800  }
0x7f: {  	[sflag:s18] =	ssyncset.done $0x0  }
0x80: {  	[sflag:s18] =	ssyncadd.s32 $0xFFFFD800  }
0x81: {  	[bflag:$0x0] =	sbarrier.arrive $0xFFFF  }
0x82: {  	[tilespmem:s4], [sflag:$0x3] =	stream.linear.gather [hbm4b:s15+s4], $0x1400, $0x38;
	[tilespmem:$0x15810] =	vst v63  }
0x83: {  	_ =	swait.ge [sflag:s18], $0x1400  }
0x84: {  	[sflag:s18] =	ssyncset.done $0x0  }
0x85: {  	[sflag:s18] =	ssyncadd.s32 $0xFFFFEC00  }
0x86: {  	[tilespmem:s24], [sflag:$0x3] =	stream.linear.gather [hbm4b:s16+s4], $0x1400, $0x38;
	[tilespmem:$0x15810] =	vst v63  }
0x87: {  	_ =	swait.ge [sflag:s18], $0x1400  }
0x88: {  	[sflag:s18] =	ssyncset.done $0x0  }
0x89: {  	[sflag:s18] =	ssyncadd.s32 $0xFFFFEC00  }
0x8a: {  	[tilespmem:s26], [sflag:$0x1] =	stream.indirect.gather [hbm4b:s5+s25], $0x10, s4, s25, $0xb8;
	[tilespmem:$0x15810] =	vst v63  }
0x8b: {  	_ = 	snop  }
0x8c: {  	[tilespmem:s28], [sflag:$0x2] =	stream.indirect.gather [hbm4b:s5+s25], $0x10, s25, s25, $0xb8;
	[tilespmem:$0x15810] =	vst v63  }
0x8d: {  	_ =	swait.ge [sflag:s29], $0x2000  }
0x8e: {  	[sflag:s29] =	ssyncset.done $0x0  }
0x8f: {  	[sflag:s29] =	ssyncadd.s32 $0xFFFFE000  }
0x90: {  	[spmem:s3] =	stream.indirect.scatter.add.f32 [tilespmem:s26], [sflag:$0x3], $0x10, s24, s25, $0xb8;
	[tilespmem:$0x15810] =	vst v63  }
0x91: {  	_ =	swait.ge [sflag:s18], $0x2000  }
0x92: {  	[sflag:s18] =	ssyncset.done $0x0  }
0x93: {  	s2 =	simm.s32 $0x400;
	[sflag:s18] =	ssyncadd.s32 $0xFFFFE000  }
0x94: {  	[tilespmem:s26], [sflag:$0x1] =	stream.indirect.gather [hbm4b:s5+s25], $0x10, s2, s25, $0xb8;
	[tilespmem:$0x15810] =	vst v63  }
0x95: {  	_ =	swait.ge [sflag:s31], $0x2000  }
0x96: {  	[sflag:s31] =	ssyncset.done $0x0  }
0x97: {  	s30 =	simm.s32 $0x1600;
	[sflag:s31] =	ssyncadd.s32 $0xFFFFE000  }
0x98: {  	[spmem:s3] =	stream.indirect.scatter.add.f32 [tilespmem:s28], [sflag:$0x3], $0x10, s30, s25, $0xb8;
	[tilespmem:$0x15810] =	vst v63  }
0x99: {  	_ =	swait.ge [sflag:s18], $0x2000  }
0x9a: {  	[sflag:s18] =	ssyncset.done $0x0  }
0x9b: {  	s1 =	simm.s32 $0x600;
	[sflag:s18] =	ssyncadd.s32 $0xFFFFE000  }
0x9c: {  	[tilespmem:s28], [sflag:$0x2] =	stream.indirect.gather [hbm4b:s5+s25], $0x10, s1, s25, $0xb8;
	[tilespmem:$0x15810] =	vst v63  }
0x9d: {  	_ =	swait.ge [sflag:s29], $0x2000  }
0x9e: {  	[sflag:s29] =	ssyncset.done $0x0  }
0x9f: {  	s2 =	simm.s32 $0x1800;
	[sflag:s29] =	ssyncadd.s32 $0xFFFFE000  }
0xa0: {  	[spmem:s3] =	stream.indirect.scatter.add.f32 [tilespmem:s26], [sflag:$0x3], $0x10, s2, s25, $0xb8;
	[tilespmem:$0x15810] =	vst v63  }
0xa1: {  	_ =	swait.ge [sflag:s18], $0x2000  }
0xa2: {  	[sflag:s18] =	ssyncset.done $0x0  }
0xa3: {  	s30 =	simm.s32 $0x800;
	[sflag:s18] =	ssyncadd.s32 $0xFFFFE000  }
0xa4: {  	[tilespmem:s26], [sflag:$0x1] =	stream.indirect.gather [hbm4b:s5+s25], $0x10, s30, s25, $0xb8;
	[tilespmem:$0x15810] =	vst v63  }
0xa5: {  	_ =	swait.ge [sflag:s31], $0x2000  }
0xa6: {  	[sflag:s31] =	ssyncset.done $0x0  }
0xa7: {  	s1 =	simm.s32 $0x1A00;
	[sflag:s31] =	ssyncadd.s32 $0xFFFFE000  }
0xa8: {  	[spmem:s3] =	stream.indirect.scatter.add.f32 [tilespmem:s28], [sflag:$0x3], $0x10, s1, s25, $0xb8;
	[tilespmem:$0x15810] =	vst v63  }
0xa9: {  	_ =	swait.ge [sflag:s18], $0x2000  }
0xaa: {  	[sflag:s18] =	ssyncset.done $0x0  }
0xab: {  	s2 =	simm.s32 $0xA00;
	[sflag:s18] =	ssyncadd.s32 $0xFFFFE000  }
0xac: {  	[tilespmem:s28], [sflag:$0x2] =	stream.indirect.gather [hbm4b:s5+s25], $0x10, s2, s25, $0xb8;
	[tilespmem:$0x15810] =	vst v63  }
0xad: {  	_ =	swait.ge [sflag:s29], $0x2000  }
0xae: {  	[sflag:s29] =	ssyncset.done $0x0  }
0xaf: {  	s30 =	simm.s32 $0x1C00;
	[sflag:s29] =	ssyncadd.s32 $0xFFFFE000  }
0xb0: {  	[spmem:s3] =	stream.indirect.scatter.add.f32 [tilespmem:s26], [sflag:$0x3], $0x10, s30, s25, $0xb8;
	[tilespmem:$0x15810] =	vst v63  }
0xb1: {  	_ =	swait.ge [sflag:s18], $0x2000  }
0xb2: {  	[sflag:s18] =	ssyncset.done $0x0  }
0xb3: {  	s1 =	simm.s32 $0xC00;
	[sflag:s18] =	ssyncadd.s32 $0xFFFFE000  }
0xb4: {  	[tilespmem:s26], [sflag:$0x1] =	stream.indirect.gather [hbm4b:s5+s25], $0x10, s1, s25, $0xb8;
	[tilespmem:$0x15810] =	vst v63  }
0xb5: {  	_ =	swait.ge [sflag:s31], $0x2000  }
0xb6: {  	[sflag:s31] =	ssyncset.done $0x0  }
0xb7: {  	s2 =	simm.s32 $0x1E00;
	[sflag:s31] =	ssyncadd.s32 $0xFFFFE000  }
0xb8: {  	[spmem:s3] =	stream.indirect.scatter.add.f32 [tilespmem:s28], [sflag:$0x3], $0x10, s2, s25, $0xb8;
	[tilespmem:$0x15810] =	vst v63  }
0xb9: {  	_ =	swait.ge [sflag:s18], $0x2000  }
0xba: {  	[sflag:s18] =	ssyncset.done $0x0  }
0xbb: {  	s30 =	simm.s32 $0xE00;
	[sflag:s18] =	ssyncadd.s32 $0xFFFFE000  }
0xbc: {  	[tilespmem:s28], [sflag:$0x2] =	stream.indirect.gather [hbm4b:s5+s25], $0x10, s30, s25, $0xb8;
	[tilespmem:$0x15810] =	vst v63  }
0xbd: {  	_ =	swait.ge [sflag:s29], $0x2000  }
0xbe: {  	[sflag:s29] =	ssyncset.done $0x0  }
0xbf: {  	s1 =	simm.s32 $0x2000;
	[sflag:s29] =	ssyncadd.s32 $0xFFFFE000  }
0xc0: {  	[spmem:s3] =	stream.indirect.scatter.add.f32 [tilespmem:s26], [sflag:$0x3], $0x10, s1, s25, $0xb8;
	[tilespmem:$0x15810] =	vst v63  }
0xc1: {  	_ =	swait.ge [sflag:s18], $0x2000  }
0xc2: {  	[sflag:s18] =	ssyncset.done $0x0  }
0xc3: {  	s2 =	simm.s32 $0x1000;
	[sflag:s18] =	ssyncadd.s32 $0xFFFFE000  }
0xc4: {  	[tilespmem:s26], [sflag:$0x1] =	stream.indirect.gather [hbm4b:s5+s25], $0x10, s2, s25, $0xb8;
	[tilespmem:$0x15810] =	vst v63  }
0xc5: {  	_ =	swait.ge [sflag:s31], $0x2000  }
0xc6: {  	[sflag:s31] =	ssyncset.done $0x0  }
0xc7: {  	[sflag:s31] =	ssyncadd.s32 $0xFFFFE000  }
0xc8: {  	[spmem:s3] =	stream.indirect.scatter.add.f32 [tilespmem:s28], [sflag:$0x3], $0x10, s17, s25, $0xb8;
	[tilespmem:$0x15810] =	vst v63  }
0xc9: {  	_ =	swait.ge [sflag:s18], $0x2000  }
0xca: {  	[sflag:s18] =	ssyncset.done $0x0  }
0xcb: {  	[sflag:s18] =	ssyncadd.s32 $0xFFFFE000  }
0xcc: {  	[tilespmem:s28], [sflag:$0x2] =	stream.indirect.gather [hbm4b:s5+s25], $0x10, s19, s25, $0xb8;
	[tilespmem:$0x15810] =	vst v63  }
0xcd: {  	_ =	swait.ge [sflag:s29], $0x2000  }
0xce: {  	[sflag:s29] =	ssyncset.done $0x0  }
0xcf: {  	[sflag:s29] =	ssyncadd.s32 $0xFFFFE000  }
0xd0: {  	[spmem:s3] =	stream.indirect.scatter.add.f32 [tilespmem:s26], [sflag:$0x3], $0x10, s21, s25, $0xb8;
	[tilespmem:$0x15810] =	vst v63  }
0xd1: {  	_ =	swait.ge [sflag:s18], $0x2000  }
0xd2: {  	[sflag:s18] =	ssyncset.done $0x0  }
0xd3: {  	[sflag:s18] =	ssyncadd.s32 $0xFFFFE000  }
0xd4: {  	_ =	swait.ge [sflag:s31], $0x2000  }
0xd5: {  	[sflag:s31] =	ssyncset.done $0x0  }
0xd6: {  	[sflag:s31] =	ssyncadd.s32 $0xFFFFE000  }
0xd7: {  	[spmem:s3] =	stream.indirect.scatter.add.f32 [tilespmem:s28], [sflag:$0x3], $0x10, s22, s25, $0xb8;
	[tilespmem:$0x15810] =	vst v63  }
0xd8: {  	s30 =	stileid.u32;
	_ =	swait.ge [sflag:s18], $0x2000  }
0xd9: {  	s23 =	sadd.s32 $0x1, s23;
	s0 =	sshll.u32 s30, $0x6;
	[sflag:s18] =	ssyncset.done $0x0  }
0xda: {  	p0 =	sne.s32 s23, s14;
	s0 =	sor.u32 $0x1C03, s0;
	[sflag:s18] =	ssyncadd.s32 $0xFFFFE000  }
.Ltmp1:
0xdb: {  	s1 =	sshrl.u32 s12, $0x3;
	[bflag:$0x0] =	sbarrier.arrive $0xFFFF;
	(pc) =	sbr.rel @p0 .LBB2_1-.Ltmp1, $4  }
0xdc: {  	[hbm:s13], [sflag:s0] =	dma.local [spmem:s1], $0x500  }
0xdd: {  	_ =	swait.ge [sflag:s18], $0x500  }
0xde: {  	[sflag:s18] =	ssyncset.done $0x0  }
0xdf: {  	[sflag:s18] =	ssyncadd.s32 $0xFFFFFB00  }
0xe0: {  	_ =	sfence.sel $0x180000  }
0xe1: {  	[bflag:$0x0] =	sbarrier.arrive $0xFFFF  }
0xe2: {  	_ =	strace $0x9000004D  }
0xe3: {  	s0 =	stileid.u32;
	[bflag:$0x2] =	sbarrier.arrive $0xFFFF  }
0xe4: {  	p0 =	sne.s32 s0, $0x0;
	s0 =	rddreg [dreg:$0x4]  }
0xe5: {  	s0 =	sadd.s32 @!p0 $0x100000, s0  }
0xe6: {  	[sflag:s0] =	ssyncadd.tile.s32 @!p0 $0x1;
	_ =	shalt  }
.Lfunc_end2:
_tile_overlayer_lowered:
.L_overlay_start_2:
0xe7: {  	(tag) =	ssettag $0x2  }
0xe8: {  	s0 =	rddreg [dreg:$0x0];
	s2 =	stileid.u32  }
0xe9: {  	s1 =	rddreg [dreg:$0x1];
	p0 =	sne.s32 s2, $0x0  }
0xea: {  	s3 =	rddreg [dreg:$0x2];
	[bflag:$0x3] =	sbarrier.arrive $0xFFFF;
	s2 =	simm.s32 @!p0 $0x1C03  }
0xeb: {  	[timem:s3], [sflag:s2] =	dma.local @!p0 [hbm:s0], s1  }
0xec: {  	s0 =	simm.s32 @!p0 $0x3  }
0xed: {  	_ =	swait.ge @!p0 [sflag:s0], s1  }
0xee: {  	s1 =	ssub.s32 @!p0 $0x0, s1;
	[sflag:s0] =	ssyncset.done @!p0 $0x0  }
0xef: {  	[sflag:s0] =	ssyncadd.s32 @!p0 s1  }
0xf0: {  	[bflag:$0x3] =	sbarrier.arrive $0xFFFF  }
0xf1: {  	_ =	shalt  }

// kernel: kernel.7.cloned.1.call-start
scs
__scs_entry_jumppad:
0x0: {  	(pc) =	sbr.rel $0x88, $3  }
0x1: {  	(tag) =	ssettag $0x0;
	lr =	simm.s32 $0x1  }
0x2: {  	[smem:$0x3F9B] =	sst lr;
	_ =	strace $0xD0000000  }
0x3: {  	_ = 	snop  }
0x4: {  	_ = 	snop  }
0x5: {  	_ = 	snop  }
0x6: {  	_ = 	snop  }
0x7: {  	_ = 	snop  }
__scs_overlays_trampoline_lowered:
0x8: {  	[smem:$0x3FAA] =	sst s0  }
0x9: {  	[smem:$0x3FAB] =	sst s1  }
0xa: {  	[smem:$0x3FAC] =	sst s2  }
0xb: {  	[smem:$0x3FAD] =	sst s3  }
0xc: {  	[smem:$0x3FAE] =	sst s4  }
0xd: {  	[smem:$0x3FAF] =	sst s5  }
0xe: {  	[smem:$0x3FB0] =	sst s6  }
0xf: {  	[smem:$0x3FB1] =	sst s7  }
0x10: {  	[smem:$0x3FB2] =	sst s8  }
0x11: {  	[smem:$0x3FB3] =	sst s9;
	s0 =	simm.s32 @!p0 $0x0  }
0x12: {  	s1 =	sld [smem:$0x3F99];
	s0 =	simm.s32 @p0 $0x1  }
0x13: {  	[smem:$0x3FB4] =	sst s0;
	s0 =	simm.s32 @!p1 $0x0  }
0x14: {  	s2 =	sld [smem:$0x3F98];
	s0 =	simm.s32 @p1 $0x1  }
0x15: {  	[smem:$0x3FB5] =	sst s0;
	s0 =	simm.s32 @!p2 $0x0  }
0x16: {  	s3 =	sld [smem:$0x3FDB];
	s0 =	simm.s32 @p2 $0x1  }
0x17: {  	s4 =	simm.s32 $0x1BF5;
	[smem:$0x3FB7] =	sst s0  }
0x18: {  	s0 =	sld [smem:$0x3F9A];
	_ =	swait.ge [sflag:s4], $0x0  }
0x19: {  	s7 =	sld [smem:$0x3F9B]  }
0x1a: {  	s8 =	sadd.s32 $0xFFFFE003, lr  }
0x1b: {  	s9 =	sadd.s32 $0xFFFFFEF7, lr;
	s5 =	simm.s32 $0xFFFFFFFF;
	p2 =	slt.u32 s8, $0xFFFFF086  }
0x1c: {  	p1 =	slt.u32 s9, $0xF7A;
	s5 =	simm.s32 @!p2 $0x0  }
0x1d: {  	s5 =	simm.s32 @p1 $0x1;
	p0 =	seq.s32 s7, s2  }
0x1e: {  	s7 =	smul.u32 @!p0 $0xF7A, s2;
	p2 =	seq.s32 @!p0 s5, $0x0  }
0x1f: {  	s9 =	smul.u32 $0xF7A, s1;
	s8 =	simm.s32 @!p0 $0x1BF5;
	p2 =	por !p2, p0  }
0x20: {  	[sflag:s8] =	ssyncset.s32 @!p0 $0xFFFFF086;
	s6 =	sadd.s32 @!p0 s3, s7;
	s7 =	simm.s32 @!p0 $0x108  }
0x21: {  	s3 =	sadd.s32 s3, s9;
	s6 =	sadd.s32 @!p0 $0x88, s6;
	s7 =	simm.s32 @p2 $0x1082  }
0x22: {  	[simem:s7], [sflag:s8] =	dma.local @!p0 [hbm:s6], $0xF7A  }
0x23: {  	s9 =	sor.u32 $0xD0000000, s2;
	s6 =	simm.s32 $0x108;
	_ =	swait.ge @!p0 [sflag:s8], $0x0  }
0x24: {  	s3 =	sadd.s32 $0x88, s3;
	s6 =	simm.s32 @!p1 $0x1082;
	[sflag:s4] =	ssyncset.s32 $0xFFFFF086  }
0x25: {  	[simem:s6], [sflag:s4] =	dma.local [hbm:s3], $0xF7A  }
0x26: {  	[smem:$0x3F9B] =	sst s1;
	(tag) =	ssettag s2;
	_ =	strace s9  }
0x27: {  	s1 =	sld [smem:$0x3FAB]  }
0x28: {  	s2 =	sld [smem:$0x3FAC]  }
0x29: {  	s4 =	sld [smem:$0x3FAE]  }
0x2a: {  	p0 =	seq.s32 s5, $0x0;
	s5 =	sld [smem:$0x3FAF]  }
0x2b: {  	s6 =	sld [smem:$0x3FB0]  }
0x2c: {  	s7 =	sld [smem:$0x3FB1]  }
0x2d: {  	s3 =	simm.s32 $0x108;
	s8 =	sld [smem:$0x3FB2]  }
0x2e: {  	s3 =	simm.s32 @!p0 $0x1082;
	s9 =	sld [smem:$0x3FB3]  }
0x2f: {  	lr =	sadd.s32 s0, s3;
	s0 =	sld [smem:$0x3FAA]  }
0x30: {  	s3 =	sld [smem:$0x3FAD]  }
0x31: {  	[smem:$0x3FB6] =	sst s10  }
0x32: {  	s10 =	sld [smem:$0x3FB4];
	_ =	sdelay $0x3  }
0x33: {  	p0 =	seq.s32 s10, $0x1;
	s10 =	sld [smem:$0x3FB6];
	_ =	sdelay $0x3  }
0x34: {  	[smem:$0x3FB6] =	sst s10  }
0x35: {  	s10 =	sld [smem:$0x3FB5];
	_ =	sdelay $0x3  }
0x36: {  	p1 =	seq.s32 s10, $0x1;
	s10 =	sld [smem:$0x3FB6];
	_ =	sdelay $0x3  }
0x37: {  	[smem:$0x3FB6] =	sst s10  }
0x38: {  	s10 =	sld [smem:$0x3FB7]  }
0x39: {  	_ = 	snop;
	(pc) =	sbr.ind lr, $3  }
0x3a: {  	_ = 	snop  }
0x3b: {  	_ = 	snop  }
0x3c: {  	p2 =	seq.s32 s10, $0x1;
	s10 =	sld [smem:$0x3FB6]  }
0x3d: {  	_ =	shalt  }
0x3e: {  	_ =	shalt  }
0x3f: {  	_ =	shalt  }
0x40: {  	_ =	shalt  }
0x41: {  	_ =	shalt  }
0x42: {  	_ =	shalt  }
0x43: {  	_ =	shalt  }
0x44: {  	_ =	shalt  }
0x45: {  	_ =	shalt  }
0x46: {  	_ =	shalt  }
0x47: {  	_ =	shalt  }
0x48: {  	_ =	shalt  }
0x49: {  	_ =	shalt  }
0x4a: {  	_ =	shalt  }
0x4b: {  	_ =	shalt  }
0x4c: {  	_ =	shalt  }
0x4d: {  	_ =	shalt  }
0x4e: {  	_ =	shalt  }
0x4f: {  	_ =	shalt  }
0x50: {  	_ =	shalt  }
0x51: {  	_ =	shalt  }
0x52: {  	_ =	shalt  }
0x53: {  	_ =	shalt  }
0x54: {  	_ =	shalt  }
0x55: {  	_ =	shalt  }
0x56: {  	_ =	shalt  }
0x57: {  	_ =	shalt  }
0x58: {  	_ =	shalt  }
0x59: {  	_ =	shalt  }
0x5a: {  	_ =	shalt  }
0x5b: {  	_ =	shalt  }
0x5c: {  	_ =	shalt  }
0x5d: {  	_ =	shalt  }
0x5e: {  	_ =	shalt  }
0x5f: {  	_ =	shalt  }
0x60: {  	_ =	shalt  }
0x61: {  	_ =	shalt  }
0x62: {  	_ =	shalt  }
0x63: {  	_ =	shalt  }
0x64: {  	_ =	shalt  }
0x65: {  	_ =	shalt  }
0x66: {  	_ =	shalt  }
0x67: {  	_ =	shalt  }
0x68: {  	_ =	shalt  }
0x69: {  	_ =	shalt  }
0x6a: {  	_ =	shalt  }
0x6b: {  	_ =	shalt  }
0x6c: {  	_ =	shalt  }
0x6d: {  	_ =	shalt  }
0x6e: {  	_ =	shalt  }
0x6f: {  	_ =	shalt  }
0x70: {  	_ =	shalt  }
0x71: {  	_ =	shalt  }
0x72: {  	_ =	shalt  }
0x73: {  	_ =	shalt  }
0x74: {  	_ =	shalt  }
0x75: {  	_ =	shalt  }
0x76: {  	_ =	shalt  }
0x77: {  	_ =	shalt  }
0x78: {  	_ =	shalt  }
0x79: {  	_ =	shalt  }
0x7a: {  	_ =	shalt  }
0x7b: {  	_ =	shalt  }
0x7c: {  	_ =	shalt  }
0x7d: {  	_ =	shalt  }
0x7e: {  	_ =	shalt  }
0x7f: {  	_ =	shalt  }
0x80: {  	_ =	shalt  }
0x81: {  	_ =	shalt  }
0x82: {  	_ =	shalt  }
0x83: {  	_ =	shalt  }
0x84: {  	_ =	shalt  }
0x85: {  	_ =	shalt  }
0x86: {  	_ =	shalt  }
0x87: {  	_ =	shalt  }
.Lfunc_end0:
.L_simem_size_0:
called_computation_lowered:
.L_overlay_start_0:
0x88: {  	s2 =	sld [smem:$0x3FD9]  }
0x89: {  	s3 =	sld [smem:$0x3FFE];
	_ =	sdelay $0x1  }
0x8a: {  	s1 =	srdreg.scid  }
0x8b: {  	s0 =	sand.u32 $0x1, s1  }
0x8c: {  	s16 =	sshll.u32 s0, $0xA;
	s2 =	sadd.s32 s3, s2  }
0x8d: {  	s2 =	sadd.s32 s2, s16  }
0x8e: {  	[smem:$0x3FC2] =	sst s2  }
0x8f: {  	_ = 	snop  }
0x90: {  	(tm) =	ssettm $0x1  }
0x91: {  	s17 =	sld [smem:$0x3FFB];
	_ =	sdelay $0x3  }
0x92: {  	_ =	strace s17  }
0x93: {  	s2 =	sld [smem:$0x3FFC];
	_ =	sdelay $0x3  }
0x94: {  	_ =	strace s2  }
0x95: {  	s2 =	sld [smem:$0x3FFD];
	_ =	sdelay $0x3  }
0x96: {  	_ =	strace s2  }
0x97: {  	_ =	strace $0x8FFFFFFF  }
0x98: {  	s18 =	sld [smem:$0x3FDB];
	_ =	sdelay $0x1  }
0x99: {  	s19 =	simm.s32 $_scs_section_size  }
0x9a: {  	s4 =	simm.s32 $_size__tile_overlayer_lowered;
	s5 =	simm.s32 $_tile_overlayer_lowered  }
0x9b: {  	s22 =	simm.s32 $0x1BFF;
	s21 =	sshll.u32 s5, $0x1;
	s2 =	sadd.s32 s19, s18  }
0x9c: {  	s6 =	simm.s32 $0x0;
	s20 =	sshll.u32 s4, $0x1;
	s4 =	sadd.s32 s21, s2  }
0x9d: {  	[timem:s6], [sflag:s22] =	dma.local [hbm:s4], s20  }
0x9e: {  	_ =	swait.ge [sflag:s22], s20  }
0x9f: {  	s3 =	ssub.s32 $0x0, s20;
	[sflag:s22] =	ssyncset.done $0x0  }
0xa0: {  	[sflag:s22] =	ssyncadd.s32 s3;
	_ =	sdelay $0x1  }
0xa1: {  	s23 =	simm.s32 $0x1B8B  }
0xa2: {  	_ =	swait.ge [sflag:s23], $0x1  }
0xa3: {  	[sflag:s23] =	ssyncset.done $0x0  }
0xa4: {  	s25 =	simm.s32 $0x1B8E;
	s24 =	sld [smem:$0x3FFE];
	[sflag:s23] =	ssyncadd.s32 $0xFFFFFFFF  }
0xa5: {  	s26 =	simm.s32 $execute0_lowered;
	[smem:$0x3FD2] =	sst s25  }
0xa6: {  	s4 =	sshll.u32 s26, $0x1;
	_ =	strace $0x80000046;
	[dreg:$0x1] =	wrdreg $0xFFFFFFFF  }
0xa7: {  	s28 =	simm.s32 $_size_execute0_lowered;
	s2 =	sadd.s32 s2, s4;
	[dreg:$0x0] =	wrdreg $0x0  }
0xa8: {  	s4 =	sshll.u32 s28, $0x1;
	[dreg:$0x2] =	wrdreg s2  }
0xa9: {  	[dreg:$0x3] =	wrdreg s4  }
0xaa: {  	[dreg:$0x4] =	wrdreg $0xC0  }
0xab: {  	_ =	task [dreg:s6], $0x5FFFF  }
0xac: {  	[dreg:$0x1] =	wrdreg $0xFFFFFFFF  }
0xad: {  	[dreg:$0x0] =	wrdreg $0x60  }
0xae: {  	[dreg:$0x2] =	wrdreg s24  }
0xaf: {  	[dreg:$0x3] =	wrdreg $0x3C000  }
0xb0: {  	[dreg:$0x4] =	wrdreg $0x9  }
0xb1: {  	_ =	task.clear_ibuf [dreg:s6], $0x5FFFF;
	_ =	strace $0x90000046  }
0xb2: {  	s29 =	simm.s32 $0x9;
	_ =	strace $0x80000048  }
0xb3: {  	_ =	swait.ge [sflag:s29], $0x1  }
0xb4: {  	[sflag:s29] =	ssyncadd.s32 $0xFFFFFFFF  }
0xb5: {  	_ =	strace $0x90000048  }
0xb6: {  	_ =	sfence  }
0xb7: {  	s30 =	sld [smem:$0x0];
	_ =	sdelay $0x2  }
0xb8: {  	s31 =	sshll.u32 s1, $0xD;
	s1 =	sshrl.u32 s1, $0x2  }
0xb9: {  	s3 =	sand.u32 $0x4000, s31;
	s1 =	sadd.s32 s1, s30  }
0xba: {  	s0 =	sor.u32 s3, s0;
	s1 =	sshll.u32 s1, $0x11  }
0xbb: {  	s0 =	sor.u32 s1, s0  }
0xbc: {  	s0 =	sadd.s32 $0x8F2B, s0  }
0xbd: {  	[sflag:s0] =	ssyncadd.remote.s32 $0x1  }
0xbe: {  	_ =	sfence.sel $0xFFFF  }
0xbf: {  	[dreg:$0x0] =	wrdreg $0xFFFFFFFF;
	(pc) =	sbr.abs _section_cstart, $3  }
0xc0: {  	[dreg:$0x1] =	wrdreg $0xFFFFFFFF  }
0xc1: {  	_ =	task.clear_ibuf [dreg:s6], $0x2FFFF;
	_ =	strace $0x9FFFFFFF  }
0xc2: {  	(tm) =	ssettm $0x7FFFFFFF  }
0xc3: {  	_ =	shalt  }
tec
execute0_lowered:
.L_overlay_start_1:
0x0: {  	(tag) =	ssettag $0x1  }
0x1: {  	s19 =	rddreg [dreg:$0x0]  }
0x2: {  	s2 =	rddreg [dreg:$0x1]  }
0x3: {  	s0 =	rddreg [dreg:$0x2];
	s3 =	simm.s32 $0x0;
	s1 =	stileid.u32  }
0x4: {  	s6 =	simm.s32 $0x1400;
	s5 =	simm.s32 $0x2;
	[smem:$0x7FF] =	sst s3  }
0x5: {  	s7 =	smul.u32 $0x1400, s1;
	s4 =	sadd.s32 $0x7000, s19;
	_ =	strace $0x80000047  }
0x6: {  	[tilespmem:s6], [sflag:$0x2] =	stream.linear.gather [hbm4b:s4+s3], $0x2800, $0x38;
	[tilespmem:$0x6400] =	vst v63  }
0x7: {  	s8 =	srdreg.scid;
	s21 =	smul.u32 $0x2800, s1;
	_ =	swait.ge [sflag:s5], $0x2800  }
0x8: {  	s20 =	sand.u32 $0x1, s8;
	s8 =	smul.u32 $0x280, s1;
	[sflag:s5] =	ssyncset.done $0x0  }
0x9: {  	s9 =	sshrl.u32 s7, $0x3;
	s7 =	sadd.s32 s21, s2;
	[sflag:s5] =	ssyncadd.s32 $0xFFFFD800  }
0xa: {  	[spmem:s7] =	stream.linear.scatter [tilespmem:s6], [sflag:$0x2], $0x2800, $0x38;
	[tilespmem:$0x6400] =	vst v63  }
0xb: {  	p0 =	seq.s32 s20, $0x1;
	s9 =	sadd.s32 $0x2800, s9;
	_ =	swait.ge [sflag:s5], $0x2800  }
0xc: {  	s8 =	smov.u32 @p0 s9;
	[sflag:s5] =	ssyncset.done $0x0  }
0xd: {  	s8 =	sadd.s32 s8, s19;
	[sflag:s5] =	ssyncadd.s32 $0xFFFFD800  }
0xe: {  	s8 =	sadd.s32 $0x2000, s8;
	[bflag:$0x0] =	sbarrier.arrive $0xFFFF  }
0xf: {  	[tilespmem:s3], [sflag:$0x2] =	stream.linear.gather [hbm4b:s8+s3], $0x1400, $0x38;
	[tilespmem:$0x6400] =	vst v63  }
0x10: {  	_ =	swait.ge [sflag:s5], $0x1400  }
0x11: {  	[sflag:s5] =	ssyncset.done $0x0  }
0x12: {  	s9 =	simm.s32 $0x200;
	[sflag:s5] =	ssyncadd.s32 $0xFFFFEC00  }
0x13: {  	[spmem:s2] =	stream.indirect.scatter.add.f32 [tilespmem:s6], [sflag:$0x1], $0x10, s3, s9, $0xb8;
	[tilespmem:$0x6400] =	vst v63  }
0x14: {  	_ = 	snop  }
0x15: {  	[spmem:s2] =	stream.indirect.scatter.add.f32 [tilespmem:s6], [sflag:$0x1], $0x10, s9, s9, $0xb8;
	[tilespmem:$0x6400] =	vst v63  }
0x16: {  	s10 =	simm.s32 $0x400  }
0x17: {  	[spmem:s2] =	stream.indirect.scatter.add.f32 [tilespmem:s6], [sflag:$0x1], $0x10, s10, s9, $0xb8;
	[tilespmem:$0x6400] =	vst v63  }
0x18: {  	s11 =	simm.s32 $0x600  }
0x19: {  	[spmem:s2] =	stream.indirect.scatter.add.f32 [tilespmem:s6], [sflag:$0x1], $0x10, s11, s9, $0xb8;
	[tilespmem:$0x6400] =	vst v63  }
0x1a: {  	s12 =	simm.s32 $0x800  }
0x1b: {  	[spmem:s2] =	stream.indirect.scatter.add.f32 [tilespmem:s6], [sflag:$0x1], $0x10, s12, s9, $0xb8;
	[tilespmem:$0x6400] =	vst v63  }
0x1c: {  	s13 =	simm.s32 $0xA00  }
0x1d: {  	[spmem:s2] =	stream.indirect.scatter.add.f32 [tilespmem:s6], [sflag:$0x1], $0x10, s13, s9, $0xb8;
	[tilespmem:$0x6400] =	vst v63  }
0x1e: {  	s14 =	simm.s32 $0xC00  }
0x1f: {  	[spmem:s2] =	stream.indirect.scatter.add.f32 [tilespmem:s6], [sflag:$0x1], $0x10, s14, s9, $0xb8;
	[tilespmem:$0x6400] =	vst v63  }
0x20: {  	s15 =	simm.s32 $0xE00  }
0x21: {  	[spmem:s2] =	stream.indirect.scatter.add.f32 [tilespmem:s6], [sflag:$0x1], $0x10, s15, s9, $0xb8;
	[tilespmem:$0x6400] =	vst v63  }
0x22: {  	s16 =	simm.s32 $0x1000  }
0x23: {  	[spmem:s2] =	stream.indirect.scatter.add.f32 [tilespmem:s6], [sflag:$0x1], $0x10, s16, s9, $0xb8;
	[tilespmem:$0x6400] =	vst v63  }
0x24: {  	s17 =	simm.s32 $0x1200;
	s18 =	simm.s32 $0x1  }
0x25: {  	[spmem:s2] =	stream.indirect.scatter.add.f32 [tilespmem:s6], [sflag:$0x1], $0x10, s17, s9, $0xb8;
	[tilespmem:$0x6400] =	vst v63  }
0x26: {  	_ =	swait.ge [sflag:s18], $0x2000  }
0x27: {  	[sflag:s18] =	ssyncset.done $0x0  }
0x28: {  	[sflag:s18] =	ssyncadd.s32 $0xFFFFE000  }
0x29: {  	_ =	swait.ge [sflag:s18], $0x2000  }
0x2a: {  	[sflag:s18] =	ssyncset.done $0x0  }
0x2b: {  	[sflag:s18] =	ssyncadd.s32 $0xFFFFE000  }
0x2c: {  	_ =	swait.ge [sflag:s18], $0x2000  }
0x2d: {  	[sflag:s18] =	ssyncset.done $0x0  }
0x2e: {  	[sflag:s18] =	ssyncadd.s32 $0xFFFFE000  }
0x2f: {  	_ =	swait.ge [sflag:s18], $0x2000  }
0x30: {  	[sflag:s18] =	ssyncset.done $0x0  }
0x31: {  	[sflag:s18] =	ssyncadd.s32 $0xFFFFE000  }
0x32: {  	_ =	swait.ge [sflag:s18], $0x2000  }
0x33: {  	[sflag:s18] =	ssyncset.done $0x0  }
0x34: {  	[sflag:s18] =	ssyncadd.s32 $0xFFFFE000  }
0x35: {  	_ =	swait.ge [sflag:s18], $0x2000  }
0x36: {  	[sflag:s18] =	ssyncset.done $0x0  }
0x37: {  	[sflag:s18] =	ssyncadd.s32 $0xFFFFE000  }
0x38: {  	_ =	swait.ge [sflag:s18], $0x2000  }
0x39: {  	[sflag:s18] =	ssyncset.done $0x0  }
0x3a: {  	[sflag:s18] =	ssyncadd.s32 $0xFFFFE000  }
0x3b: {  	_ =	swait.ge [sflag:s18], $0x2000  }
0x3c: {  	[sflag:s18] =	ssyncset.done $0x0  }
0x3d: {  	[sflag:s18] =	ssyncadd.s32 $0xFFFFE000  }
0x3e: {  	s22 =	smul.u32 $0x28000, s20;
	s20 =	ssub.s32 $0x2, s20;
	_ =	swait.ge [sflag:s18], $0x2000  }
0x3f: {  	s31 =	sshll.u32 s1, $0x6;
	s29 =	sshrl.u32 s20, $0x1;
	[sflag:s18] =	ssyncset.done $0x0  }
0x40: {  	s21 =	sadd.s32 s21, s22;
	s20 =	ssub.s32 s20, s29;
	[sflag:s18] =	ssyncadd.s32 $0xFFFFE000  }
0x41: {  	s21 =	sshrl.u32 s21, $0x3;
	s30 =	smax.u32 s20, $0x1;
	_ =	swait.ge [sflag:s18], $0x2000  }
0x42: {  	s20 =	sor.u32 $0x1C02, s31;
	p0 =	sne.s32 s30, $0x1;
	[sflag:s18] =	ssyncset.done $0x0  }
.Ltmp0:
0x43: {  	s19 =	sadd.s32 s21, s19;
	[sflag:s18] =	ssyncadd.s32 $0xFFFFE000;
	(pc) =	sbr.rel @!p0 .LBB2_2-.Ltmp0, $4  }
0x44: {  	s21 =	sshrl.u32 s7, $0x3;
	s19 =	sadd.s32 $0x7600, s19;
	[bflag:$0x0] =	sbarrier.arrive $0xFFFF  }
0x45: {  	[hbm:s19], [sflag:s20] =	dma.local [spmem:s21], $0x500  }
0x46: {  	_ =	swait.ge [sflag:s5], $0x500  }
0x47: {  	s22 =	sadd.s32 $0xFFFFFFFF, s30;
	[sflag:s5] =	ssyncset.done $0x0  }
.LBB2_1:
0x48: {  	p0 =	sne.s32 s22, $0x1;
	s22 =	sadd.s32 $0xFFFFFFFF, s22;
	[sflag:s5] =	ssyncadd.s32 $0xFFFFFB00  }
0x49: {  	[tilespmem:s6], [sflag:$0x2] =	stream.linear.gather [hbm4b:s4+s3], $0x2800, $0x38;
	[tilespmem:$0x6400] =	vst v63  }
0x4a: {  	_ =	swait.ge [sflag:s5], $0x2800  }
0x4b: {  	[sflag:s5] =	ssyncset.done $0x0  }
0x4c: {  	[sflag:s5] =	ssyncadd.s32 $0xFFFFD800  }
0x4d: {  	[spmem:s7] =	stream.linear.scatter [tilespmem:s6], [sflag:$0x2], $0x2800, $0x38;
	[tilespmem:$0x6400] =	vst v63  }
0x4e: {  	_ =	swait.ge [sflag:s5], $0x2800  }
0x4f: {  	[sflag:s5] =	ssyncset.done $0x0  }
0x50: {  	[sflag:s5] =	ssyncadd.s32 $0xFFFFD800  }
0x51: {  	[bflag:$0x0] =	sbarrier.arrive $0xFFFF  }
0x52: {  	[tilespmem:s3], [sflag:$0x2] =	stream.linear.gather [hbm4b:s8+s3], $0x1400, $0x38;
	[tilespmem:$0x6400] =	vst v63  }
0x53: {  	_ =	swait.ge [sflag:s5], $0x1400  }
0x54: {  	[sflag:s5] =	ssyncset.done $0x0  }
0x55: {  	[sflag:s5] =	ssyncadd.s32 $0xFFFFEC00  }
0x56: {  	[spmem:s2] =	stream.indirect.scatter.add.f32 [tilespmem:s6], [sflag:$0x1], $0x10, s3, s9, $0xb8;
	[tilespmem:$0x6400] =	vst v63  }
0x57: {  	_ = 	snop  }
0x58: {  	[spmem:s2] =	stream.indirect.scatter.add.f32 [tilespmem:s6], [sflag:$0x1], $0x10, s9, s9, $0xb8;
	[tilespmem:$0x6400] =	vst v63  }
0x59: {  	_ = 	snop  }
0x5a: {  	[spmem:s2] =	stream.indirect.scatter.add.f32 [tilespmem:s6], [sflag:$0x1], $0x10, s10, s9, $0xb8;
	[tilespmem:$0x6400] =	vst v63  }
0x5b: {  	_ = 	snop  }
0x5c: {  	[spmem:s2] =	stream.indirect.scatter.add.f32 [tilespmem:s6], [sflag:$0x1], $0x10, s11, s9, $0xb8;
	[tilespmem:$0x6400] =	vst v63  }
0x5d: {  	_ = 	snop  }
0x5e: {  	[spmem:s2] =	stream.indirect.scatter.add.f32 [tilespmem:s6], [sflag:$0x1], $0x10, s12, s9, $0xb8;
	[tilespmem:$0x6400] =	vst v63  }
0x5f: {  	_ = 	snop  }
0x60: {  	[spmem:s2] =	stream.indirect.scatter.add.f32 [tilespmem:s6], [sflag:$0x1], $0x10, s13, s9, $0xb8;
	[tilespmem:$0x6400] =	vst v63  }
0x61: {  	_ = 	snop  }
0x62: {  	[spmem:s2] =	stream.indirect.scatter.add.f32 [tilespmem:s6], [sflag:$0x1], $0x10, s14, s9, $0xb8;
	[tilespmem:$0x6400] =	vst v63  }
0x63: {  	_ = 	snop  }
0x64: {  	[spmem:s2] =	stream.indirect.scatter.add.f32 [tilespmem:s6], [sflag:$0x1], $0x10, s15, s9, $0xb8;
	[tilespmem:$0x6400] =	vst v63  }
0x65: {  	_ = 	snop  }
0x66: {  	[spmem:s2] =	stream.indirect.scatter.add.f32 [tilespmem:s6], [sflag:$0x1], $0x10, s16, s9, $0xb8;
	[tilespmem:$0x6400] =	vst v63  }
0x67: {  	_ = 	snop  }
0x68: {  	[spmem:s2] =	stream.indirect.scatter.add.f32 [tilespmem:s6], [sflag:$0x1], $0x10, s17, s9, $0xb8;
	[tilespmem:$0x6400] =	vst v63  }
0x69: {  	_ =	swait.ge [sflag:s18], $0x2000  }
0x6a: {  	[sflag:s18] =	ssyncset.done $0x0  }
0x6b: {  	[sflag:s18] =	ssyncadd.s32 $0xFFFFE000  }
0x6c: {  	_ =	swait.ge [sflag:s18], $0x2000  }
0x6d: {  	[sflag:s18] =	ssyncset.done $0x0  }
0x6e: {  	[sflag:s18] =	ssyncadd.s32 $0xFFFFE000  }
0x6f: {  	_ =	swait.ge [sflag:s18], $0x2000  }
0x70: {  	[sflag:s18] =	ssyncset.done $0x0  }
0x71: {  	[sflag:s18] =	ssyncadd.s32 $0xFFFFE000  }
0x72: {  	_ =	swait.ge [sflag:s18], $0x2000  }
0x73: {  	[sflag:s18] =	ssyncset.done $0x0  }
0x74: {  	[sflag:s18] =	ssyncadd.s32 $0xFFFFE000  }
0x75: {  	_ =	swait.ge [sflag:s18], $0x2000  }
0x76: {  	[sflag:s18] =	ssyncset.done $0x0  }
0x77: {  	[sflag:s18] =	ssyncadd.s32 $0xFFFFE000  }
0x78: {  	_ =	swait.ge [sflag:s18], $0x2000  }
0x79: {  	[sflag:s18] =	ssyncset.done $0x0  }
0x7a: {  	[sflag:s18] =	ssyncadd.s32 $0xFFFFE000  }
0x7b: {  	_ =	swait.ge [sflag:s18], $0x2000  }
0x7c: {  	[sflag:s18] =	ssyncset.done $0x0  }
0x7d: {  	[sflag:s18] =	ssyncadd.s32 $0xFFFFE000  }
0x7e: {  	_ =	swait.ge [sflag:s18], $0x2000  }
0x7f: {  	[sflag:s18] =	ssyncset.done $0x0  }
0x80: {  	[sflag:s18] =	ssyncadd.s32 $0xFFFFE000  }
0x81: {  	_ =	swait.ge [sflag:s18], $0x2000  }
0x82: {  	[sflag:s18] =	ssyncset.done $0x0  }
0x83: {  	[sflag:s18] =	ssyncadd.s32 $0xFFFFE000  }
0x84: {  	_ =	swait.ge [sflag:s18], $0x2000  }
0x85: {  	[sflag:s18] =	ssyncset.done $0x0  }
.Ltmp1:
0x86: {  	[sflag:s18] =	ssyncadd.s32 $0xFFFFE000;
	(pc) =	sbr.rel @p0 .LBB2_1-.Ltmp1, $4  }
0x87: {  	[bflag:$0x0] =	sbarrier.arrive $0xFFFF  }
0x88: {  	[hbm:s19], [sflag:s20] =	dma.local [spmem:s21], $0x500  }
0x89: {  	_ =	swait.ge [sflag:s5], $0x500  }
0x8a: {  	[sflag:s5] =	ssyncset.done $0x0  }
.LBB2_2:
0x8b: {  	[sflag:s5] =	ssyncadd.s32 $0xFFFFFB00  }
0x8c: {  	_ =	sfence.sel $0x180000  }
0x8d: {  	[bflag:$0x0] =	sbarrier.arrive $0xFFFF  }
0x8e: {  	p0 =	sne.s32 s1, $0x0;
	_ =	strace $0x90000047  }
0x8f: {  	s0 =	sadd.s32 @!p0 $0x100000, s0;
	[bflag:$0x2] =	sbarrier.arrive $0xFFFF  }
0x90: {  	[sflag:s0] =	ssyncadd.tile.s32 @!p0 $0x1;
	_ =	shalt  }
.Lfunc_end2:
_tile_overlayer_lowered:
.L_overlay_start_2:
0x91: {  	(tag) =	ssettag $0x2  }
0x92: {  	s0 =	rddreg [dreg:$0x0];
	s2 =	stileid.u32  }
0x93: {  	s1 =	rddreg [dreg:$0x1];
	p0 =	sne.s32 s2, $0x0  }
0x94: {  	s3 =	rddreg [dreg:$0x2];
	[bflag:$0x3] =	sbarrier.arrive $0xFFFF;
	s2 =	simm.s32 @!p0 $0x1C02  }
0x95: {  	[timem:s3], [sflag:s2] =	dma.local @!p0 [hbm:s0], s1  }
0x96: {  	s0 =	simm.s32 @!p0 $0x2  }
0x97: {  	_ =	swait.ge @!p0 [sflag:s0], s1  }
0x98: {  	s1 =	ssub.s32 @!p0 $0x0, s1;
	[sflag:s0] =	ssyncset.done @!p0 $0x0  }
0x99: {  	[sflag:s0] =	ssyncadd.s32 @!p0 s1  }
0x9a: {  	[bflag:$0x3] =	sbarrier.arrive $0xFFFF  }
0x9b: {  	_ =	shalt  }

</sc_bundles>
